<compile_context>
chip_gen: v7x
topology: tpu7x:2x2x1
jax: 0.10.2.dev20260603
libtpu: 0.0.44.dev20260713+nightly
codegen_flags: <defaults>
</compile_context>

<pallas_src>
import functools

import jax
import jax.numpy as jnp
from jax import lax
from jax.experimental import pallas as pl
from jax.experimental.pallas import tpu as pltpu
from jax.experimental.pallas import tpu_sc as plsc

_CB = 128
_SG = 2
_NG = 25
_NK = 4


def _gather_kernel(B0, B1, D, NC):
    mesh = plsc.VectorSubcoreMesh(core_axis_name="c", subcore_axis_name="s")
    rpg = _SG * _CB
    obuf_len = _SG * D * _CB

    @functools.partial(
        pl.kernel,
        mesh=mesh,
        out_type=jax.ShapeDtypeStruct((B1, 4, B0 // _CB, 1024), jnp.float32),
        scratch_types=[
            pltpu.VMEM((_CB * B1,), jnp.int32),
            pltpu.VMEM((2, rpg), jnp.int32),
            pltpu.VMEM((2, rpg, D), jnp.float32),
            pltpu.VMEM((obuf_len,), jnp.float32),
            pltpu.SemaphoreType.DMA,
            pltpu.SemaphoreType.DMA,
            pltpu.SemaphoreType.DMA,
        ],
        compiler_params=pltpu.CompilerParams(
            use_tc_tiling_on_sc=False, needs_layout_passes=False
        ),
    )
    def k(idx_hbm, table_hbm, out_hbm, idxs_v, subidx_v, rows_v, obuf_v,
          gsem0, gsem1, out_sem):
        wid = lax.axis_index("s") * NC + lax.axis_index("c")
        b_base = wid * (_NK * _CB)
        lanes = lax.iota(jnp.int32, 16)
        lanes50 = lanes * B1

        def build(g, slot):
            s0 = g * _SG

            def body(i2, c2):
                s_l = i2 // 8
                bl0 = lax.rem(i2, 8) * 16
                pos = lanes50 + (bl0 * B1 + s0 + s_l)
                subidx_v[slot, pl.ds(i2 * 16, 16)] = plsc.load_gather(
                    idxs_v, [pos]
                )
                return c2

            lax.fori_loop(0, rpg // 16, body, 0)

        def gather_start(slot):
            @pl.when(slot == 0)
            def _():
                pltpu.async_copy(
                    table_hbm.at[subidx_v.at[0]], rows_v.at[0], gsem0
                )

            @pl.when(slot == 1)
            def _():
                pltpu.async_copy(
                    table_hbm.at[subidx_v.at[1]], rows_v.at[1], gsem1
                )

        def gather_wait(slot):
            @pl.when(slot == 0)
            def _():
                pltpu.make_async_copy(
                    table_hbm.at[subidx_v.at[0]], rows_v.at[0], gsem0
                ).wait()

            @pl.when(slot == 1)
            def _():
                pltpu.make_async_copy(
                    table_hbm.at[subidx_v.at[1]], rows_v.at[1], gsem1
                ).wait()

        def drain_emits():
            def body(i5, c5):
                pltpu.make_async_copy(
                    obuf_v.at[pl.ds(0, 1024)], out_hbm.at[0, 0, 0], out_sem
                ).wait()
                return c5

            lax.fori_loop(0, _SG * 4, body, 0)

        for kk in range(_NK):
            b0 = b_base + kk * _CB
            bhi = wid * _NK + kk
            pltpu.sync_copy(idx_hbm.at[pl.ds(b0 * B1, _CB * B1)], idxs_v)
            build(0, 0)
            gather_start(0)

            def group(g, carry):
                p = lax.rem(g, 2)
                s0 = g * _SG

                @pl.when(g + 1 < _NG)
                def _():
                    build(g + 1, 1 - p)
                    gather_start(1 - p)

                gather_wait(p)

                @pl.when(g >= 1)
                def _():
                    drain_emits()

                def trans(i3, c3):
                    s_l = i3 // D
                    c = lax.rem(i3, D)
                    cols = jnp.full((16,), c, jnp.int32)
                    robase = s_l * _CB
                    obase = (s_l * 4096 + (c // 8) * 1024
                             + lax.rem(c, 8) * 128)
                    for j2 in range(_CB // 16):
                        rpos = lanes + (robase + j2 * 16)
                        v = plsc.load_gather(rows_v.at[p], [rpos, cols])
                        obuf_v[pl.ds(obase + j2 * 16, 16)] = v
                    return c3

                lax.fori_loop(0, _SG * D, trans, 0)

                def emit(i4, c4):
                    s_l = i4 // 4
                    chi = lax.rem(i4, 4)
                    pltpu.async_copy(
                        obuf_v.at[pl.ds(s_l * 4096 + chi * 1024, 1024)],
                        out_hbm.at[s0 + s_l, chi, bhi],
                        out_sem,
                    )
                    return c4

                lax.fori_loop(0, _SG * 4, emit, 0)
                return carry

            lax.fori_loop(0, _NG, group, 0)
            drain_emits()

    return k


def kernel(token_ids, weight):
    B0, B1 = token_ids.shape
    V, D = weight.shape

    info = plsc.get_sparse_core_info()
    NC = info.num_cores

    idx = token_ids.reshape(B0 * B1).astype(jnp.int32)
    lin = _gather_kernel(B0, B1, D, NC)(idx, weight)
    lin5 = lin.reshape(B1, 4, B0 // _CB, 8, _CB)
    return lin5.transpose((2, 4, 0, 1, 3)).reshape(B0, B1, D)

# --- scband reference (transcript-rebuilt; emitter-appended) ---
"""Pipeline reference for scband-embedding-31361851195573 (READ-ONLY COPY).

The authoritative reference and input builder live on the scoring server;
editing this copy changes nothing except your own understanding.
"""

import jax, jax.numpy as jnp
import numpy as np

NUM_EMBEDDINGS = 1000000
EMBEDDING_DIM = 32

def setup_inputs(seed: int = 0) -> dict:
    key = jax.random.key(seed)
    k_idx, k_w = jax.random.split(key)
    token_ids = jax.random.randint(k_idx, (16384, 50), 0, NUM_EMBEDDINGS, dtype=jnp.int64 if jax.config.jax_enable_x64 else jnp.int32)
    # trunc_normal_(mean=0, std=1) ~ normal truncated to [-2, 2]
    weight = jnp.clip(jax.random.normal(k_w, (NUM_EMBEDDINGS, EMBEDDING_DIM), dtype=jnp.float32), -2.0, 2.0)
    return {"token_ids": token_ids, "weight": weight}

def reference(token_ids, weight):
    # Faithful translation of: return self.weight[token_ids]
    return jnp.take(weight, token_ids, axis=0)

if __name__ == "__main__":
    import jax
    _d = setup_inputs()
    print(jax.jit(kernel)(*tuple(_d.values())))

</pallas_src>

<mosaic_0001>
#map = affine_map<(d0, d1) -> (0)>
#map1 = affine_map<(d0, d1) -> (0, 0)>
#map2 = affine_map<(d0, d1) -> (0, 0, 0, 0)>
module attributes {stable_mosaic.version = 14 : i64} {
  func.func @k(%arg0: i32, %arg1: i32, %arg2: memref<819200xi32, #tpu.memory_space<hbm>>, %arg3: memref<1000000x32xf32, #tpu.memory_space<hbm>>, %arg4: memref<50x4x128x1024xf32, #tpu.memory_space<hbm>>, %arg5: memref<6400xi32, #tpu.memory_space<vmem>>, %arg6: memref<2x256xi32, #tpu.memory_space<vmem>>, %arg7: memref<2x256x32xf32, #tpu.memory_space<vmem>>, %arg8: memref<8192xf32, #tpu.memory_space<vmem>>, %arg9: memref<!tpu.dma_semaphore, #tpu.memory_space<semaphore_mem>>, %arg10: memref<!tpu.dma_semaphore, #tpu.memory_space<semaphore_mem>>, %arg11: memref<!tpu.dma_semaphore, #tpu.memory_space<semaphore_mem>>) attributes {dimension_semantics = [#tpu.dimension_semantics<core_parallel>, #tpu.dimension_semantics<subcore_parallel>], iteration_bounds = array<i64: 2, 16>, scalar_prefetch = 0 : i64, scratch_operands = 7 : i64, tpu.core_type = #tpu.core_type<sc_vector_subcore>, window_params = [{transform_indices = #map}, {transform_indices = #map1}, {transform_indices = #map2}]} {
    %mul3A = arith.constant 2 : i32
    %mul3A_0 = arith.muli %arg1, %mul3A : i32
    %add3A = arith.addi %mul3A_0, %arg0 : i32
    %mul3A_1 = arith.constant 512 : i32
    %mul3A_2 = arith.muli %add3A, %mul3A_1 : i32
    %iota3A = tpu.iota {dimensions = array<i32: 0>} : vector<16xi32>
    %mul3A_3 = arith.constant 50 : i32
    %mul3A_4 = vector.broadcast %mul3A_3 : i32 to vector<16xi32>
    %mul3A_5 = arith.muli %iota3A, %mul3A_4 : vector<16xi32>
    %add3A_6 = arith.constant 0 : i32
    %add3A_7 = arith.addi %mul3A_2, %add3A_6 : i32
    %mul3A_8 = arith.constant 4 : i32
    %mul3A_9 = arith.muli %add3A, %mul3A_8 : i32
    %add3A_10 = arith.constant 0 : i32
    %add3A_11 = arith.addi %mul3A_9, %add3A_10 : i32
    %mul3A_12 = arith.constant 50 : i32
    %mul3A_13 = arith.muli %add3A_7, %mul3A_12 : i32
    "tpu.region"() ({
      %run_scoped3A = tpu.sem_alloc : memref<!tpu.dma_semaphore, #tpu.memory_space<semaphore_mem>>
      %dma_start3A_156 = tpu.memref_slice %arg2[%mul3A_13] : memref<819200xi32, #tpu.memory_space<hbm>> -> memref<6400xi32, #tpu.memory_space<hbm>>
      %dma_start3A_157 = tpu.memref_slice %arg2[%mul3A_13] : memref<819200xi32, #tpu.memory_space<hbm>> -> memref<6400xi32, #tpu.memory_space<hbm>>
      tpu.enqueue_dma source(%dma_start3A_157 : memref<6400xi32, #tpu.memory_space<hbm>>) target(%arg5 : memref<6400xi32, #tpu.memory_space<vmem>>) target_semaphore(%run_scoped3A : memref<!tpu.dma_semaphore, #tpu.memory_space<semaphore_mem>>)
      %dma_wait3A = tpu.memref_slice %arg2[%mul3A_13] : memref<819200xi32, #tpu.memory_space<hbm>> -> memref<6400xi32, #tpu.memory_space<hbm>>
      %dma_wait3A_158 = tpu.memref_slice %arg2[%mul3A_13] : memref<819200xi32, #tpu.memory_space<hbm>> -> memref<6400xi32, #tpu.memory_space<hbm>>
      tpu.wait_dma2 semaphore(%run_scoped3A : memref<!tpu.dma_semaphore, #tpu.memory_space<semaphore_mem>>) src(%dma_wait3A_158 : memref<6400xi32, #tpu.memory_space<hbm>>) dst(%arg5 : memref<6400xi32, #tpu.memory_space<vmem>>)
      tpu.yield
    }) : () -> ()
    %scan3A = arith.constant 0 : i32
    %scan3A_14 = arith.constant 0 : i32
    %scan3A_15 = arith.constant 16 : i32
    %scan3A_16 = arith.addi %scan3A_14, %scan3A_15 : i32
    %scan3A_17 = arith.constant 1 : i32
    scf.for %scan3A_156 = %scan3A_14 to %scan3A_16 step %scan3A_17  : i32 {
      %jit3A = arith.constant 8 : i32
      %div3A = arith.divsi %scan3A_156, %jit3A : i32
      %sign3A = arith.constant 0 : i32
      %sign3A_157 = arith.cmpi sgt, %scan3A_156, %sign3A : i32
      %sign3A_158 = arith.extui %sign3A_157 : i1 to i32
      %sign3A_159 = arith.constant 0 : i32
      %sign3A_160 = arith.cmpi slt, %scan3A_156, %sign3A_159 : i32
      %sign3A_161 = arith.extui %sign3A_160 : i1 to i32
      %sign3A_162 = arith.subi %sign3A_158, %sign3A_161 : i32
      %sign3A_163 = arith.constant 0 : i32
      %sign3A_164 = arith.cmpi sgt, %jit3A, %sign3A_163 : i32
      %sign3A_165 = arith.extui %sign3A_164 : i1 to i32
      %sign3A_166 = arith.constant 0 : i32
      %sign3A_167 = arith.cmpi slt, %jit3A, %sign3A_166 : i32
      %sign3A_168 = arith.extui %sign3A_167 : i1 to i32
      %sign3A_169 = arith.subi %sign3A_165, %sign3A_168 : i32
      %ne3A = arith.cmpi ne, %sign3A_162, %sign3A_169 : i32
      %rem3A = arith.remsi %scan3A_156, %jit3A : i32
      %ne3A_170 = arith.constant 0 : i32
      %ne3A_171 = arith.cmpi ne, %rem3A, %ne3A_170 : i32
      %and3A = arith.andi %ne3A, %ne3A_171 : i1
      %sub3A = arith.constant 1 : i32
      %sub3A_172 = arith.subi %div3A, %sub3A : i32
      %select_n3A = arith.select %and3A, %sub3A_172, %div3A : i32
      %rem3A_173 = arith.constant 8 : i32
      %rem3A_174 = arith.remsi %scan3A_156, %rem3A_173 : i32
      %mul3A_175 = arith.constant 16 : i32
      %mul3A_176 = arith.muli %rem3A_174, %mul3A_175 : i32
      %mul3A_177 = arith.constant 50 : i32
      %mul3A_178 = arith.muli %mul3A_176, %mul3A_177 : i32
      %add3A_179 = arith.constant 0 : i32
      %add3A_180 = arith.addi %mul3A_178, %add3A_179 : i32
      %add3A_181 = arith.addi %add3A_180, %select_n3A : i32
      %add3A_182 = vector.broadcast %add3A_181 : i32 to vector<16xi32>
      %add3A_183 = arith.addi %mul3A_5, %add3A_182 : vector<16xi32>
      %gather3A = tpu.vector_load_idx %arg5[%add3A_183] : memref<6400xi32, #tpu.memory_space<vmem>>[vector<16xi32>], vector<16xi32>,
      %mul3A_184 = arith.constant 16 : i32
      %mul3A_185 = arith.muli %scan3A_156, %mul3A_184 : i32
      %swap3A = arith.constant 0 : i32
      %swap3A_186 = arith.index_cast %swap3A : i32 to index
      %swap3A_187 = arith.index_cast %mul3A_185 : i32 to index
      %swap3A_188 = tpu.vector_load %arg6[%swap3A_186, %swap3A_187] {strides = array<i32>} : memref<2x256xi32, #tpu.memory_space<vmem>>, vector<16xi32>,
      tpu.vector_store %arg6[%swap3A_186, %swap3A_187], %gather3A {strides = array<i32>} : memref<2x256xi32, #tpu.memory_space<vmem>>, vector<16xi32>,
    }
    %scan3A_18 = arith.constant 16 : i32
    %dma_start3A = arith.constant 0 : i32
    %dma_start3A_19 = arith.constant 0 : i32
    %dma_start3A_20 = arith.constant 0 : i32
    %dma_start3A_21 = arith.constant 0 : i32
    %dma_start3A_22 = tpu.memref_slice %arg7[%dma_start3A_19, %dma_start3A_20, %dma_start3A_21] : memref<2x256x32xf32, #tpu.memory_space<vmem>> -> memref<1x256x32xf32, #tpu.memory_space<vmem>>
    %dma_start3A_23 = tpu.memref_squeeze %dma_start3A_22 : memref<1x256x32xf32, #tpu.memory_space<vmem>> -> memref<256x32xf32, #tpu.memory_space<vmem>>
    %dma_start3A_24 = arith.constant 0 : i32
    %dma_start3A_25 = tpu.memref_slice %arg6[%dma_start3A, %dma_start3A_24] : memref<2x256xi32, #tpu.memory_space<vmem>> -> memref<1x256xi32, #tpu.memory_space<vmem>>
    %dma_start3A_26 = tpu.memref_squeeze %dma_start3A_25 : memref<1x256xi32, #tpu.memory_space<vmem>> -> memref<256xi32, #tpu.memory_space<vmem>>
    %dma_start3A_27 = arith.constant 0 : i32
    %dma_start3A_28 = arith.constant 0 : i32
    %dma_start3A_29 = tpu.memref_slice %arg3[%dma_start3A_27, %dma_start3A_28] : memref<1000000x32xf32, #tpu.memory_space<hbm>> -> memref<1000000x32xf32, #tpu.memory_space<hbm>>
    tpu.enqueue_indirect_dma source(%dma_start3A_29 : memref<1000000x32xf32, #tpu.memory_space<hbm>>) target(%dma_start3A_23 : memref<256x32xf32, #tpu.memory_space<vmem>>) offsets(%dma_start3A_26 : memref<256xi32, #tpu.memory_space<vmem>>) semaphore(%arg9 : memref<!tpu.dma_semaphore, #tpu.memory_space<semaphore_mem>>)
    %scan3A_30 = arith.constant 0 : i32
    %scan3A_31 = arith.constant 0 : i32
    %scan3A_32 = arith.constant 25 : i32
    %scan3A_33 = arith.addi %scan3A_31, %scan3A_32 : i32
    %scan3A_34 = arith.constant 1 : i32
    scf.for %scan3A_156 = %scan3A_31 to %scan3A_33 step %scan3A_34  : i32 {
      %rem3A = arith.constant 2 : i32
      %rem3A_157 = arith.remsi %scan3A_156, %rem3A : i32
      %mul3A_158 = arith.constant 2 : i32
      %mul3A_159 = arith.muli %scan3A_156, %mul3A_158 : i32
      %add3A_160 = arith.constant 1 : i32
      %add3A_161 = arith.addi %scan3A_156, %add3A_160 : i32
      %lt3A = arith.constant 25 : i32
      %lt3A_162 = arith.cmpi slt, %add3A_161, %lt3A : i32
      %convert_element_type3A = arith.extui %lt3A_162 : i1 to i32
      %cond3A = arith.constant 0 : i32
      %cond3A_163 = arith.cmpi ne, %convert_element_type3A, %cond3A : i32
      scf.if %cond3A_163 {
        %add3A_189 = arith.constant 1 : i32
        %add3A_190 = arith.addi %scan3A_156, %add3A_189 : i32
        %sub3A = arith.constant 1 : i32
        %sub3A_191 = arith.subi %sub3A, %rem3A_157 : i32
        %mul3A_192 = arith.constant 2 : i32
        %mul3A_193 = arith.muli %add3A_190, %mul3A_192 : i32
        %scan3A_194 = arith.constant 0 : i32
        %scan3A_195 = arith.constant 0 : i32
        %scan3A_196 = arith.constant 16 : i32
        %scan3A_197 = arith.addi %scan3A_195, %scan3A_196 : i32
        %scan3A_198 = arith.constant 1 : i32
        scf.for %scan3A_212 = %scan3A_195 to %scan3A_197 step %scan3A_198  : i32 {
          %jit3A = arith.constant 8 : i32
          %div3A = arith.divsi %scan3A_212, %jit3A : i32
          %sign3A = arith.constant 0 : i32
          %sign3A_213 = arith.cmpi sgt, %scan3A_212, %sign3A : i32
          %sign3A_214 = arith.extui %sign3A_213 : i1 to i32
          %sign3A_215 = arith.constant 0 : i32
          %sign3A_216 = arith.cmpi slt, %scan3A_212, %sign3A_215 : i32
          %sign3A_217 = arith.extui %sign3A_216 : i1 to i32
          %sign3A_218 = arith.subi %sign3A_214, %sign3A_217 : i32
          %sign3A_219 = arith.constant 0 : i32
          %sign3A_220 = arith.cmpi sgt, %jit3A, %sign3A_219 : i32
          %sign3A_221 = arith.extui %sign3A_220 : i1 to i32
          %sign3A_222 = arith.constant 0 : i32
          %sign3A_223 = arith.cmpi slt, %jit3A, %sign3A_222 : i32
          %sign3A_224 = arith.extui %sign3A_223 : i1 to i32
          %sign3A_225 = arith.subi %sign3A_221, %sign3A_224 : i32
          %ne3A = arith.cmpi ne, %sign3A_218, %sign3A_225 : i32
          %rem3A_226 = arith.remsi %scan3A_212, %jit3A : i32
          %ne3A_227 = arith.constant 0 : i32
          %ne3A_228 = arith.cmpi ne, %rem3A_226, %ne3A_227 : i32
          %and3A = arith.andi %ne3A, %ne3A_228 : i1
          %sub3A_229 = arith.constant 1 : i32
          %sub3A_230 = arith.subi %div3A, %sub3A_229 : i32
          %select_n3A = arith.select %and3A, %sub3A_230, %div3A : i32
          %rem3A_231 = arith.constant 8 : i32
          %rem3A_232 = arith.remsi %scan3A_212, %rem3A_231 : i32
          %mul3A_233 = arith.constant 16 : i32
          %mul3A_234 = arith.muli %rem3A_232, %mul3A_233 : i32
          %mul3A_235 = arith.constant 50 : i32
          %mul3A_236 = arith.muli %mul3A_234, %mul3A_235 : i32
          %add3A_237 = arith.addi %mul3A_236, %mul3A_193 : i32
          %add3A_238 = arith.addi %add3A_237, %select_n3A : i32
          %add3A_239 = vector.broadcast %add3A_238 : i32 to vector<16xi32>
          %add3A_240 = arith.addi %mul3A_5, %add3A_239 : vector<16xi32>
          %gather3A = tpu.vector_load_idx %arg5[%add3A_240] : memref<6400xi32, #tpu.memory_space<vmem>>[vector<16xi32>], vector<16xi32>,
          %mul3A_241 = arith.constant 16 : i32
          %mul3A_242 = arith.muli %scan3A_212, %mul3A_241 : i32
          %swap3A = arith.index_cast %sub3A_191 : i32 to index
          %swap3A_243 = arith.index_cast %mul3A_242 : i32 to index
          %swap3A_244 = tpu.vector_load %arg6[%swap3A, %swap3A_243] {strides = array<i32>} : memref<2x256xi32, #tpu.memory_space<vmem>>, vector<16xi32>,
          tpu.vector_store %arg6[%swap3A, %swap3A_243], %gather3A {strides = array<i32>} : memref<2x256xi32, #tpu.memory_space<vmem>>, vector<16xi32>,
        }
        %scan3A_199 = arith.constant 16 : i32
        %sub3A_200 = arith.constant 1 : i32
        %sub3A_201 = arith.subi %sub3A_200, %rem3A_157 : i32
        %eq3A_202 = arith.constant 0 : i32
        %eq3A_203 = arith.cmpi eq, %sub3A_201, %eq3A_202 : i32
        %convert_element_type3A_204 = arith.extui %eq3A_203 : i1 to i32
        %cond3A_205 = arith.constant 0 : i32
        %cond3A_206 = arith.cmpi ne, %convert_element_type3A_204, %cond3A_205 : i32
        scf.if %cond3A_206 {
          %dma_start3A_212 = arith.constant 0 : i32
          %dma_start3A_213 = arith.constant 0 : i32
          %dma_start3A_214 = arith.constant 0 : i32
          %dma_start3A_215 = arith.constant 0 : i32
          %dma_start3A_216 = tpu.memref_slice %arg7[%dma_start3A_213, %dma_start3A_214, %dma_start3A_215] : memref<2x256x32xf32, #tpu.memory_space<vmem>> -> memref<1x256x32xf32, #tpu.memory_space<vmem>>
          %dma_start3A_217 = tpu.memref_squeeze %dma_start3A_216 : memref<1x256x32xf32, #tpu.memory_space<vmem>> -> memref<256x32xf32, #tpu.memory_space<vmem>>
          %dma_start3A_218 = arith.constant 0 : i32
          %dma_start3A_219 = tpu.memref_slice %arg6[%dma_start3A_212, %dma_start3A_218] : memref<2x256xi32, #tpu.memory_space<vmem>> -> memref<1x256xi32, #tpu.memory_space<vmem>>
          %dma_start3A_220 = tpu.memref_squeeze %dma_start3A_219 : memref<1x256xi32, #tpu.memory_space<vmem>> -> memref<256xi32, #tpu.memory_space<vmem>>
          %dma_start3A_221 = arith.constant 0 : i32
          %dma_start3A_222 = arith.constant 0 : i32
          %dma_start3A_223 = tpu.memref_slice %arg3[%dma_start3A_221, %dma_start3A_222] : memref<1000000x32xf32, #tpu.memory_space<hbm>> -> memref<1000000x32xf32, #tpu.memory_space<hbm>>
          tpu.enqueue_indirect_dma source(%dma_start3A_223 : memref<1000000x32xf32, #tpu.memory_space<hbm>>) target(%dma_start3A_217 : memref<256x32xf32, #tpu.memory_space<vmem>>) offsets(%dma_start3A_220 : memref<256xi32, #tpu.memory_space<vmem>>) semaphore(%arg9 : memref<!tpu.dma_semaphore, #tpu.memory_space<semaphore_mem>>)
        } else {
        }
        %eq3A_207 = arith.constant 1 : i32
        %eq3A_208 = arith.cmpi eq, %sub3A_201, %eq3A_207 : i32
        %convert_element_type3A_209 = arith.extui %eq3A_208 : i1 to i32
        %cond3A_210 = arith.constant 0 : i32
        %cond3A_211 = arith.cmpi ne, %convert_element_type3A_209, %cond3A_210 : i32
        scf.if %cond3A_211 {
          %dma_start3A_212 = arith.constant 1 : i32
          %dma_start3A_213 = arith.constant 1 : i32
          %dma_start3A_214 = arith.constant 0 : i32
          %dma_start3A_215 = arith.constant 0 : i32
          %dma_start3A_216 = tpu.memref_slice %arg7[%dma_start3A_213, %dma_start3A_214, %dma_start3A_215] : memref<2x256x32xf32, #tpu.memory_space<vmem>> -> memref<1x256x32xf32, #tpu.memory_space<vmem>>
          %dma_start3A_217 = tpu.memref_squeeze %dma_start3A_216 : memref<1x256x32xf32, #tpu.memory_space<vmem>> -> memref<256x32xf32, #tpu.memory_space<vmem>>
          %dma_start3A_218 = arith.constant 0 : i32
          %dma_start3A_219 = tpu.memref_slice %arg6[%dma_start3A_212, %dma_start3A_218] : memref<2x256xi32, #tpu.memory_space<vmem>> -> memref<1x256xi32, #tpu.memory_space<vmem>>
          %dma_start3A_220 = tpu.memref_squeeze %dma_start3A_219 : memref<1x256xi32, #tpu.memory_space<vmem>> -> memref<256xi32, #tpu.memory_space<vmem>>
          %dma_start3A_221 = arith.constant 0 : i32
          %dma_start3A_222 = arith.constant 0 : i32
          %dma_start3A_223 = tpu.memref_slice %arg3[%dma_start3A_221, %dma_start3A_222] : memref<1000000x32xf32, #tpu.memory_space<hbm>> -> memref<1000000x32xf32, #tpu.memory_space<hbm>>
          tpu.enqueue_indirect_dma source(%dma_start3A_223 : memref<1000000x32xf32, #tpu.memory_space<hbm>>) target(%dma_start3A_217 : memref<256x32xf32, #tpu.memory_space<vmem>>) offsets(%dma_start3A_220 : memref<256xi32, #tpu.memory_space<vmem>>) semaphore(%arg10 : memref<!tpu.dma_semaphore, #tpu.memory_space<semaphore_mem>>)
        } else {
        }
      } else {
      }
      %eq3A = arith.constant 0 : i32
      %eq3A_164 = arith.cmpi eq, %rem3A_157, %eq3A : i32
      %convert_element_type3A_165 = arith.extui %eq3A_164 : i1 to i32
      %cond3A_166 = arith.constant 0 : i32
      %cond3A_167 = arith.cmpi ne, %convert_element_type3A_165, %cond3A_166 : i32
      scf.if %cond3A_167 {
        %dma_wait3A = arith.constant 0 : i32
        %dma_wait3A_189 = arith.constant 0 : i32
        %dma_wait3A_190 = arith.constant 0 : i32
        %dma_wait3A_191 = arith.constant 0 : i32
        %dma_wait3A_192 = tpu.memref_slice %arg7[%dma_wait3A_189, %dma_wait3A_190, %dma_wait3A_191] : memref<2x256x32xf32, #tpu.memory_space<vmem>> -> memref<1x256x32xf32, #tpu.memory_space<vmem>>
        %dma_wait3A_193 = tpu.memref_squeeze %dma_wait3A_192 : memref<1x256x32xf32, #tpu.memory_space<vmem>> -> memref<256x32xf32, #tpu.memory_space<vmem>>
        %dma_wait3A_194 = arith.constant 0 : i32
        %dma_wait3A_195 = tpu.memref_slice %arg6[%dma_wait3A, %dma_wait3A_194] : memref<2x256xi32, #tpu.memory_space<vmem>> -> memref<1x256xi32, #tpu.memory_space<vmem>>
        %dma_wait3A_196 = tpu.memref_squeeze %dma_wait3A_195 : memref<1x256xi32, #tpu.memory_space<vmem>> -> memref<256xi32, #tpu.memory_space<vmem>>
        %dma_wait3A_197 = arith.constant 0 : i32
        %dma_wait3A_198 = arith.constant 0 : i32
        %dma_wait3A_199 = tpu.memref_slice %arg3[%dma_wait3A_197, %dma_wait3A_198] : memref<1000000x32xf32, #tpu.memory_space<hbm>> -> memref<1000000x32xf32, #tpu.memory_space<hbm>>
        tpu.wait_indirect_dma semaphore(%arg9 : memref<!tpu.dma_semaphore, #tpu.memory_space<semaphore_mem>>) src(%dma_wait3A_199 : memref<1000000x32xf32, #tpu.memory_space<hbm>>) dst(%dma_wait3A_193 : memref<256x32xf32, #tpu.memory_space<vmem>>)
      } else {
      }
      %eq3A_168 = arith.constant 1 : i32
      %eq3A_169 = arith.cmpi eq, %rem3A_157, %eq3A_168 : i32
      %convert_element_type3A_170 = arith.extui %eq3A_169 : i1 to i32
      %cond3A_171 = arith.constant 0 : i32
      %cond3A_172 = arith.cmpi ne, %convert_element_type3A_170, %cond3A_171 : i32
      scf.if %cond3A_172 {
        %dma_wait3A = arith.constant 1 : i32
        %dma_wait3A_189 = arith.constant 1 : i32
        %dma_wait3A_190 = arith.constant 0 : i32
        %dma_wait3A_191 = arith.constant 0 : i32
        %dma_wait3A_192 = tpu.memref_slice %arg7[%dma_wait3A_189, %dma_wait3A_190, %dma_wait3A_191] : memref<2x256x32xf32, #tpu.memory_space<vmem>> -> memref<1x256x32xf32, #tpu.memory_space<vmem>>
        %dma_wait3A_193 = tpu.memref_squeeze %dma_wait3A_192 : memref<1x256x32xf32, #tpu.memory_space<vmem>> -> memref<256x32xf32, #tpu.memory_space<vmem>>
        %dma_wait3A_194 = arith.constant 0 : i32
        %dma_wait3A_195 = tpu.memref_slice %arg6[%dma_wait3A, %dma_wait3A_194] : memref<2x256xi32, #tpu.memory_space<vmem>> -> memref<1x256xi32, #tpu.memory_space<vmem>>
        %dma_wait3A_196 = tpu.memref_squeeze %dma_wait3A_195 : memref<1x256xi32, #tpu.memory_space<vmem>> -> memref<256xi32, #tpu.memory_space<vmem>>
        %dma_wait3A_197 = arith.constant 0 : i32
        %dma_wait3A_198 = arith.constant 0 : i32
        %dma_wait3A_199 = tpu.memref_slice %arg3[%dma_wait3A_197, %dma_wait3A_198] : memref<1000000x32xf32, #tpu.memory_space<hbm>> -> memref<1000000x32xf32, #tpu.memory_space<hbm>>
        tpu.wait_indirect_dma semaphore(%arg10 : memref<!tpu.dma_semaphore, #tpu.memory_space<semaphore_mem>>) src(%dma_wait3A_199 : memref<1000000x32xf32, #tpu.memory_space<hbm>>) dst(%dma_wait3A_193 : memref<256x32xf32, #tpu.memory_space<vmem>>)
      } else {
      }
      %ge3A = arith.constant 1 : i32
      %ge3A_173 = arith.cmpi sge, %scan3A_156, %ge3A : i32
      %convert_element_type3A_174 = arith.extui %ge3A_173 : i1 to i32
      %cond3A_175 = arith.constant 0 : i32
      %cond3A_176 = arith.cmpi ne, %convert_element_type3A_174, %cond3A_175 : i32
      scf.if %cond3A_176 {
        %scan3A_189 = arith.constant 0 : i32
        %scan3A_190 = arith.constant 0 : i32
        %scan3A_191 = arith.constant 8 : i32
        %scan3A_192 = arith.addi %scan3A_190, %scan3A_191 : i32
        %scan3A_193 = arith.constant 1 : i32
        scf.for %scan3A_195 = %scan3A_190 to %scan3A_192 step %scan3A_193  : i32 {
          %dma_wait3A = arith.constant 0 : i32
          %dma_wait3A_196 = arith.constant 0 : i32
          %dma_wait3A_197 = arith.constant 0 : i32
          %dma_wait3A_198 = arith.constant 0 : i32
          %dma_wait3A_199 = tpu.memref_slice %arg8[%dma_wait3A_198] : memref<8192xf32, #tpu.memory_space<vmem>> -> memref<1024xf32, #tpu.memory_space<vmem>>
          %dma_wait3A_200 = arith.constant 0 : i32
          %dma_wait3A_201 = tpu.memref_slice %arg4[%dma_wait3A, %dma_wait3A_196, %dma_wait3A_197, %dma_wait3A_200] : memref<50x4x128x1024xf32, #tpu.memory_space<hbm>> -> memref<1x1x1x1024xf32, #tpu.memory_space<hbm>>
          %dma_wait3A_202 = tpu.memref_squeeze %dma_wait3A_201 : memref<1x1x1x1024xf32, #tpu.memory_space<hbm>> -> memref<1024xf32, #tpu.memory_space<hbm>>
          %dma_wait3A_203 = arith.constant 0 : i32
          %dma_wait3A_204 = tpu.memref_slice %arg4[%dma_wait3A, %dma_wait3A_196, %dma_wait3A_197, %dma_wait3A_203] : memref<50x4x128x1024xf32, #tpu.memory_space<hbm>> -> memref<1x1x1x1024xf32, #tpu.memory_space<hbm>>
          %dma_wait3A_205 = tpu.memref_squeeze %dma_wait3A_204 : memref<1x1x1x1024xf32, #tpu.memory_space<hbm>> -> memref<1024xf32, #tpu.memory_space<hbm>>
          %dma_wait3A_206 = arith.constant 0 : i32
          %dma_wait3A_207 = tpu.memref_slice %arg8[%dma_wait3A_206] : memref<8192xf32, #tpu.memory_space<vmem>> -> memref<1024xf32, #tpu.memory_space<vmem>>
          tpu.wait_dma2 semaphore(%arg11 : memref<!tpu.dma_semaphore, #tpu.memory_space<semaphore_mem>>) src(%dma_wait3A_207 : memref<1024xf32, #tpu.memory_space<vmem>>) dst(%dma_wait3A_205 : memref<1024xf32, #tpu.memory_space<hbm>>)
        }
        %scan3A_194 = arith.constant 8 : i32
      } else {
      }
      %scan3A_177 = arith.constant 0 : i32
      %scan3A_178 = arith.constant 0 : i32
      %scan3A_179 = arith.constant 64 : i32
      %scan3A_180 = arith.addi %scan3A_178, %scan3A_179 : i32
      %scan3A_181 = arith.constant 1 : i32
      scf.for %scan3A_189 = %scan3A_178 to %scan3A_180 step %scan3A_181  : i32 {
        %jit3A = arith.constant 32 : i32
        %div3A = arith.divsi %scan3A_189, %jit3A : i32
        %sign3A = arith.constant 0 : i32
        %sign3A_190 = arith.cmpi sgt, %scan3A_189, %sign3A : i32
        %sign3A_191 = arith.extui %sign3A_190 : i1 to i32
        %sign3A_192 = arith.constant 0 : i32
        %sign3A_193 = arith.cmpi slt, %scan3A_189, %sign3A_192 : i32
        %sign3A_194 = arith.extui %sign3A_193 : i1 to i32
        %sign3A_195 = arith.subi %sign3A_191, %sign3A_194 : i32
        %sign3A_196 = arith.constant 0 : i32
        %sign3A_197 = arith.cmpi sgt, %jit3A, %sign3A_196 : i32
        %sign3A_198 = arith.extui %sign3A_197 : i1 to i32
        %sign3A_199 = arith.constant 0 : i32
        %sign3A_200 = arith.cmpi slt, %jit3A, %sign3A_199 : i32
        %sign3A_201 = arith.extui %sign3A_200 : i1 to i32
        %sign3A_202 = arith.subi %sign3A_198, %sign3A_201 : i32
        %ne3A = arith.cmpi ne, %sign3A_195, %sign3A_202 : i32
        %rem3A_203 = arith.remsi %scan3A_189, %jit3A : i32
        %ne3A_204 = arith.constant 0 : i32
        %ne3A_205 = arith.cmpi ne, %rem3A_203, %ne3A_204 : i32
        %and3A = arith.andi %ne3A, %ne3A_205 : i1
        %sub3A = arith.constant 1 : i32
        %sub3A_206 = arith.subi %div3A, %sub3A : i32
        %select_n3A = arith.select %and3A, %sub3A_206, %div3A : i32
        %rem3A_207 = arith.constant 32 : i32
        %rem3A_208 = arith.remsi %scan3A_189, %rem3A_207 : i32
        %broadcast_in_dim3A = vector.broadcast %rem3A_208 : i32 to vector<16xi32>
        %mul3A_209 = arith.constant 128 : i32
        %mul3A_210 = arith.muli %select_n3A, %mul3A_209 : i32
        %mul3A_211 = arith.constant 4096 : i32
        %mul3A_212 = arith.muli %select_n3A, %mul3A_211 : i32
        %jit3A_213 = arith.constant 8 : i32
        %div3A_214 = arith.divsi %rem3A_208, %jit3A_213 : i32
        %sign3A_215 = arith.constant 0 : i32
        %sign3A_216 = arith.cmpi sgt, %rem3A_208, %sign3A_215 : i32
        %sign3A_217 = arith.extui %sign3A_216 : i1 to i32
        %sign3A_218 = arith.constant 0 : i32
        %sign3A_219 = arith.cmpi slt, %rem3A_208, %sign3A_218 : i32
        %sign3A_220 = arith.extui %sign3A_219 : i1 to i32
        %sign3A_221 = arith.subi %sign3A_217, %sign3A_220 : i32
        %sign3A_222 = arith.constant 0 : i32
        %sign3A_223 = arith.cmpi sgt, %jit3A_213, %sign3A_222 : i32
        %sign3A_224 = arith.extui %sign3A_223 : i1 to i32
        %sign3A_225 = arith.constant 0 : i32
        %sign3A_226 = arith.cmpi slt, %jit3A_213, %sign3A_225 : i32
        %sign3A_227 = arith.extui %sign3A_226 : i1 to i32
        %sign3A_228 = arith.subi %sign3A_224, %sign3A_227 : i32
        %ne3A_229 = arith.cmpi ne, %sign3A_221, %sign3A_228 : i32
        %rem3A_230 = arith.remsi %rem3A_208, %jit3A_213 : i32
        %ne3A_231 = arith.constant 0 : i32
        %ne3A_232 = arith.cmpi ne, %rem3A_230, %ne3A_231 : i32
        %and3A_233 = arith.andi %ne3A_229, %ne3A_232 : i1
        %sub3A_234 = arith.constant 1 : i32
        %sub3A_235 = arith.subi %div3A_214, %sub3A_234 : i32
        %select_n3A_236 = arith.select %and3A_233, %sub3A_235, %div3A_214 : i32
        %mul3A_237 = arith.constant 1024 : i32
        %mul3A_238 = arith.muli %select_n3A_236, %mul3A_237 : i32
        %add3A_239 = arith.addi %mul3A_212, %mul3A_238 : i32
        %rem3A_240 = arith.constant 8 : i32
        %rem3A_241 = arith.remsi %rem3A_208, %rem3A_240 : i32
        %mul3A_242 = arith.constant 128 : i32
        %mul3A_243 = arith.muli %rem3A_241, %mul3A_242 : i32
        %add3A_244 = arith.addi %add3A_239, %mul3A_243 : i32
        %add3A_245 = arith.constant 0 : i32
        %add3A_246 = arith.addi %mul3A_210, %add3A_245 : i32
        %add3A_247 = vector.broadcast %add3A_246 : i32 to vector<16xi32>
        %add3A_248 = arith.addi %iota3A, %add3A_247 : vector<16xi32>
        %gather3A = arith.constant 0 : i32
        %gather3A_249 = arith.constant 0 : i32
        %gather3A_250 = tpu.memref_slice %arg7[%rem3A_157, %gather3A, %gather3A_249] : memref<2x256x32xf32, #tpu.memory_space<vmem>> -> memref<1x256x32xf32, #tpu.memory_space<vmem>>
        %gather3A_251 = tpu.memref_squeeze %gather3A_250 : memref<1x256x32xf32, #tpu.memory_space<vmem>> -> memref<256x32xf32, #tpu.memory_space<vmem>>
        %gather3A_252 = tpu.vector_load_idx %gather3A_251[%add3A_248, %broadcast_in_dim3A] : memref<256x32xf32, #tpu.memory_space<vmem>>[vector<16xi32>, vector<16xi32>], vector<16xf32>,
        %add3A_253 = arith.constant 0 : i32
        %add3A_254 = arith.addi %add3A_244, %add3A_253 : i32
        %swap3A = arith.index_cast %add3A_254 : i32 to index
        %swap3A_255 = tpu.vector_load %arg8[%swap3A] {strides = array<i32>} : memref<8192xf32, #tpu.memory_space<vmem>>, vector<16xf32>,
        tpu.vector_store %arg8[%swap3A], %gather3A_252 {strides = array<i32>} : memref<8192xf32, #tpu.memory_space<vmem>>, vector<16xf32>,
        %add3A_256 = arith.constant 16 : i32
        %add3A_257 = arith.addi %mul3A_210, %add3A_256 : i32
        %add3A_258 = vector.broadcast %add3A_257 : i32 to vector<16xi32>
        %add3A_259 = arith.addi %iota3A, %add3A_258 : vector<16xi32>
        %gather3A_260 = arith.constant 0 : i32
        %gather3A_261 = arith.constant 0 : i32
        %gather3A_262 = tpu.memref_slice %arg7[%rem3A_157, %gather3A_260, %gather3A_261] : memref<2x256x32xf32, #tpu.memory_space<vmem>> -> memref<1x256x32xf32, #tpu.memory_space<vmem>>
        %gather3A_263 = tpu.memref_squeeze %gather3A_262 : memref<1x256x32xf32, #tpu.memory_space<vmem>> -> memref<256x32xf32, #tpu.memory_space<vmem>>
        %gather3A_264 = tpu.vector_load_idx %gather3A_263[%add3A_259, %broadcast_in_dim3A] : memref<256x32xf32, #tpu.memory_space<vmem>>[vector<16xi32>, vector<16xi32>], vector<16xf32>,
        %add3A_265 = arith.constant 16 : i32
        %add3A_266 = arith.addi %add3A_244, %add3A_265 : i32
        %swap3A_267 = arith.index_cast %add3A_266 : i32 to index
        %swap3A_268 = tpu.vector_load %arg8[%swap3A_267] {strides = array<i32>} : memref<8192xf32, #tpu.memory_space<vmem>>, vector<16xf32>,
        tpu.vector_store %arg8[%swap3A_267], %gather3A_264 {strides = array<i32>} : memref<8192xf32, #tpu.memory_space<vmem>>, vector<16xf32>,
        %add3A_269 = arith.constant 32 : i32
        %add3A_270 = arith.addi %mul3A_210, %add3A_269 : i32
        %add3A_271 = vector.broadcast %add3A_270 : i32 to vector<16xi32>
        %add3A_272 = arith.addi %iota3A, %add3A_271 : vector<16xi32>
        %gather3A_273 = arith.constant 0 : i32
        %gather3A_274 = arith.constant 0 : i32
        %gather3A_275 = tpu.memref_slice %arg7[%rem3A_157, %gather3A_273, %gather3A_274] : memref<2x256x32xf32, #tpu.memory_space<vmem>> -> memref<1x256x32xf32, #tpu.memory_space<vmem>>
        %gather3A_276 = tpu.memref_squeeze %gather3A_275 : memref<1x256x32xf32, #tpu.memory_space<vmem>> -> memref<256x32xf32, #tpu.memory_space<vmem>>
        %gather3A_277 = tpu.vector_load_idx %gather3A_276[%add3A_272, %broadcast_in_dim3A] : memref<256x32xf32, #tpu.memory_space<vmem>>[vector<16xi32>, vector<16xi32>], vector<16xf32>,
        %add3A_278 = arith.constant 32 : i32
        %add3A_279 = arith.addi %add3A_244, %add3A_278 : i32
        %swap3A_280 = arith.index_cast %add3A_279 : i32 to index
        %swap3A_281 = tpu.vector_load %arg8[%swap3A_280] {strides = array<i32>} : memref<8192xf32, #tpu.memory_space<vmem>>, vector<16xf32>,
        tpu.vector_store %arg8[%swap3A_280], %gather3A_277 {strides = array<i32>} : memref<8192xf32, #tpu.memory_space<vmem>>, vector<16xf32>,
        %add3A_282 = arith.constant 48 : i32
        %add3A_283 = arith.addi %mul3A_210, %add3A_282 : i32
        %add3A_284 = vector.broadcast %add3A_283 : i32 to vector<16xi32>
        %add3A_285 = arith.addi %iota3A, %add3A_284 : vector<16xi32>
        %gather3A_286 = arith.constant 0 : i32
        %gather3A_287 = arith.constant 0 : i32
        %gather3A_288 = tpu.memref_slice %arg7[%rem3A_157, %gather3A_286, %gather3A_287] : memref<2x256x32xf32, #tpu.memory_space<vmem>> -> memref<1x256x32xf32, #tpu.memory_space<vmem>>
        %gather3A_289 = tpu.memref_squeeze %gather3A_288 : memref<1x256x32xf32, #tpu.memory_space<vmem>> -> memref<256x32xf32, #tpu.memory_space<vmem>>
        %gather3A_290 = tpu.vector_load_idx %gather3A_289[%add3A_285, %broadcast_in_dim3A] : memref<256x32xf32, #tpu.memory_space<vmem>>[vector<16xi32>, vector<16xi32>], vector<16xf32>,
        %add3A_291 = arith.constant 48 : i32
        %add3A_292 = arith.addi %add3A_244, %add3A_291 : i32
        %swap3A_293 = arith.index_cast %add3A_292 : i32 to index
        %swap3A_294 = tpu.vector_load %arg8[%swap3A_293] {strides = array<i32>} : memref<8192xf32, #tpu.memory_space<vmem>>, vector<16xf32>,
        tpu.vector_store %arg8[%swap3A_293], %gather3A_290 {strides = array<i32>} : memref<8192xf32, #tpu.memory_space<vmem>>, vector<16xf32>,
        %add3A_295 = arith.constant 64 : i32
        %add3A_296 = arith.addi %mul3A_210, %add3A_295 : i32
        %add3A_297 = vector.broadcast %add3A_296 : i32 to vector<16xi32>
        %add3A_298 = arith.addi %iota3A, %add3A_297 : vector<16xi32>
        %gather3A_299 = arith.constant 0 : i32
        %gather3A_300 = arith.constant 0 : i32
        %gather3A_301 = tpu.memref_slice %arg7[%rem3A_157, %gather3A_299, %gather3A_300] : memref<2x256x32xf32, #tpu.memory_space<vmem>> -> memref<1x256x32xf32, #tpu.memory_space<vmem>>
        %gather3A_302 = tpu.memref_squeeze %gather3A_301 : memref<1x256x32xf32, #tpu.memory_space<vmem>> -> memref<256x32xf32, #tpu.memory_space<vmem>>
        %gather3A_303 = tpu.vector_load_idx %gather3A_302[%add3A_298, %broadcast_in_dim3A] : memref<256x32xf32, #tpu.memory_space<vmem>>[vector<16xi32>, vector<16xi32>], vector<16xf32>,
        %add3A_304 = arith.constant 64 : i32
        %add3A_305 = arith.addi %add3A_244, %add3A_304 : i32
        %swap3A_306 = arith.index_cast %add3A_305 : i32 to index
        %swap3A_307 = tpu.vector_load %arg8[%swap3A_306] {strides = array<i32>} : memref<8192xf32, #tpu.memory_space<vmem>>, vector<16xf32>,
        tpu.vector_store %arg8[%swap3A_306], %gather3A_303 {strides = array<i32>} : memref<8192xf32, #tpu.memory_space<vmem>>, vector<16xf32>,
        %add3A_308 = arith.constant 80 : i32
        %add3A_309 = arith.addi %mul3A_210, %add3A_308 : i32
        %add3A_310 = vector.broadcast %add3A_309 : i32 to vector<16xi32>
        %add3A_311 = arith.addi %iota3A, %add3A_310 : vector<16xi32>
        %gather3A_312 = arith.constant 0 : i32
        %gather3A_313 = arith.constant 0 : i32
        %gather3A_314 = tpu.memref_slice %arg7[%rem3A_157, %gather3A_312, %gather3A_313] : memref<2x256x32xf32, #tpu.memory_space<vmem>> -> memref<1x256x32xf32, #tpu.memory_space<vmem>>
        %gather3A_315 = tpu.memref_squeeze %gather3A_314 : memref<1x256x32xf32, #tpu.memory_space<vmem>> -> memref<256x32xf32, #tpu.memory_space<vmem>>
        %gather3A_316 = tpu.vector_load_idx %gather3A_315[%add3A_311, %broadcast_in_dim3A] : memref<256x32xf32, #tpu.memory_space<vmem>>[vector<16xi32>, vector<16xi32>], vector<16xf32>,
        %add3A_317 = arith.constant 80 : i32
        %add3A_318 = arith.addi %add3A_244, %add3A_317 : i32
        %swap3A_319 = arith.index_cast %add3A_318 : i32 to index
        %swap3A_320 = tpu.vector_load %arg8[%swap3A_319] {strides = array<i32>} : memref<8192xf32, #tpu.memory_space<vmem>>, vector<16xf32>,
        tpu.vector_store %arg8[%swap3A_319], %gather3A_316 {strides = array<i32>} : memref<8192xf32, #tpu.memory_space<vmem>>, vector<16xf32>,
        %add3A_321 = arith.constant 96 : i32
        %add3A_322 = arith.addi %mul3A_210, %add3A_321 : i32
        %add3A_323 = vector.broadcast %add3A_322 : i32 to vector<16xi32>
        %add3A_324 = arith.addi %iota3A, %add3A_323 : vector<16xi32>
        %gather3A_325 = arith.constant 0 : i32
        %gather3A_326 = arith.constant 0 : i32
        %gather3A_327 = tpu.memref_slice %arg7[%rem3A_157, %gather3A_325, %gather3A_326] : memref<2x256x32xf32, #tpu.memory_space<vmem>> -> memref<1x256x32xf32, #tpu.memory_space<vmem>>
        %gather3A_328 = tpu.memref_squeeze %gather3A_327 : memref<1x256x32xf32, #tpu.memory_space<vmem>> -> memref<256x32xf32, #tpu.memory_space<vmem>>
        %gather3A_329 = tpu.vector_load_idx %gather3A_328[%add3A_324, %broadcast_in_dim3A] : memref<256x32xf32, #tpu.memory_space<vmem>>[vector<16xi32>, vector<16xi32>], vector<16xf32>,
        %add3A_330 = arith.constant 96 : i32
        %add3A_331 = arith.addi %add3A_244, %add3A_330 : i32
        %swap3A_332 = arith.index_cast %add3A_331 : i32 to index
        %swap3A_333 = tpu.vector_load %arg8[%swap3A_332] {strides = array<i32>} : memref<8192xf32, #tpu.memory_space<vmem>>, vector<16xf32>,
        tpu.vector_store %arg8[%swap3A_332], %gather3A_329 {strides = array<i32>} : memref<8192xf32, #tpu.memory_space<vmem>>, vector<16xf32>,
        %add3A_334 = arith.constant 112 : i32
        %add3A_335 = arith.addi %mul3A_210, %add3A_334 : i32
        %add3A_336 = vector.broadcast %add3A_335 : i32 to vector<16xi32>
        %add3A_337 = arith.addi %iota3A, %add3A_336 : vector<16xi32>
        %gather3A_338 = arith.constant 0 : i32
        %gather3A_339 = arith.constant 0 : i32
        %gather3A_340 = tpu.memref_slice %arg7[%rem3A_157, %gather3A_338, %gather3A_339] : memref<2x256x32xf32, #tpu.memory_space<vmem>> -> memref<1x256x32xf32, #tpu.memory_space<vmem>>
        %gather3A_341 = tpu.memref_squeeze %gather3A_340 : memref<1x256x32xf32, #tpu.memory_space<vmem>> -> memref<256x32xf32, #tpu.memory_space<vmem>>
        %gather3A_342 = tpu.vector_load_idx %gather3A_341[%add3A_337, %broadcast_in_dim3A] : memref<256x32xf32, #tpu.memory_space<vmem>>[vector<16xi32>, vector<16xi32>], vector<16xf32>,
        %add3A_343 = arith.constant 112 : i32
        %add3A_344 = arith.addi %add3A_244, %add3A_343 : i32
        %swap3A_345 = arith.index_cast %add3A_344 : i32 to index
        %swap3A_346 = tpu.vector_load %arg8[%swap3A_345] {strides = array<i32>} : memref<8192xf32, #tpu.memory_space<vmem>>, vector<16xf32>,
        tpu.vector_store %arg8[%swap3A_345], %gather3A_342 {strides = array<i32>} : memref<8192xf32, #tpu.memory_space<vmem>>, vector<16xf32>,
      }
      %scan3A_182 = arith.constant 64 : i32
      %scan3A_183 = arith.constant 0 : i32
      %scan3A_184 = arith.constant 0 : i32
      %scan3A_185 = arith.constant 8 : i32
      %scan3A_186 = arith.addi %scan3A_184, %scan3A_185 : i32
      %scan3A_187 = arith.constant 1 : i32
      scf.for %scan3A_189 = %scan3A_184 to %scan3A_186 step %scan3A_187  : i32 {
        %jit3A = arith.constant 4 : i32
        %div3A = arith.divsi %scan3A_189, %jit3A : i32
        %sign3A = arith.constant 0 : i32
        %sign3A_190 = arith.cmpi sgt, %scan3A_189, %sign3A : i32
        %sign3A_191 = arith.extui %sign3A_190 : i1 to i32
        %sign3A_192 = arith.constant 0 : i32
        %sign3A_193 = arith.cmpi slt, %scan3A_189, %sign3A_192 : i32
        %sign3A_194 = arith.extui %sign3A_193 : i1 to i32
        %sign3A_195 = arith.subi %sign3A_191, %sign3A_194 : i32
        %sign3A_196 = arith.constant 0 : i32
        %sign3A_197 = arith.cmpi sgt, %jit3A, %sign3A_196 : i32
        %sign3A_198 = arith.extui %sign3A_197 : i1 to i32
        %sign3A_199 = arith.constant 0 : i32
        %sign3A_200 = arith.cmpi slt, %jit3A, %sign3A_199 : i32
        %sign3A_201 = arith.extui %sign3A_200 : i1 to i32
        %sign3A_202 = arith.subi %sign3A_198, %sign3A_201 : i32
        %ne3A = arith.cmpi ne, %sign3A_195, %sign3A_202 : i32
        %rem3A_203 = arith.remsi %scan3A_189, %jit3A : i32
        %ne3A_204 = arith.constant 0 : i32
        %ne3A_205 = arith.cmpi ne, %rem3A_203, %ne3A_204 : i32
        %and3A = arith.andi %ne3A, %ne3A_205 : i1
        %sub3A = arith.constant 1 : i32
        %sub3A_206 = arith.subi %div3A, %sub3A : i32
        %select_n3A = arith.select %and3A, %sub3A_206, %div3A : i32
        %rem3A_207 = arith.constant 4 : i32
        %rem3A_208 = arith.remsi %scan3A_189, %rem3A_207 : i32
        %mul3A_209 = arith.constant 4096 : i32
        %mul3A_210 = arith.muli %select_n3A, %mul3A_209 : i32
        %mul3A_211 = arith.constant 1024 : i32
        %mul3A_212 = arith.muli %rem3A_208, %mul3A_211 : i32
        %add3A_213 = arith.addi %mul3A_210, %mul3A_212 : i32
        %add3A_214 = arith.addi %mul3A_159, %select_n3A : i32
        %dma_start3A_215 = tpu.memref_slice %arg8[%add3A_213] : memref<8192xf32, #tpu.memory_space<vmem>> -> memref<1024xf32, #tpu.memory_space<vmem>>
        %dma_start3A_216 = arith.constant 0 : i32
        %dma_start3A_217 = tpu.memref_slice %arg4[%add3A_214, %rem3A_208, %add3A_11, %dma_start3A_216] : memref<50x4x128x1024xf32, #tpu.memory_space<hbm>> -> memref<1x1x1x1024xf32, #tpu.memory_space<hbm>>
        %dma_start3A_218 = tpu.memref_squeeze %dma_start3A_217 : memref<1x1x1x1024xf32, #tpu.memory_space<hbm>> -> memref<1024xf32, #tpu.memory_space<hbm>>
        %dma_start3A_219 = arith.constant 0 : i32
        %dma_start3A_220 = tpu.memref_slice %arg4[%add3A_214, %rem3A_208, %add3A_11, %dma_start3A_219] : memref<50x4x128x1024xf32, #tpu.memory_space<hbm>> -> memref<1x1x1x1024xf32, #tpu.memory_space<hbm>>
        %dma_start3A_221 = tpu.memref_squeeze %dma_start3A_220 : memref<1x1x1x1024xf32, #tpu.memory_space<hbm>> -> memref<1024xf32, #tpu.memory_space<hbm>>
        %dma_start3A_222 = tpu.memref_slice %arg8[%add3A_213] : memref<8192xf32, #tpu.memory_space<vmem>> -> memref<1024xf32, #tpu.memory_space<vmem>>
        tpu.enqueue_dma source(%dma_start3A_222 : memref<1024xf32, #tpu.memory_space<vmem>>) target(%dma_start3A_221 : memref<1024xf32, #tpu.memory_space<hbm>>) target_semaphore(%arg11 : memref<!tpu.dma_semaphore, #tpu.memory_space<semaphore_mem>>)
      }
      %scan3A_188 = arith.constant 8 : i32
    }
    %scan3A_35 = arith.constant 25 : i32
    %scan3A_36 = arith.constant 0 : i32
    %scan3A_37 = arith.constant 0 : i32
    %scan3A_38 = arith.constant 8 : i32
    %scan3A_39 = arith.addi %scan3A_37, %scan3A_38 : i32
    %scan3A_40 = arith.constant 1 : i32
    scf.for %scan3A_156 = %scan3A_37 to %scan3A_39 step %scan3A_40  : i32 {
      %dma_wait3A = arith.constant 0 : i32
      %dma_wait3A_157 = arith.constant 0 : i32
      %dma_wait3A_158 = arith.constant 0 : i32
      %dma_wait3A_159 = arith.constant 0 : i32
      %dma_wait3A_160 = tpu.memref_slice %arg8[%dma_wait3A_159] : memref<8192xf32, #tpu.memory_space<vmem>> -> memref<1024xf32, #tpu.memory_space<vmem>>
      %dma_wait3A_161 = arith.constant 0 : i32
      %dma_wait3A_162 = tpu.memref_slice %arg4[%dma_wait3A, %dma_wait3A_157, %dma_wait3A_158, %dma_wait3A_161] : memref<50x4x128x1024xf32, #tpu.memory_space<hbm>> -> memref<1x1x1x1024xf32, #tpu.memory_space<hbm>>
      %dma_wait3A_163 = tpu.memref_squeeze %dma_wait3A_162 : memref<1x1x1x1024xf32, #tpu.memory_space<hbm>> -> memref<1024xf32, #tpu.memory_space<hbm>>
      %dma_wait3A_164 = arith.constant 0 : i32
      %dma_wait3A_165 = tpu.memref_slice %arg4[%dma_wait3A, %dma_wait3A_157, %dma_wait3A_158, %dma_wait3A_164] : memref<50x4x128x1024xf32, #tpu.memory_space<hbm>> -> memref<1x1x1x1024xf32, #tpu.memory_space<hbm>>
      %dma_wait3A_166 = tpu.memref_squeeze %dma_wait3A_165 : memref<1x1x1x1024xf32, #tpu.memory_space<hbm>> -> memref<1024xf32, #tpu.memory_space<hbm>>
      %dma_wait3A_167 = arith.constant 0 : i32
      %dma_wait3A_168 = tpu.memref_slice %arg8[%dma_wait3A_167] : memref<8192xf32, #tpu.memory_space<vmem>> -> memref<1024xf32, #tpu.memory_space<vmem>>
      tpu.wait_dma2 semaphore(%arg11 : memref<!tpu.dma_semaphore, #tpu.memory_space<semaphore_mem>>) src(%dma_wait3A_168 : memref<1024xf32, #tpu.memory_space<vmem>>) dst(%dma_wait3A_166 : memref<1024xf32, #tpu.memory_space<hbm>>)
    }
    %scan3A_41 = arith.constant 8 : i32
    %add3A_42 = arith.constant 128 : i32
    %add3A_43 = arith.addi %mul3A_2, %add3A_42 : i32
    %mul3A_44 = arith.constant 4 : i32
    %mul3A_45 = arith.muli %add3A, %mul3A_44 : i32
    %add3A_46 = arith.constant 1 : i32
    %add3A_47 = arith.addi %mul3A_45, %add3A_46 : i32
    %mul3A_48 = arith.constant 50 : i32
    %mul3A_49 = arith.muli %add3A_43, %mul3A_48 : i32
    "tpu.region"() ({
      %run_scoped3A = tpu.sem_alloc : memref<!tpu.dma_semaphore, #tpu.memory_space<semaphore_mem>>
      %dma_start3A_156 = tpu.memref_slice %arg2[%mul3A_49] : memref<819200xi32, #tpu.memory_space<hbm>> -> memref<6400xi32, #tpu.memory_space<hbm>>
      %dma_start3A_157 = tpu.memref_slice %arg2[%mul3A_49] : memref<819200xi32, #tpu.memory_space<hbm>> -> memref<6400xi32, #tpu.memory_space<hbm>>
      tpu.enqueue_dma source(%dma_start3A_157 : memref<6400xi32, #tpu.memory_space<hbm>>) target(%arg5 : memref<6400xi32, #tpu.memory_space<vmem>>) target_semaphore(%run_scoped3A : memref<!tpu.dma_semaphore, #tpu.memory_space<semaphore_mem>>)
      %dma_wait3A = tpu.memref_slice %arg2[%mul3A_49] : memref<819200xi32, #tpu.memory_space<hbm>> -> memref<6400xi32, #tpu.memory_space<hbm>>
      %dma_wait3A_158 = tpu.memref_slice %arg2[%mul3A_49] : memref<819200xi32, #tpu.memory_space<hbm>> -> memref<6400xi32, #tpu.memory_space<hbm>>
      tpu.wait_dma2 semaphore(%run_scoped3A : memref<!tpu.dma_semaphore, #tpu.memory_space<semaphore_mem>>) src(%dma_wait3A_158 : memref<6400xi32, #tpu.memory_space<hbm>>) dst(%arg5 : memref<6400xi32, #tpu.memory_space<vmem>>)
      tpu.yield
    }) : () -> ()
    %scan3A_50 = arith.constant 0 : i32
    %scan3A_51 = arith.constant 0 : i32
    %scan3A_52 = arith.constant 16 : i32
    %scan3A_53 = arith.addi %scan3A_51, %scan3A_52 : i32
    %scan3A_54 = arith.constant 1 : i32
    scf.for %scan3A_156 = %scan3A_51 to %scan3A_53 step %scan3A_54  : i32 {
      %jit3A = arith.constant 8 : i32
      %div3A = arith.divsi %scan3A_156, %jit3A : i32
      %sign3A = arith.constant 0 : i32
      %sign3A_157 = arith.cmpi sgt, %scan3A_156, %sign3A : i32
      %sign3A_158 = arith.extui %sign3A_157 : i1 to i32
      %sign3A_159 = arith.constant 0 : i32
      %sign3A_160 = arith.cmpi slt, %scan3A_156, %sign3A_159 : i32
      %sign3A_161 = arith.extui %sign3A_160 : i1 to i32
      %sign3A_162 = arith.subi %sign3A_158, %sign3A_161 : i32
      %sign3A_163 = arith.constant 0 : i32
      %sign3A_164 = arith.cmpi sgt, %jit3A, %sign3A_163 : i32
      %sign3A_165 = arith.extui %sign3A_164 : i1 to i32
      %sign3A_166 = arith.constant 0 : i32
      %sign3A_167 = arith.cmpi slt, %jit3A, %sign3A_166 : i32
      %sign3A_168 = arith.extui %sign3A_167 : i1 to i32
      %sign3A_169 = arith.subi %sign3A_165, %sign3A_168 : i32
      %ne3A = arith.cmpi ne, %sign3A_162, %sign3A_169 : i32
      %rem3A = arith.remsi %scan3A_156, %jit3A : i32
      %ne3A_170 = arith.constant 0 : i32
      %ne3A_171 = arith.cmpi ne, %rem3A, %ne3A_170 : i32
      %and3A = arith.andi %ne3A, %ne3A_171 : i1
      %sub3A = arith.constant 1 : i32
      %sub3A_172 = arith.subi %div3A, %sub3A : i32
      %select_n3A = arith.select %and3A, %sub3A_172, %div3A : i32
      %rem3A_173 = arith.constant 8 : i32
      %rem3A_174 = arith.remsi %scan3A_156, %rem3A_173 : i32
      %mul3A_175 = arith.constant 16 : i32
      %mul3A_176 = arith.muli %rem3A_174, %mul3A_175 : i32
      %mul3A_177 = arith.constant 50 : i32
      %mul3A_178 = arith.muli %mul3A_176, %mul3A_177 : i32
      %add3A_179 = arith.constant 0 : i32
      %add3A_180 = arith.addi %mul3A_178, %add3A_179 : i32
      %add3A_181 = arith.addi %add3A_180, %select_n3A : i32
      %add3A_182 = vector.broadcast %add3A_181 : i32 to vector<16xi32>
      %add3A_183 = arith.addi %mul3A_5, %add3A_182 : vector<16xi32>
      %gather3A = tpu.vector_load_idx %arg5[%add3A_183] : memref<6400xi32, #tpu.memory_space<vmem>>[vector<16xi32>], vector<16xi32>,
      %mul3A_184 = arith.constant 16 : i32
      %mul3A_185 = arith.muli %scan3A_156, %mul3A_184 : i32
      %swap3A = arith.constant 0 : i32
      %swap3A_186 = arith.index_cast %swap3A : i32 to index
      %swap3A_187 = arith.index_cast %mul3A_185 : i32 to index
      %swap3A_188 = tpu.vector_load %arg6[%swap3A_186, %swap3A_187] {strides = array<i32>} : memref<2x256xi32, #tpu.memory_space<vmem>>, vector<16xi32>,
      tpu.vector_store %arg6[%swap3A_186, %swap3A_187], %gather3A {strides = array<i32>} : memref<2x256xi32, #tpu.memory_space<vmem>>, vector<16xi32>,
    }
    %scan3A_55 = arith.constant 16 : i32
    %dma_start3A_56 = arith.constant 0 : i32
    %dma_start3A_57 = arith.constant 0 : i32
    %dma_start3A_58 = arith.constant 0 : i32
    %dma_start3A_59 = arith.constant 0 : i32
    %dma_start3A_60 = tpu.memref_slice %arg7[%dma_start3A_57, %dma_start3A_58, %dma_start3A_59] : memref<2x256x32xf32, #tpu.memory_space<vmem>> -> memref<1x256x32xf32, #tpu.memory_space<vmem>>
    %dma_start3A_61 = tpu.memref_squeeze %dma_start3A_60 : memref<1x256x32xf32, #tpu.memory_space<vmem>> -> memref<256x32xf32, #tpu.memory_space<vmem>>
    %dma_start3A_62 = arith.constant 0 : i32
    %dma_start3A_63 = tpu.memref_slice %arg6[%dma_start3A_56, %dma_start3A_62] : memref<2x256xi32, #tpu.memory_space<vmem>> -> memref<1x256xi32, #tpu.memory_space<vmem>>
    %dma_start3A_64 = tpu.memref_squeeze %dma_start3A_63 : memref<1x256xi32, #tpu.memory_space<vmem>> -> memref<256xi32, #tpu.memory_space<vmem>>
    %dma_start3A_65 = arith.constant 0 : i32
    %dma_start3A_66 = arith.constant 0 : i32
    %dma_start3A_67 = tpu.memref_slice %arg3[%dma_start3A_65, %dma_start3A_66] : memref<1000000x32xf32, #tpu.memory_space<hbm>> -> memref<1000000x32xf32, #tpu.memory_space<hbm>>
    tpu.enqueue_indirect_dma source(%dma_start3A_67 : memref<1000000x32xf32, #tpu.memory_space<hbm>>) target(%dma_start3A_61 : memref<256x32xf32, #tpu.memory_space<vmem>>) offsets(%dma_start3A_64 : memref<256xi32, #tpu.memory_space<vmem>>) semaphore(%arg9 : memref<!tpu.dma_semaphore, #tpu.memory_space<semaphore_mem>>)
    %scan3A_68 = arith.constant 0 : i32
    %scan3A_69 = arith.constant 0 : i32
    %scan3A_70 = arith.constant 25 : i32
    %scan3A_71 = arith.addi %scan3A_69, %scan3A_70 : i32
    %scan3A_72 = arith.constant 1 : i32
    scf.for %scan3A_156 = %scan3A_69 to %scan3A_71 step %scan3A_72  : i32 {
      %rem3A = arith.constant 2 : i32
      %rem3A_157 = arith.remsi %scan3A_156, %rem3A : i32
      %mul3A_158 = arith.constant 2 : i32
      %mul3A_159 = arith.muli %scan3A_156, %mul3A_158 : i32
      %add3A_160 = arith.constant 1 : i32
      %add3A_161 = arith.addi %scan3A_156, %add3A_160 : i32
      %lt3A = arith.constant 25 : i32
      %lt3A_162 = arith.cmpi slt, %add3A_161, %lt3A : i32
      %convert_element_type3A = arith.extui %lt3A_162 : i1 to i32
      %cond3A = arith.constant 0 : i32
      %cond3A_163 = arith.cmpi ne, %convert_element_type3A, %cond3A : i32
      scf.if %cond3A_163 {
        %add3A_189 = arith.constant 1 : i32
        %add3A_190 = arith.addi %scan3A_156, %add3A_189 : i32
        %sub3A = arith.constant 1 : i32
        %sub3A_191 = arith.subi %sub3A, %rem3A_157 : i32
        %mul3A_192 = arith.constant 2 : i32
        %mul3A_193 = arith.muli %add3A_190, %mul3A_192 : i32
        %scan3A_194 = arith.constant 0 : i32
        %scan3A_195 = arith.constant 0 : i32
        %scan3A_196 = arith.constant 16 : i32
        %scan3A_197 = arith.addi %scan3A_195, %scan3A_196 : i32
        %scan3A_198 = arith.constant 1 : i32
        scf.for %scan3A_212 = %scan3A_195 to %scan3A_197 step %scan3A_198  : i32 {
          %jit3A = arith.constant 8 : i32
          %div3A = arith.divsi %scan3A_212, %jit3A : i32
          %sign3A = arith.constant 0 : i32
          %sign3A_213 = arith.cmpi sgt, %scan3A_212, %sign3A : i32
          %sign3A_214 = arith.extui %sign3A_213 : i1 to i32
          %sign3A_215 = arith.constant 0 : i32
          %sign3A_216 = arith.cmpi slt, %scan3A_212, %sign3A_215 : i32
          %sign3A_217 = arith.extui %sign3A_216 : i1 to i32
          %sign3A_218 = arith.subi %sign3A_214, %sign3A_217 : i32
          %sign3A_219 = arith.constant 0 : i32
          %sign3A_220 = arith.cmpi sgt, %jit3A, %sign3A_219 : i32
          %sign3A_221 = arith.extui %sign3A_220 : i1 to i32
          %sign3A_222 = arith.constant 0 : i32
          %sign3A_223 = arith.cmpi slt, %jit3A, %sign3A_222 : i32
          %sign3A_224 = arith.extui %sign3A_223 : i1 to i32
          %sign3A_225 = arith.subi %sign3A_221, %sign3A_224 : i32
          %ne3A = arith.cmpi ne, %sign3A_218, %sign3A_225 : i32
          %rem3A_226 = arith.remsi %scan3A_212, %jit3A : i32
          %ne3A_227 = arith.constant 0 : i32
          %ne3A_228 = arith.cmpi ne, %rem3A_226, %ne3A_227 : i32
          %and3A = arith.andi %ne3A, %ne3A_228 : i1
          %sub3A_229 = arith.constant 1 : i32
          %sub3A_230 = arith.subi %div3A, %sub3A_229 : i32
          %select_n3A = arith.select %and3A, %sub3A_230, %div3A : i32
          %rem3A_231 = arith.constant 8 : i32
          %rem3A_232 = arith.remsi %scan3A_212, %rem3A_231 : i32
          %mul3A_233 = arith.constant 16 : i32
          %mul3A_234 = arith.muli %rem3A_232, %mul3A_233 : i32
          %mul3A_235 = arith.constant 50 : i32
          %mul3A_236 = arith.muli %mul3A_234, %mul3A_235 : i32
          %add3A_237 = arith.addi %mul3A_236, %mul3A_193 : i32
          %add3A_238 = arith.addi %add3A_237, %select_n3A : i32
          %add3A_239 = vector.broadcast %add3A_238 : i32 to vector<16xi32>
          %add3A_240 = arith.addi %mul3A_5, %add3A_239 : vector<16xi32>
          %gather3A = tpu.vector_load_idx %arg5[%add3A_240] : memref<6400xi32, #tpu.memory_space<vmem>>[vector<16xi32>], vector<16xi32>,
          %mul3A_241 = arith.constant 16 : i32
          %mul3A_242 = arith.muli %scan3A_212, %mul3A_241 : i32
          %swap3A = arith.index_cast %sub3A_191 : i32 to index
          %swap3A_243 = arith.index_cast %mul3A_242 : i32 to index
          %swap3A_244 = tpu.vector_load %arg6[%swap3A, %swap3A_243] {strides = array<i32>} : memref<2x256xi32, #tpu.memory_space<vmem>>, vector<16xi32>,
          tpu.vector_store %arg6[%swap3A, %swap3A_243], %gather3A {strides = array<i32>} : memref<2x256xi32, #tpu.memory_space<vmem>>, vector<16xi32>,
        }
        %scan3A_199 = arith.constant 16 : i32
        %sub3A_200 = arith.constant 1 : i32
        %sub3A_201 = arith.subi %sub3A_200, %rem3A_157 : i32
        %eq3A_202 = arith.constant 0 : i32
        %eq3A_203 = arith.cmpi eq, %sub3A_201, %eq3A_202 : i32
        %convert_element_type3A_204 = arith.extui %eq3A_203 : i1 to i32
        %cond3A_205 = arith.constant 0 : i32
        %cond3A_206 = arith.cmpi ne, %convert_element_type3A_204, %cond3A_205 : i32
        scf.if %cond3A_206 {
          %dma_start3A_212 = arith.constant 0 : i32
          %dma_start3A_213 = arith.constant 0 : i32
          %dma_start3A_214 = arith.constant 0 : i32
          %dma_start3A_215 = arith.constant 0 : i32
          %dma_start3A_216 = tpu.memref_slice %arg7[%dma_start3A_213, %dma_start3A_214, %dma_start3A_215] : memref<2x256x32xf32, #tpu.memory_space<vmem>> -> memref<1x256x32xf32, #tpu.memory_space<vmem>>
          %dma_start3A_217 = tpu.memref_squeeze %dma_start3A_216 : memref<1x256x32xf32, #tpu.memory_space<vmem>> -> memref<256x32xf32, #tpu.memory_space<vmem>>
          %dma_start3A_218 = arith.constant 0 : i32
          %dma_start3A_219 = tpu.memref_slice %arg6[%dma_start3A_212, %dma_start3A_218] : memref<2x256xi32, #tpu.memory_space<vmem>> -> memref<1x256xi32, #tpu.memory_space<vmem>>
          %dma_start3A_220 = tpu.memref_squeeze %dma_start3A_219 : memref<1x256xi32, #tpu.memory_space<vmem>> -> memref<256xi32, #tpu.memory_space<vmem>>
          %dma_start3A_221 = arith.constant 0 : i32
          %dma_start3A_222 = arith.constant 0 : i32
          %dma_start3A_223 = tpu.memref_slice %arg3[%dma_start3A_221, %dma_start3A_222] : memref<1000000x32xf32, #tpu.memory_space<hbm>> -> memref<1000000x32xf32, #tpu.memory_space<hbm>>
          tpu.enqueue_indirect_dma source(%dma_start3A_223 : memref<1000000x32xf32, #tpu.memory_space<hbm>>) target(%dma_start3A_217 : memref<256x32xf32, #tpu.memory_space<vmem>>) offsets(%dma_start3A_220 : memref<256xi32, #tpu.memory_space<vmem>>) semaphore(%arg9 : memref<!tpu.dma_semaphore, #tpu.memory_space<semaphore_mem>>)
        } else {
        }
        %eq3A_207 = arith.constant 1 : i32
        %eq3A_208 = arith.cmpi eq, %sub3A_201, %eq3A_207 : i32
        %convert_element_type3A_209 = arith.extui %eq3A_208 : i1 to i32
        %cond3A_210 = arith.constant 0 : i32
        %cond3A_211 = arith.cmpi ne, %convert_element_type3A_209, %cond3A_210 : i32
        scf.if %cond3A_211 {
          %dma_start3A_212 = arith.constant 1 : i32
          %dma_start3A_213 = arith.constant 1 : i32
          %dma_start3A_214 = arith.constant 0 : i32
          %dma_start3A_215 = arith.constant 0 : i32
          %dma_start3A_216 = tpu.memref_slice %arg7[%dma_start3A_213, %dma_start3A_214, %dma_start3A_215] : memref<2x256x32xf32, #tpu.memory_space<vmem>> -> memref<1x256x32xf32, #tpu.memory_space<vmem>>
          %dma_start3A_217 = tpu.memref_squeeze %dma_start3A_216 : memref<1x256x32xf32, #tpu.memory_space<vmem>> -> memref<256x32xf32, #tpu.memory_space<vmem>>
          %dma_start3A_218 = arith.constant 0 : i32
          %dma_start3A_219 = tpu.memref_slice %arg6[%dma_start3A_212, %dma_start3A_218] : memref<2x256xi32, #tpu.memory_space<vmem>> -> memref<1x256xi32, #tpu.memory_space<vmem>>
          %dma_start3A_220 = tpu.memref_squeeze %dma_start3A_219 : memref<1x256xi32, #tpu.memory_space<vmem>> -> memref<256xi32, #tpu.memory_space<vmem>>
          %dma_start3A_221 = arith.constant 0 : i32
          %dma_start3A_222 = arith.constant 0 : i32
          %dma_start3A_223 = tpu.memref_slice %arg3[%dma_start3A_221, %dma_start3A_222] : memref<1000000x32xf32, #tpu.memory_space<hbm>> -> memref<1000000x32xf32, #tpu.memory_space<hbm>>
          tpu.enqueue_indirect_dma source(%dma_start3A_223 : memref<1000000x32xf32, #tpu.memory_space<hbm>>) target(%dma_start3A_217 : memref<256x32xf32, #tpu.memory_space<vmem>>) offsets(%dma_start3A_220 : memref<256xi32, #tpu.memory_space<vmem>>) semaphore(%arg10 : memref<!tpu.dma_semaphore, #tpu.memory_space<semaphore_mem>>)
        } else {
        }
      } else {
      }
      %eq3A = arith.constant 0 : i32
      %eq3A_164 = arith.cmpi eq, %rem3A_157, %eq3A : i32
      %convert_element_type3A_165 = arith.extui %eq3A_164 : i1 to i32
      %cond3A_166 = arith.constant 0 : i32
      %cond3A_167 = arith.cmpi ne, %convert_element_type3A_165, %cond3A_166 : i32
      scf.if %cond3A_167 {
        %dma_wait3A = arith.constant 0 : i32
        %dma_wait3A_189 = arith.constant 0 : i32
        %dma_wait3A_190 = arith.constant 0 : i32
        %dma_wait3A_191 = arith.constant 0 : i32
        %dma_wait3A_192 = tpu.memref_slice %arg7[%dma_wait3A_189, %dma_wait3A_190, %dma_wait3A_191] : memref<2x256x32xf32, #tpu.memory_space<vmem>> -> memref<1x256x32xf32, #tpu.memory_space<vmem>>
        %dma_wait3A_193 = tpu.memref_squeeze %dma_wait3A_192 : memref<1x256x32xf32, #tpu.memory_space<vmem>> -> memref<256x32xf32, #tpu.memory_space<vmem>>
        %dma_wait3A_194 = arith.constant 0 : i32
        %dma_wait3A_195 = tpu.memref_slice %arg6[%dma_wait3A, %dma_wait3A_194] : memref<2x256xi32, #tpu.memory_space<vmem>> -> memref<1x256xi32, #tpu.memory_space<vmem>>
        %dma_wait3A_196 = tpu.memref_squeeze %dma_wait3A_195 : memref<1x256xi32, #tpu.memory_space<vmem>> -> memref<256xi32, #tpu.memory_space<vmem>>
        %dma_wait3A_197 = arith.constant 0 : i32
        %dma_wait3A_198 = arith.constant 0 : i32
        %dma_wait3A_199 = tpu.memref_slice %arg3[%dma_wait3A_197, %dma_wait3A_198] : memref<1000000x32xf32, #tpu.memory_space<hbm>> -> memref<1000000x32xf32, #tpu.memory_space<hbm>>
        tpu.wait_indirect_dma semaphore(%arg9 : memref<!tpu.dma_semaphore, #tpu.memory_space<semaphore_mem>>) src(%dma_wait3A_199 : memref<1000000x32xf32, #tpu.memory_space<hbm>>) dst(%dma_wait3A_193 : memref<256x32xf32, #tpu.memory_space<vmem>>)
      } else {
      }
      %eq3A_168 = arith.constant 1 : i32
      %eq3A_169 = arith.cmpi eq, %rem3A_157, %eq3A_168 : i32
      %convert_element_type3A_170 = arith.extui %eq3A_169 : i1 to i32
      %cond3A_171 = arith.constant 0 : i32
      %cond3A_172 = arith.cmpi ne, %convert_element_type3A_170, %cond3A_171 : i32
      scf.if %cond3A_172 {
        %dma_wait3A = arith.constant 1 : i32
        %dma_wait3A_189 = arith.constant 1 : i32
        %dma_wait3A_190 = arith.constant 0 : i32
        %dma_wait3A_191 = arith.constant 0 : i32
        %dma_wait3A_192 = tpu.memref_slice %arg7[%dma_wait3A_189, %dma_wait3A_190, %dma_wait3A_191] : memref<2x256x32xf32, #tpu.memory_space<vmem>> -> memref<1x256x32xf32, #tpu.memory_space<vmem>>
        %dma_wait3A_193 = tpu.memref_squeeze %dma_wait3A_192 : memref<1x256x32xf32, #tpu.memory_space<vmem>> -> memref<256x32xf32, #tpu.memory_space<vmem>>
        %dma_wait3A_194 = arith.constant 0 : i32
        %dma_wait3A_195 = tpu.memref_slice %arg6[%dma_wait3A, %dma_wait3A_194] : memref<2x256xi32, #tpu.memory_space<vmem>> -> memref<1x256xi32, #tpu.memory_space<vmem>>
        %dma_wait3A_196 = tpu.memref_squeeze %dma_wait3A_195 : memref<1x256xi32, #tpu.memory_space<vmem>> -> memref<256xi32, #tpu.memory_space<vmem>>
        %dma_wait3A_197 = arith.constant 0 : i32
        %dma_wait3A_198 = arith.constant 0 : i32
        %dma_wait3A_199 = tpu.memref_slice %arg3[%dma_wait3A_197, %dma_wait3A_198] : memref<1000000x32xf32, #tpu.memory_space<hbm>> -> memref<1000000x32xf32, #tpu.memory_space<hbm>>
        tpu.wait_indirect_dma semaphore(%arg10 : memref<!tpu.dma_semaphore, #tpu.memory_space<semaphore_mem>>) src(%dma_wait3A_199 : memref<1000000x32xf32, #tpu.memory_space<hbm>>) dst(%dma_wait3A_193 : memref<256x32xf32, #tpu.memory_space<vmem>>)
      } else {
      }
      %ge3A = arith.constant 1 : i32
      %ge3A_173 = arith.cmpi sge, %scan3A_156, %ge3A : i32
      %convert_element_type3A_174 = arith.extui %ge3A_173 : i1 to i32
      %cond3A_175 = arith.constant 0 : i32
      %cond3A_176 = arith.cmpi ne, %convert_element_type3A_174, %cond3A_175 : i32
      scf.if %cond3A_176 {
        %scan3A_189 = arith.constant 0 : i32
        %scan3A_190 = arith.constant 0 : i32
        %scan3A_191 = arith.constant 8 : i32
        %scan3A_192 = arith.addi %scan3A_190, %scan3A_191 : i32
        %scan3A_193 = arith.constant 1 : i32
        scf.for %scan3A_195 = %scan3A_190 to %scan3A_192 step %scan3A_193  : i32 {
          %dma_wait3A = arith.constant 0 : i32
          %dma_wait3A_196 = arith.constant 0 : i32
          %dma_wait3A_197 = arith.constant 0 : i32
          %dma_wait3A_198 = arith.constant 0 : i32
          %dma_wait3A_199 = tpu.memref_slice %arg8[%dma_wait3A_198] : memref<8192xf32, #tpu.memory_space<vmem>> -> memref<1024xf32, #tpu.memory_space<vmem>>
          %dma_wait3A_200 = arith.constant 0 : i32
          %dma_wait3A_201 = tpu.memref_slice %arg4[%dma_wait3A, %dma_wait3A_196, %dma_wait3A_197, %dma_wait3A_200] : memref<50x4x128x1024xf32, #tpu.memory_space<hbm>> -> memref<1x1x1x1024xf32, #tpu.memory_space<hbm>>
          %dma_wait3A_202 = tpu.memref_squeeze %dma_wait3A_201 : memref<1x1x1x1024xf32, #tpu.memory_space<hbm>> -> memref<1024xf32, #tpu.memory_space<hbm>>
          %dma_wait3A_203 = arith.constant 0 : i32
          %dma_wait3A_204 = tpu.memref_slice %arg4[%dma_wait3A, %dma_wait3A_196, %dma_wait3A_197, %dma_wait3A_203] : memref<50x4x128x1024xf32, #tpu.memory_space<hbm>> -> memref<1x1x1x1024xf32, #tpu.memory_space<hbm>>
          %dma_wait3A_205 = tpu.memref_squeeze %dma_wait3A_204 : memref<1x1x1x1024xf32, #tpu.memory_space<hbm>> -> memref<1024xf32, #tpu.memory_space<hbm>>
          %dma_wait3A_206 = arith.constant 0 : i32
          %dma_wait3A_207 = tpu.memref_slice %arg8[%dma_wait3A_206] : memref<8192xf32, #tpu.memory_space<vmem>> -> memref<1024xf32, #tpu.memory_space<vmem>>
          tpu.wait_dma2 semaphore(%arg11 : memref<!tpu.dma_semaphore, #tpu.memory_space<semaphore_mem>>) src(%dma_wait3A_207 : memref<1024xf32, #tpu.memory_space<vmem>>) dst(%dma_wait3A_205 : memref<1024xf32, #tpu.memory_space<hbm>>)
        }
        %scan3A_194 = arith.constant 8 : i32
      } else {
      }
      %scan3A_177 = arith.constant 0 : i32
      %scan3A_178 = arith.constant 0 : i32
      %scan3A_179 = arith.constant 64 : i32
      %scan3A_180 = arith.addi %scan3A_178, %scan3A_179 : i32
      %scan3A_181 = arith.constant 1 : i32
      scf.for %scan3A_189 = %scan3A_178 to %scan3A_180 step %scan3A_181  : i32 {
        %jit3A = arith.constant 32 : i32
        %div3A = arith.divsi %scan3A_189, %jit3A : i32
        %sign3A = arith.constant 0 : i32
        %sign3A_190 = arith.cmpi sgt, %scan3A_189, %sign3A : i32
        %sign3A_191 = arith.extui %sign3A_190 : i1 to i32
        %sign3A_192 = arith.constant 0 : i32
        %sign3A_193 = arith.cmpi slt, %scan3A_189, %sign3A_192 : i32
        %sign3A_194 = arith.extui %sign3A_193 : i1 to i32
        %sign3A_195 = arith.subi %sign3A_191, %sign3A_194 : i32
        %sign3A_196 = arith.constant 0 : i32
        %sign3A_197 = arith.cmpi sgt, %jit3A, %sign3A_196 : i32
        %sign3A_198 = arith.extui %sign3A_197 : i1 to i32
        %sign3A_199 = arith.constant 0 : i32
        %sign3A_200 = arith.cmpi slt, %jit3A, %sign3A_199 : i32
        %sign3A_201 = arith.extui %sign3A_200 : i1 to i32
        %sign3A_202 = arith.subi %sign3A_198, %sign3A_201 : i32
        %ne3A = arith.cmpi ne, %sign3A_195, %sign3A_202 : i32
        %rem3A_203 = arith.remsi %scan3A_189, %jit3A : i32
        %ne3A_204 = arith.constant 0 : i32
        %ne3A_205 = arith.cmpi ne, %rem3A_203, %ne3A_204 : i32
        %and3A = arith.andi %ne3A, %ne3A_205 : i1
        %sub3A = arith.constant 1 : i32
        %sub3A_206 = arith.subi %div3A, %sub3A : i32
        %select_n3A = arith.select %and3A, %sub3A_206, %div3A : i32
        %rem3A_207 = arith.constant 32 : i32
        %rem3A_208 = arith.remsi %scan3A_189, %rem3A_207 : i32
        %broadcast_in_dim3A = vector.broadcast %rem3A_208 : i32 to vector<16xi32>
        %mul3A_209 = arith.constant 128 : i32
        %mul3A_210 = arith.muli %select_n3A, %mul3A_209 : i32
        %mul3A_211 = arith.constant 4096 : i32
        %mul3A_212 = arith.muli %select_n3A, %mul3A_211 : i32
        %jit3A_213 = arith.constant 8 : i32
        %div3A_214 = arith.divsi %rem3A_208, %jit3A_213 : i32
        %sign3A_215 = arith.constant 0 : i32
        %sign3A_216 = arith.cmpi sgt, %rem3A_208, %sign3A_215 : i32
        %sign3A_217 = arith.extui %sign3A_216 : i1 to i32
        %sign3A_218 = arith.constant 0 : i32
        %sign3A_219 = arith.cmpi slt, %rem3A_208, %sign3A_218 : i32
        %sign3A_220 = arith.extui %sign3A_219 : i1 to i32
        %sign3A_221 = arith.subi %sign3A_217, %sign3A_220 : i32
        %sign3A_222 = arith.constant 0 : i32
        %sign3A_223 = arith.cmpi sgt, %jit3A_213, %sign3A_222 : i32
        %sign3A_224 = arith.extui %sign3A_223 : i1 to i32
        %sign3A_225 = arith.constant 0 : i32
        %sign3A_226 = arith.cmpi slt, %jit3A_213, %sign3A_225 : i32
        %sign3A_227 = arith.extui %sign3A_226 : i1 to i32
        %sign3A_228 = arith.subi %sign3A_224, %sign3A_227 : i32
        %ne3A_229 = arith.cmpi ne, %sign3A_221, %sign3A_228 : i32
        %rem3A_230 = arith.remsi %rem3A_208, %jit3A_213 : i32
        %ne3A_231 = arith.constant 0 : i32
        %ne3A_232 = arith.cmpi ne, %rem3A_230, %ne3A_231 : i32
        %and3A_233 = arith.andi %ne3A_229, %ne3A_232 : i1
        %sub3A_234 = arith.constant 1 : i32
        %sub3A_235 = arith.subi %div3A_214, %sub3A_234 : i32
        %select_n3A_236 = arith.select %and3A_233, %sub3A_235, %div3A_214 : i32
        %mul3A_237 = arith.constant 1024 : i32
        %mul3A_238 = arith.muli %select_n3A_236, %mul3A_237 : i32
        %add3A_239 = arith.addi %mul3A_212, %mul3A_238 : i32
        %rem3A_240 = arith.constant 8 : i32
        %rem3A_241 = arith.remsi %rem3A_208, %rem3A_240 : i32
        %mul3A_242 = arith.constant 128 : i32
        %mul3A_243 = arith.muli %rem3A_241, %mul3A_242 : i32
        %add3A_244 = arith.addi %add3A_239, %mul3A_243 : i32
        %add3A_245 = arith.constant 0 : i32
        %add3A_246 = arith.addi %mul3A_210, %add3A_245 : i32
        %add3A_247 = vector.broadcast %add3A_246 : i32 to vector<16xi32>
        %add3A_248 = arith.addi %iota3A, %add3A_247 : vector<16xi32>
        %gather3A = arith.constant 0 : i32
        %gather3A_249 = arith.constant 0 : i32
        %gather3A_250 = tpu.memref_slice %arg7[%rem3A_157, %gather3A, %gather3A_249] : memref<2x256x32xf32, #tpu.memory_space<vmem>> -> memref<1x256x32xf32, #tpu.memory_space<vmem>>
        %gather3A_251 = tpu.memref_squeeze %gather3A_250 : memref<1x256x32xf32, #tpu.memory_space<vmem>> -> memref<256x32xf32, #tpu.memory_space<vmem>>
        %gather3A_252 = tpu.vector_load_idx %gather3A_251[%add3A_248, %broadcast_in_dim3A] : memref<256x32xf32, #tpu.memory_space<vmem>>[vector<16xi32>, vector<16xi32>], vector<16xf32>,
        %add3A_253 = arith.constant 0 : i32
        %add3A_254 = arith.addi %add3A_244, %add3A_253 : i32
        %swap3A = arith.index_cast %add3A_254 : i32 to index
        %swap3A_255 = tpu.vector_load %arg8[%swap3A] {strides = array<i32>} : memref<8192xf32, #tpu.memory_space<vmem>>, vector<16xf32>,
        tpu.vector_store %arg8[%swap3A], %gather3A_252 {strides = array<i32>} : memref<8192xf32, #tpu.memory_space<vmem>>, vector<16xf32>,
        %add3A_256 = arith.constant 16 : i32
        %add3A_257 = arith.addi %mul3A_210, %add3A_256 : i32
        %add3A_258 = vector.broadcast %add3A_257 : i32 to vector<16xi32>
        %add3A_259 = arith.addi %iota3A, %add3A_258 : vector<16xi32>
        %gather3A_260 = arith.constant 0 : i32
        %gather3A_261 = arith.constant 0 : i32
        %gather3A_262 = tpu.memref_slice %arg7[%rem3A_157, %gather3A_260, %gather3A_261] : memref<2x256x32xf32, #tpu.memory_space<vmem>> -> memref<1x256x32xf32, #tpu.memory_space<vmem>>
        %gather3A_263 = tpu.memref_squeeze %gather3A_262 : memref<1x256x32xf32, #tpu.memory_space<vmem>> -> memref<256x32xf32, #tpu.memory_space<vmem>>
        %gather3A_264 = tpu.vector_load_idx %gather3A_263[%add3A_259, %broadcast_in_dim3A] : memref<256x32xf32, #tpu.memory_space<vmem>>[vector<16xi32>, vector<16xi32>], vector<16xf32>,
        %add3A_265 = arith.constant 16 : i32
        %add3A_266 = arith.addi %add3A_244, %add3A_265 : i32
        %swap3A_267 = arith.index_cast %add3A_266 : i32 to index
        %swap3A_268 = tpu.vector_load %arg8[%swap3A_267] {strides = array<i32>} : memref<8192xf32, #tpu.memory_space<vmem>>, vector<16xf32>,
        tpu.vector_store %arg8[%swap3A_267], %gather3A_264 {strides = array<i32>} : memref<8192xf32, #tpu.memory_space<vmem>>, vector<16xf32>,
        %add3A_269 = arith.constant 32 : i32
        %add3A_270 = arith.addi %mul3A_210, %add3A_269 : i32
        %add3A_271 = vector.broadcast %add3A_270 : i32 to vector<16xi32>
        %add3A_272 = arith.addi %iota3A, %add3A_271 : vector<16xi32>
        %gather3A_273 = arith.constant 0 : i32
        %gather3A_274 = arith.constant 0 : i32
        %gather3A_275 = tpu.memref_slice %arg7[%rem3A_157, %gather3A_273, %gather3A_274] : memref<2x256x32xf32, #tpu.memory_space<vmem>> -> memref<1x256x32xf32, #tpu.memory_space<vmem>>
        %gather3A_276 = tpu.memref_squeeze %gather3A_275 : memref<1x256x32xf32, #tpu.memory_space<vmem>> -> memref<256x32xf32, #tpu.memory_space<vmem>>
        %gather3A_277 = tpu.vector_load_idx %gather3A_276[%add3A_272, %broadcast_in_dim3A] : memref<256x32xf32, #tpu.memory_space<vmem>>[vector<16xi32>, vector<16xi32>], vector<16xf32>,
        %add3A_278 = arith.constant 32 : i32
        %add3A_279 = arith.addi %add3A_244, %add3A_278 : i32
        %swap3A_280 = arith.index_cast %add3A_279 : i32 to index
        %swap3A_281 = tpu.vector_load %arg8[%swap3A_280] {strides = array<i32>} : memref<8192xf32, #tpu.memory_space<vmem>>, vector<16xf32>,
        tpu.vector_store %arg8[%swap3A_280], %gather3A_277 {strides = array<i32>} : memref<8192xf32, #tpu.memory_space<vmem>>, vector<16xf32>,
        %add3A_282 = arith.constant 48 : i32
        %add3A_283 = arith.addi %mul3A_210, %add3A_282 : i32
        %add3A_284 = vector.broadcast %add3A_283 : i32 to vector<16xi32>
        %add3A_285 = arith.addi %iota3A, %add3A_284 : vector<16xi32>
        %gather3A_286 = arith.constant 0 : i32
        %gather3A_287 = arith.constant 0 : i32
        %gather3A_288 = tpu.memref_slice %arg7[%rem3A_157, %gather3A_286, %gather3A_287] : memref<2x256x32xf32, #tpu.memory_space<vmem>> -> memref<1x256x32xf32, #tpu.memory_space<vmem>>
        %gather3A_289 = tpu.memref_squeeze %gather3A_288 : memref<1x256x32xf32, #tpu.memory_space<vmem>> -> memref<256x32xf32, #tpu.memory_space<vmem>>
        %gather3A_290 = tpu.vector_load_idx %gather3A_289[%add3A_285, %broadcast_in_dim3A] : memref<256x32xf32, #tpu.memory_space<vmem>>[vector<16xi32>, vector<16xi32>], vector<16xf32>,
        %add3A_291 = arith.constant 48 : i32
        %add3A_292 = arith.addi %add3A_244, %add3A_291 : i32
        %swap3A_293 = arith.index_cast %add3A_292 : i32 to index
        %swap3A_294 = tpu.vector_load %arg8[%swap3A_293] {strides = array<i32>} : memref<8192xf32, #tpu.memory_space<vmem>>, vector<16xf32>,
        tpu.vector_store %arg8[%swap3A_293], %gather3A_290 {strides = array<i32>} : memref<8192xf32, #tpu.memory_space<vmem>>, vector<16xf32>,
        %add3A_295 = arith.constant 64 : i32
        %add3A_296 = arith.addi %mul3A_210, %add3A_295 : i32
        %add3A_297 = vector.broadcast %add3A_296 : i32 to vector<16xi32>
        %add3A_298 = arith.addi %iota3A, %add3A_297 : vector<16xi32>
        %gather3A_299 = arith.constant 0 : i32
        %gather3A_300 = arith.constant 0 : i32
        %gather3A_301 = tpu.memref_slice %arg7[%rem3A_157, %gather3A_299, %gather3A_300] : memref<2x256x32xf32, #tpu.memory_space<vmem>> -> memref<1x256x32xf32, #tpu.memory_space<vmem>>
        %gather3A_302 = tpu.memref_squeeze %gather3A_301 : memref<1x256x32xf32, #tpu.memory_space<vmem>> -> memref<256x32xf32, #tpu.memory_space<vmem>>
        %gather3A_303 = tpu.vector_load_idx %gather3A_302[%add3A_298, %broadcast_in_dim3A] : memref<256x32xf32, #tpu.memory_space<vmem>>[vector<16xi32>, vector<16xi32>], vector<16xf32>,
        %add3A_304 = arith.constant 64 : i32
        %add3A_305 = arith.addi %add3A_244, %add3A_304 : i32
        %swap3A_306 = arith.index_cast %add3A_305 : i32 to index
        %swap3A_307 = tpu.vector_load %arg8[%swap3A_306] {strides = array<i32>} : memref<8192xf32, #tpu.memory_space<vmem>>, vector<16xf32>,
        tpu.vector_store %arg8[%swap3A_306], %gather3A_303 {strides = array<i32>} : memref<8192xf32, #tpu.memory_space<vmem>>, vector<16xf32>,
        %add3A_308 = arith.constant 80 : i32
        %add3A_309 = arith.addi %mul3A_210, %add3A_308 : i32
        %add3A_310 = vector.broadcast %add3A_309 : i32 to vector<16xi32>
        %add3A_311 = arith.addi %iota3A, %add3A_310 : vector<16xi32>
        %gather3A_312 = arith.constant 0 : i32
        %gather3A_313 = arith.constant 0 : i32
        %gather3A_314 = tpu.memref_slice %arg7[%rem3A_157, %gather3A_312, %gather3A_313] : memref<2x256x32xf32, #tpu.memory_space<vmem>> -> memref<1x256x32xf32, #tpu.memory_space<vmem>>
        %gather3A_315 = tpu.memref_squeeze %gather3A_314 : memref<1x256x32xf32, #tpu.memory_space<vmem>> -> memref<256x32xf32, #tpu.memory_space<vmem>>
        %gather3A_316 = tpu.vector_load_idx %gather3A_315[%add3A_311, %broadcast_in_dim3A] : memref<256x32xf32, #tpu.memory_space<vmem>>[vector<16xi32>, vector<16xi32>], vector<16xf32>,
        %add3A_317 = arith.constant 80 : i32
        %add3A_318 = arith.addi %add3A_244, %add3A_317 : i32
        %swap3A_319 = arith.index_cast %add3A_318 : i32 to index
        %swap3A_320 = tpu.vector_load %arg8[%swap3A_319] {strides = array<i32>} : memref<8192xf32, #tpu.memory_space<vmem>>, vector<16xf32>,
        tpu.vector_store %arg8[%swap3A_319], %gather3A_316 {strides = array<i32>} : memref<8192xf32, #tpu.memory_space<vmem>>, vector<16xf32>,
        %add3A_321 = arith.constant 96 : i32
        %add3A_322 = arith.addi %mul3A_210, %add3A_321 : i32
        %add3A_323 = vector.broadcast %add3A_322 : i32 to vector<16xi32>
        %add3A_324 = arith.addi %iota3A, %add3A_323 : vector<16xi32>
        %gather3A_325 = arith.constant 0 : i32
        %gather3A_326 = arith.constant 0 : i32
        %gather3A_327 = tpu.memref_slice %arg7[%rem3A_157, %gather3A_325, %gather3A_326] : memref<2x256x32xf32, #tpu.memory_space<vmem>> -> memref<1x256x32xf32, #tpu.memory_space<vmem>>
        %gather3A_328 = tpu.memref_squeeze %gather3A_327 : memref<1x256x32xf32, #tpu.memory_space<vmem>> -> memref<256x32xf32, #tpu.memory_space<vmem>>
        %gather3A_329 = tpu.vector_load_idx %gather3A_328[%add3A_324, %broadcast_in_dim3A] : memref<256x32xf32, #tpu.memory_space<vmem>>[vector<16xi32>, vector<16xi32>], vector<16xf32>,
        %add3A_330 = arith.constant 96 : i32
        %add3A_331 = arith.addi %add3A_244, %add3A_330 : i32
        %swap3A_332 = arith.index_cast %add3A_331 : i32 to index
        %swap3A_333 = tpu.vector_load %arg8[%swap3A_332] {strides = array<i32>} : memref<8192xf32, #tpu.memory_space<vmem>>, vector<16xf32>,
        tpu.vector_store %arg8[%swap3A_332], %gather3A_329 {strides = array<i32>} : memref<8192xf32, #tpu.memory_space<vmem>>, vector<16xf32>,
        %add3A_334 = arith.constant 112 : i32
        %add3A_335 = arith.addi %mul3A_210, %add3A_334 : i32
        %add3A_336 = vector.broadcast %add3A_335 : i32 to vector<16xi32>
        %add3A_337 = arith.addi %iota3A, %add3A_336 : vector<16xi32>
        %gather3A_338 = arith.constant 0 : i32
        %gather3A_339 = arith.constant 0 : i32
        %gather3A_340 = tpu.memref_slice %arg7[%rem3A_157, %gather3A_338, %gather3A_339] : memref<2x256x32xf32, #tpu.memory_space<vmem>> -> memref<1x256x32xf32, #tpu.memory_space<vmem>>
        %gather3A_341 = tpu.memref_squeeze %gather3A_340 : memref<1x256x32xf32, #tpu.memory_space<vmem>> -> memref<256x32xf32, #tpu.memory_space<vmem>>
        %gather3A_342 = tpu.vector_load_idx %gather3A_341[%add3A_337, %broadcast_in_dim3A] : memref<256x32xf32, #tpu.memory_space<vmem>>[vector<16xi32>, vector<16xi32>], vector<16xf32>,
        %add3A_343 = arith.constant 112 : i32
        %add3A_344 = arith.addi %add3A_244, %add3A_343 : i32
        %swap3A_345 = arith.index_cast %add3A_344 : i32 to index
        %swap3A_346 = tpu.vector_load %arg8[%swap3A_345] {strides = array<i32>} : memref<8192xf32, #tpu.memory_space<vmem>>, vector<16xf32>,
        tpu.vector_store %arg8[%swap3A_345], %gather3A_342 {strides = array<i32>} : memref<8192xf32, #tpu.memory_space<vmem>>, vector<16xf32>,
      }
      %scan3A_182 = arith.constant 64 : i32
      %scan3A_183 = arith.constant 0 : i32
      %scan3A_184 = arith.constant 0 : i32
      %scan3A_185 = arith.constant 8 : i32
      %scan3A_186 = arith.addi %scan3A_184, %scan3A_185 : i32
      %scan3A_187 = arith.constant 1 : i32
      scf.for %scan3A_189 = %scan3A_184 to %scan3A_186 step %scan3A_187  : i32 {
        %jit3A = arith.constant 4 : i32
        %div3A = arith.divsi %scan3A_189, %jit3A : i32
        %sign3A = arith.constant 0 : i32
        %sign3A_190 = arith.cmpi sgt, %scan3A_189, %sign3A : i32
        %sign3A_191 = arith.extui %sign3A_190 : i1 to i32
        %sign3A_192 = arith.constant 0 : i32
        %sign3A_193 = arith.cmpi slt, %scan3A_189, %sign3A_192 : i32
        %sign3A_194 = arith.extui %sign3A_193 : i1 to i32
        %sign3A_195 = arith.subi %sign3A_191, %sign3A_194 : i32
        %sign3A_196 = arith.constant 0 : i32
        %sign3A_197 = arith.cmpi sgt, %jit3A, %sign3A_196 : i32
        %sign3A_198 = arith.extui %sign3A_197 : i1 to i32
        %sign3A_199 = arith.constant 0 : i32
        %sign3A_200 = arith.cmpi slt, %jit3A, %sign3A_199 : i32
        %sign3A_201 = arith.extui %sign3A_200 : i1 to i32
        %sign3A_202 = arith.subi %sign3A_198, %sign3A_201 : i32
        %ne3A = arith.cmpi ne, %sign3A_195, %sign3A_202 : i32
        %rem3A_203 = arith.remsi %scan3A_189, %jit3A : i32
        %ne3A_204 = arith.constant 0 : i32
        %ne3A_205 = arith.cmpi ne, %rem3A_203, %ne3A_204 : i32
        %and3A = arith.andi %ne3A, %ne3A_205 : i1
        %sub3A = arith.constant 1 : i32
        %sub3A_206 = arith.subi %div3A, %sub3A : i32
        %select_n3A = arith.select %and3A, %sub3A_206, %div3A : i32
        %rem3A_207 = arith.constant 4 : i32
        %rem3A_208 = arith.remsi %scan3A_189, %rem3A_207 : i32
        %mul3A_209 = arith.constant 4096 : i32
        %mul3A_210 = arith.muli %select_n3A, %mul3A_209 : i32
        %mul3A_211 = arith.constant 1024 : i32
        %mul3A_212 = arith.muli %rem3A_208, %mul3A_211 : i32
        %add3A_213 = arith.addi %mul3A_210, %mul3A_212 : i32
        %add3A_214 = arith.addi %mul3A_159, %select_n3A : i32
        %dma_start3A_215 = tpu.memref_slice %arg8[%add3A_213] : memref<8192xf32, #tpu.memory_space<vmem>> -> memref<1024xf32, #tpu.memory_space<vmem>>
        %dma_start3A_216 = arith.constant 0 : i32
        %dma_start3A_217 = tpu.memref_slice %arg4[%add3A_214, %rem3A_208, %add3A_47, %dma_start3A_216] : memref<50x4x128x1024xf32, #tpu.memory_space<hbm>> -> memref<1x1x1x1024xf32, #tpu.memory_space<hbm>>
        %dma_start3A_218 = tpu.memref_squeeze %dma_start3A_217 : memref<1x1x1x1024xf32, #tpu.memory_space<hbm>> -> memref<1024xf32, #tpu.memory_space<hbm>>
        %dma_start3A_219 = arith.constant 0 : i32
        %dma_start3A_220 = tpu.memref_slice %arg4[%add3A_214, %rem3A_208, %add3A_47, %dma_start3A_219] : memref<50x4x128x1024xf32, #tpu.memory_space<hbm>> -> memref<1x1x1x1024xf32, #tpu.memory_space<hbm>>
        %dma_start3A_221 = tpu.memref_squeeze %dma_start3A_220 : memref<1x1x1x1024xf32, #tpu.memory_space<hbm>> -> memref<1024xf32, #tpu.memory_space<hbm>>
        %dma_start3A_222 = tpu.memref_slice %arg8[%add3A_213] : memref<8192xf32, #tpu.memory_space<vmem>> -> memref<1024xf32, #tpu.memory_space<vmem>>
        tpu.enqueue_dma source(%dma_start3A_222 : memref<1024xf32, #tpu.memory_space<vmem>>) target(%dma_start3A_221 : memref<1024xf32, #tpu.memory_space<hbm>>) target_semaphore(%arg11 : memref<!tpu.dma_semaphore, #tpu.memory_space<semaphore_mem>>)
      }
      %scan3A_188 = arith.constant 8 : i32
    }
    %scan3A_73 = arith.constant 25 : i32
    %scan3A_74 = arith.constant 0 : i32
    %scan3A_75 = arith.constant 0 : i32
    %scan3A_76 = arith.constant 8 : i32
    %scan3A_77 = arith.addi %scan3A_75, %scan3A_76 : i32
    %scan3A_78 = arith.constant 1 : i32
    scf.for %scan3A_156 = %scan3A_75 to %scan3A_77 step %scan3A_78  : i32 {
      %dma_wait3A = arith.constant 0 : i32
      %dma_wait3A_157 = arith.constant 0 : i32
      %dma_wait3A_158 = arith.constant 0 : i32
      %dma_wait3A_159 = arith.constant 0 : i32
      %dma_wait3A_160 = tpu.memref_slice %arg8[%dma_wait3A_159] : memref<8192xf32, #tpu.memory_space<vmem>> -> memref<1024xf32, #tpu.memory_space<vmem>>
      %dma_wait3A_161 = arith.constant 0 : i32
      %dma_wait3A_162 = tpu.memref_slice %arg4[%dma_wait3A, %dma_wait3A_157, %dma_wait3A_158, %dma_wait3A_161] : memref<50x4x128x1024xf32, #tpu.memory_space<hbm>> -> memref<1x1x1x1024xf32, #tpu.memory_space<hbm>>
      %dma_wait3A_163 = tpu.memref_squeeze %dma_wait3A_162 : memref<1x1x1x1024xf32, #tpu.memory_space<hbm>> -> memref<1024xf32, #tpu.memory_space<hbm>>
      %dma_wait3A_164 = arith.constant 0 : i32
      %dma_wait3A_165 = tpu.memref_slice %arg4[%dma_wait3A, %dma_wait3A_157, %dma_wait3A_158, %dma_wait3A_164] : memref<50x4x128x1024xf32, #tpu.memory_space<hbm>> -> memref<1x1x1x1024xf32, #tpu.memory_space<hbm>>
      %dma_wait3A_166 = tpu.memref_squeeze %dma_wait3A_165 : memref<1x1x1x1024xf32, #tpu.memory_space<hbm>> -> memref<1024xf32, #tpu.memory_space<hbm>>
      %dma_wait3A_167 = arith.constant 0 : i32
      %dma_wait3A_168 = tpu.memref_slice %arg8[%dma_wait3A_167] : memref<8192xf32, #tpu.memory_space<vmem>> -> memref<1024xf32, #tpu.memory_space<vmem>>
      tpu.wait_dma2 semaphore(%arg11 : memref<!tpu.dma_semaphore, #tpu.memory_space<semaphore_mem>>) src(%dma_wait3A_168 : memref<1024xf32, #tpu.memory_space<vmem>>) dst(%dma_wait3A_166 : memref<1024xf32, #tpu.memory_space<hbm>>)
    }
    %scan3A_79 = arith.constant 8 : i32
    %add3A_80 = arith.constant 256 : i32
    %add3A_81 = arith.addi %mul3A_2, %add3A_80 : i32
    %mul3A_82 = arith.constant 4 : i32
    %mul3A_83 = arith.muli %add3A, %mul3A_82 : i32
    %add3A_84 = arith.constant 2 : i32
    %add3A_85 = arith.addi %mul3A_83, %add3A_84 : i32
    %mul3A_86 = arith.constant 50 : i32
    %mul3A_87 = arith.muli %add3A_81, %mul3A_86 : i32
    "tpu.region"() ({
      %run_scoped3A = tpu.sem_alloc : memref<!tpu.dma_semaphore, #tpu.memory_space<semaphore_mem>>
      %dma_start3A_156 = tpu.memref_slice %arg2[%mul3A_87] : memref<819200xi32, #tpu.memory_space<hbm>> -> memref<6400xi32, #tpu.memory_space<hbm>>
      %dma_start3A_157 = tpu.memref_slice %arg2[%mul3A_87] : memref<819200xi32, #tpu.memory_space<hbm>> -> memref<6400xi32, #tpu.memory_space<hbm>>
      tpu.enqueue_dma source(%dma_start3A_157 : memref<6400xi32, #tpu.memory_space<hbm>>) target(%arg5 : memref<6400xi32, #tpu.memory_space<vmem>>) target_semaphore(%run_scoped3A : memref<!tpu.dma_semaphore, #tpu.memory_space<semaphore_mem>>)
      %dma_wait3A = tpu.memref_slice %arg2[%mul3A_87] : memref<819200xi32, #tpu.memory_space<hbm>> -> memref<6400xi32, #tpu.memory_space<hbm>>
      %dma_wait3A_158 = tpu.memref_slice %arg2[%mul3A_87] : memref<819200xi32, #tpu.memory_space<hbm>> -> memref<6400xi32, #tpu.memory_space<hbm>>
      tpu.wait_dma2 semaphore(%run_scoped3A : memref<!tpu.dma_semaphore, #tpu.memory_space<semaphore_mem>>) src(%dma_wait3A_158 : memref<6400xi32, #tpu.memory_space<hbm>>) dst(%arg5 : memref<6400xi32, #tpu.memory_space<vmem>>)
      tpu.yield
    }) : () -> ()
    %scan3A_88 = arith.constant 0 : i32
    %scan3A_89 = arith.constant 0 : i32
    %scan3A_90 = arith.constant 16 : i32
    %scan3A_91 = arith.addi %scan3A_89, %scan3A_90 : i32
    %scan3A_92 = arith.constant 1 : i32
    scf.for %scan3A_156 = %scan3A_89 to %scan3A_91 step %scan3A_92  : i32 {
      %jit3A = arith.constant 8 : i32
      %div3A = arith.divsi %scan3A_156, %jit3A : i32
      %sign3A = arith.constant 0 : i32
      %sign3A_157 = arith.cmpi sgt, %scan3A_156, %sign3A : i32
      %sign3A_158 = arith.extui %sign3A_157 : i1 to i32
      %sign3A_159 = arith.constant 0 : i32
      %sign3A_160 = arith.cmpi slt, %scan3A_156, %sign3A_159 : i32
      %sign3A_161 = arith.extui %sign3A_160 : i1 to i32
      %sign3A_162 = arith.subi %sign3A_158, %sign3A_161 : i32
      %sign3A_163 = arith.constant 0 : i32
      %sign3A_164 = arith.cmpi sgt, %jit3A, %sign3A_163 : i32
      %sign3A_165 = arith.extui %sign3A_164 : i1 to i32
      %sign3A_166 = arith.constant 0 : i32
      %sign3A_167 = arith.cmpi slt, %jit3A, %sign3A_166 : i32
      %sign3A_168 = arith.extui %sign3A_167 : i1 to i32
      %sign3A_169 = arith.subi %sign3A_165, %sign3A_168 : i32
      %ne3A = arith.cmpi ne, %sign3A_162, %sign3A_169 : i32
      %rem3A = arith.remsi %scan3A_156, %jit3A : i32
      %ne3A_170 = arith.constant 0 : i32
      %ne3A_171 = arith.cmpi ne, %rem3A, %ne3A_170 : i32
      %and3A = arith.andi %ne3A, %ne3A_171 : i1
      %sub3A = arith.constant 1 : i32
      %sub3A_172 = arith.subi %div3A, %sub3A : i32
      %select_n3A = arith.select %and3A, %sub3A_172, %div3A : i32
      %rem3A_173 = arith.constant 8 : i32
      %rem3A_174 = arith.remsi %scan3A_156, %rem3A_173 : i32
      %mul3A_175 = arith.constant 16 : i32
      %mul3A_176 = arith.muli %rem3A_174, %mul3A_175 : i32
      %mul3A_177 = arith.constant 50 : i32
      %mul3A_178 = arith.muli %mul3A_176, %mul3A_177 : i32
      %add3A_179 = arith.constant 0 : i32
      %add3A_180 = arith.addi %mul3A_178, %add3A_179 : i32
      %add3A_181 = arith.addi %add3A_180, %select_n3A : i32
      %add3A_182 = vector.broadcast %add3A_181 : i32 to vector<16xi32>
      %add3A_183 = arith.addi %mul3A_5, %add3A_182 : vector<16xi32>
      %gather3A = tpu.vector_load_idx %arg5[%add3A_183] : memref<6400xi32, #tpu.memory_space<vmem>>[vector<16xi32>], vector<16xi32>,
      %mul3A_184 = arith.constant 16 : i32
      %mul3A_185 = arith.muli %scan3A_156, %mul3A_184 : i32
      %swap3A = arith.constant 0 : i32
      %swap3A_186 = arith.index_cast %swap3A : i32 to index
      %swap3A_187 = arith.index_cast %mul3A_185 : i32 to index
      %swap3A_188 = tpu.vector_load %arg6[%swap3A_186, %swap3A_187] {strides = array<i32>} : memref<2x256xi32, #tpu.memory_space<vmem>>, vector<16xi32>,
      tpu.vector_store %arg6[%swap3A_186, %swap3A_187], %gather3A {strides = array<i32>} : memref<2x256xi32, #tpu.memory_space<vmem>>, vector<16xi32>,
    }
    %scan3A_93 = arith.constant 16 : i32
    %dma_start3A_94 = arith.constant 0 : i32
    %dma_start3A_95 = arith.constant 0 : i32
    %dma_start3A_96 = arith.constant 0 : i32
    %dma_start3A_97 = arith.constant 0 : i32
    %dma_start3A_98 = tpu.memref_slice %arg7[%dma_start3A_95, %dma_start3A_96, %dma_start3A_97] : memref<2x256x32xf32, #tpu.memory_space<vmem>> -> memref<1x256x32xf32, #tpu.memory_space<vmem>>
    %dma_start3A_99 = tpu.memref_squeeze %dma_start3A_98 : memref<1x256x32xf32, #tpu.memory_space<vmem>> -> memref<256x32xf32, #tpu.memory_space<vmem>>
    %dma_start3A_100 = arith.constant 0 : i32
    %dma_start3A_101 = tpu.memref_slice %arg6[%dma_start3A_94, %dma_start3A_100] : memref<2x256xi32, #tpu.memory_space<vmem>> -> memref<1x256xi32, #tpu.memory_space<vmem>>
    %dma_start3A_102 = tpu.memref_squeeze %dma_start3A_101 : memref<1x256xi32, #tpu.memory_space<vmem>> -> memref<256xi32, #tpu.memory_space<vmem>>
    %dma_start3A_103 = arith.constant 0 : i32
    %dma_start3A_104 = arith.constant 0 : i32
    %dma_start3A_105 = tpu.memref_slice %arg3[%dma_start3A_103, %dma_start3A_104] : memref<1000000x32xf32, #tpu.memory_space<hbm>> -> memref<1000000x32xf32, #tpu.memory_space<hbm>>
    tpu.enqueue_indirect_dma source(%dma_start3A_105 : memref<1000000x32xf32, #tpu.memory_space<hbm>>) target(%dma_start3A_99 : memref<256x32xf32, #tpu.memory_space<vmem>>) offsets(%dma_start3A_102 : memref<256xi32, #tpu.memory_space<vmem>>) semaphore(%arg9 : memref<!tpu.dma_semaphore, #tpu.memory_space<semaphore_mem>>)
    %scan3A_106 = arith.constant 0 : i32
    %scan3A_107 = arith.constant 0 : i32
    %scan3A_108 = arith.constant 25 : i32
    %scan3A_109 = arith.addi %scan3A_107, %scan3A_108 : i32
    %scan3A_110 = arith.constant 1 : i32
    scf.for %scan3A_156 = %scan3A_107 to %scan3A_109 step %scan3A_110  : i32 {
      %rem3A = arith.constant 2 : i32
      %rem3A_157 = arith.remsi %scan3A_156, %rem3A : i32
      %mul3A_158 = arith.constant 2 : i32
      %mul3A_159 = arith.muli %scan3A_156, %mul3A_158 : i32
      %add3A_160 = arith.constant 1 : i32
      %add3A_161 = arith.addi %scan3A_156, %add3A_160 : i32
      %lt3A = arith.constant 25 : i32
      %lt3A_162 = arith.cmpi slt, %add3A_161, %lt3A : i32
      %convert_element_type3A = arith.extui %lt3A_162 : i1 to i32
      %cond3A = arith.constant 0 : i32
      %cond3A_163 = arith.cmpi ne, %convert_element_type3A, %cond3A : i32
      scf.if %cond3A_163 {
        %add3A_189 = arith.constant 1 : i32
        %add3A_190 = arith.addi %scan3A_156, %add3A_189 : i32
        %sub3A = arith.constant 1 : i32
        %sub3A_191 = arith.subi %sub3A, %rem3A_157 : i32
        %mul3A_192 = arith.constant 2 : i32
        %mul3A_193 = arith.muli %add3A_190, %mul3A_192 : i32
        %scan3A_194 = arith.constant 0 : i32
        %scan3A_195 = arith.constant 0 : i32
        %scan3A_196 = arith.constant 16 : i32
        %scan3A_197 = arith.addi %scan3A_195, %scan3A_196 : i32
        %scan3A_198 = arith.constant 1 : i32
        scf.for %scan3A_212 = %scan3A_195 to %scan3A_197 step %scan3A_198  : i32 {
          %jit3A = arith.constant 8 : i32
          %div3A = arith.divsi %scan3A_212, %jit3A : i32
          %sign3A = arith.constant 0 : i32
          %sign3A_213 = arith.cmpi sgt, %scan3A_212, %sign3A : i32
          %sign3A_214 = arith.extui %sign3A_213 : i1 to i32
          %sign3A_215 = arith.constant 0 : i32
          %sign3A_216 = arith.cmpi slt, %scan3A_212, %sign3A_215 : i32
          %sign3A_217 = arith.extui %sign3A_216 : i1 to i32
          %sign3A_218 = arith.subi %sign3A_214, %sign3A_217 : i32
          %sign3A_219 = arith.constant 0 : i32
          %sign3A_220 = arith.cmpi sgt, %jit3A, %sign3A_219 : i32
          %sign3A_221 = arith.extui %sign3A_220 : i1 to i32
          %sign3A_222 = arith.constant 0 : i32
          %sign3A_223 = arith.cmpi slt, %jit3A, %sign3A_222 : i32
          %sign3A_224 = arith.extui %sign3A_223 : i1 to i32
          %sign3A_225 = arith.subi %sign3A_221, %sign3A_224 : i32
          %ne3A = arith.cmpi ne, %sign3A_218, %sign3A_225 : i32
          %rem3A_226 = arith.remsi %scan3A_212, %jit3A : i32
          %ne3A_227 = arith.constant 0 : i32
          %ne3A_228 = arith.cmpi ne, %rem3A_226, %ne3A_227 : i32
          %and3A = arith.andi %ne3A, %ne3A_228 : i1
          %sub3A_229 = arith.constant 1 : i32
          %sub3A_230 = arith.subi %div3A, %sub3A_229 : i32
          %select_n3A = arith.select %and3A, %sub3A_230, %div3A : i32
          %rem3A_231 = arith.constant 8 : i32
          %rem3A_232 = arith.remsi %scan3A_212, %rem3A_231 : i32
          %mul3A_233 = arith.constant 16 : i32
          %mul3A_234 = arith.muli %rem3A_232, %mul3A_233 : i32
          %mul3A_235 = arith.constant 50 : i32
          %mul3A_236 = arith.muli %mul3A_234, %mul3A_235 : i32
          %add3A_237 = arith.addi %mul3A_236, %mul3A_193 : i32
          %add3A_238 = arith.addi %add3A_237, %select_n3A : i32
          %add3A_239 = vector.broadcast %add3A_238 : i32 to vector<16xi32>
          %add3A_240 = arith.addi %mul3A_5, %add3A_239 : vector<16xi32>
          %gather3A = tpu.vector_load_idx %arg5[%add3A_240] : memref<6400xi32, #tpu.memory_space<vmem>>[vector<16xi32>], vector<16xi32>,
          %mul3A_241 = arith.constant 16 : i32
          %mul3A_242 = arith.muli %scan3A_212, %mul3A_241 : i32
          %swap3A = arith.index_cast %sub3A_191 : i32 to index
          %swap3A_243 = arith.index_cast %mul3A_242 : i32 to index
          %swap3A_244 = tpu.vector_load %arg6[%swap3A, %swap3A_243] {strides = array<i32>} : memref<2x256xi32, #tpu.memory_space<vmem>>, vector<16xi32>,
          tpu.vector_store %arg6[%swap3A, %swap3A_243], %gather3A {strides = array<i32>} : memref<2x256xi32, #tpu.memory_space<vmem>>, vector<16xi32>,
        }
        %scan3A_199 = arith.constant 16 : i32
        %sub3A_200 = arith.constant 1 : i32
        %sub3A_201 = arith.subi %sub3A_200, %rem3A_157 : i32
        %eq3A_202 = arith.constant 0 : i32
        %eq3A_203 = arith.cmpi eq, %sub3A_201, %eq3A_202 : i32
        %convert_element_type3A_204 = arith.extui %eq3A_203 : i1 to i32
        %cond3A_205 = arith.constant 0 : i32
        %cond3A_206 = arith.cmpi ne, %convert_element_type3A_204, %cond3A_205 : i32
        scf.if %cond3A_206 {
          %dma_start3A_212 = arith.constant 0 : i32
          %dma_start3A_213 = arith.constant 0 : i32
          %dma_start3A_214 = arith.constant 0 : i32
          %dma_start3A_215 = arith.constant 0 : i32
          %dma_start3A_216 = tpu.memref_slice %arg7[%dma_start3A_213, %dma_start3A_214, %dma_start3A_215] : memref<2x256x32xf32, #tpu.memory_space<vmem>> -> memref<1x256x32xf32, #tpu.memory_space<vmem>>
          %dma_start3A_217 = tpu.memref_squeeze %dma_start3A_216 : memref<1x256x32xf32, #tpu.memory_space<vmem>> -> memref<256x32xf32, #tpu.memory_space<vmem>>
          %dma_start3A_218 = arith.constant 0 : i32
          %dma_start3A_219 = tpu.memref_slice %arg6[%dma_start3A_212, %dma_start3A_218] : memref<2x256xi32, #tpu.memory_space<vmem>> -> memref<1x256xi32, #tpu.memory_space<vmem>>
          %dma_start3A_220 = tpu.memref_squeeze %dma_start3A_219 : memref<1x256xi32, #tpu.memory_space<vmem>> -> memref<256xi32, #tpu.memory_space<vmem>>
          %dma_start3A_221 = arith.constant 0 : i32
          %dma_start3A_222 = arith.constant 0 : i32
          %dma_start3A_223 = tpu.memref_slice %arg3[%dma_start3A_221, %dma_start3A_222] : memref<1000000x32xf32, #tpu.memory_space<hbm>> -> memref<1000000x32xf32, #tpu.memory_space<hbm>>
          tpu.enqueue_indirect_dma source(%dma_start3A_223 : memref<1000000x32xf32, #tpu.memory_space<hbm>>) target(%dma_start3A_217 : memref<256x32xf32, #tpu.memory_space<vmem>>) offsets(%dma_start3A_220 : memref<256xi32, #tpu.memory_space<vmem>>) semaphore(%arg9 : memref<!tpu.dma_semaphore, #tpu.memory_space<semaphore_mem>>)
        } else {
        }
        %eq3A_207 = arith.constant 1 : i32
        %eq3A_208 = arith.cmpi eq, %sub3A_201, %eq3A_207 : i32
        %convert_element_type3A_209 = arith.extui %eq3A_208 : i1 to i32
        %cond3A_210 = arith.constant 0 : i32
        %cond3A_211 = arith.cmpi ne, %convert_element_type3A_209, %cond3A_210 : i32
        scf.if %cond3A_211 {
          %dma_start3A_212 = arith.constant 1 : i32
          %dma_start3A_213 = arith.constant 1 : i32
          %dma_start3A_214 = arith.constant 0 : i32
          %dma_start3A_215 = arith.constant 0 : i32
          %dma_start3A_216 = tpu.memref_slice %arg7[%dma_start3A_213, %dma_start3A_214, %dma_start3A_215] : memref<2x256x32xf32, #tpu.memory_space<vmem>> -> memref<1x256x32xf32, #tpu.memory_space<vmem>>
          %dma_start3A_217 = tpu.memref_squeeze %dma_start3A_216 : memref<1x256x32xf32, #tpu.memory_space<vmem>> -> memref<256x32xf32, #tpu.memory_space<vmem>>
          %dma_start3A_218 = arith.constant 0 : i32
          %dma_start3A_219 = tpu.memref_slice %arg6[%dma_start3A_212, %dma_start3A_218] : memref<2x256xi32, #tpu.memory_space<vmem>> -> memref<1x256xi32, #tpu.memory_space<vmem>>
          %dma_start3A_220 = tpu.memref_squeeze %dma_start3A_219 : memref<1x256xi32, #tpu.memory_space<vmem>> -> memref<256xi32, #tpu.memory_space<vmem>>
          %dma_start3A_221 = arith.constant 0 : i32
          %dma_start3A_222 = arith.constant 0 : i32
          %dma_start3A_223 = tpu.memref_slice %arg3[%dma_start3A_221, %dma_start3A_222] : memref<1000000x32xf32, #tpu.memory_space<hbm>> -> memref<1000000x32xf32, #tpu.memory_space<hbm>>
          tpu.enqueue_indirect_dma source(%dma_start3A_223 : memref<1000000x32xf32, #tpu.memory_space<hbm>>) target(%dma_start3A_217 : memref<256x32xf32, #tpu.memory_space<vmem>>) offsets(%dma_start3A_220 : memref<256xi32, #tpu.memory_space<vmem>>) semaphore(%arg10 : memref<!tpu.dma_semaphore, #tpu.memory_space<semaphore_mem>>)
        } else {
        }
      } else {
      }
      %eq3A = arith.constant 0 : i32
      %eq3A_164 = arith.cmpi eq, %rem3A_157, %eq3A : i32
      %convert_element_type3A_165 = arith.extui %eq3A_164 : i1 to i32
      %cond3A_166 = arith.constant 0 : i32
      %cond3A_167 = arith.cmpi ne, %convert_element_type3A_165, %cond3A_166 : i32
      scf.if %cond3A_167 {
        %dma_wait3A = arith.constant 0 : i32
        %dma_wait3A_189 = arith.constant 0 : i32
        %dma_wait3A_190 = arith.constant 0 : i32
        %dma_wait3A_191 = arith.constant 0 : i32
        %dma_wait3A_192 = tpu.memref_slice %arg7[%dma_wait3A_189, %dma_wait3A_190, %dma_wait3A_191] : memref<2x256x32xf32, #tpu.memory_space<vmem>> -> memref<1x256x32xf32, #tpu.memory_space<vmem>>
        %dma_wait3A_193 = tpu.memref_squeeze %dma_wait3A_192 : memref<1x256x32xf32, #tpu.memory_space<vmem>> -> memref<256x32xf32, #tpu.memory_space<vmem>>
        %dma_wait3A_194 = arith.constant 0 : i32
        %dma_wait3A_195 = tpu.memref_slice %arg6[%dma_wait3A, %dma_wait3A_194] : memref<2x256xi32, #tpu.memory_space<vmem>> -> memref<1x256xi32, #tpu.memory_space<vmem>>
        %dma_wait3A_196 = tpu.memref_squeeze %dma_wait3A_195 : memref<1x256xi32, #tpu.memory_space<vmem>> -> memref<256xi32, #tpu.memory_space<vmem>>
        %dma_wait3A_197 = arith.constant 0 : i32
        %dma_wait3A_198 = arith.constant 0 : i32
        %dma_wait3A_199 = tpu.memref_slice %arg3[%dma_wait3A_197, %dma_wait3A_198] : memref<1000000x32xf32, #tpu.memory_space<hbm>> -> memref<1000000x32xf32, #tpu.memory_space<hbm>>
        tpu.wait_indirect_dma semaphore(%arg9 : memref<!tpu.dma_semaphore, #tpu.memory_space<semaphore_mem>>) src(%dma_wait3A_199 : memref<1000000x32xf32, #tpu.memory_space<hbm>>) dst(%dma_wait3A_193 : memref<256x32xf32, #tpu.memory_space<vmem>>)
      } else {
      }
      %eq3A_168 = arith.constant 1 : i32
      %eq3A_169 = arith.cmpi eq, %rem3A_157, %eq3A_168 : i32
      %convert_element_type3A_170 = arith.extui %eq3A_169 : i1 to i32
      %cond3A_171 = arith.constant 0 : i32
      %cond3A_172 = arith.cmpi ne, %convert_element_type3A_170, %cond3A_171 : i32
      scf.if %cond3A_172 {
        %dma_wait3A = arith.constant 1 : i32
        %dma_wait3A_189 = arith.constant 1 : i32
        %dma_wait3A_190 = arith.constant 0 : i32
        %dma_wait3A_191 = arith.constant 0 : i32
        %dma_wait3A_192 = tpu.memref_slice %arg7[%dma_wait3A_189, %dma_wait3A_190, %dma_wait3A_191] : memref<2x256x32xf32, #tpu.memory_space<vmem>> -> memref<1x256x32xf32, #tpu.memory_space<vmem>>
        %dma_wait3A_193 = tpu.memref_squeeze %dma_wait3A_192 : memref<1x256x32xf32, #tpu.memory_space<vmem>> -> memref<256x32xf32, #tpu.memory_space<vmem>>
        %dma_wait3A_194 = arith.constant 0 : i32
        %dma_wait3A_195 = tpu.memref_slice %arg6[%dma_wait3A, %dma_wait3A_194] : memref<2x256xi32, #tpu.memory_space<vmem>> -> memref<1x256xi32, #tpu.memory_space<vmem>>
        %dma_wait3A_196 = tpu.memref_squeeze %dma_wait3A_195 : memref<1x256xi32, #tpu.memory_space<vmem>> -> memref<256xi32, #tpu.memory_space<vmem>>
        %dma_wait3A_197 = arith.constant 0 : i32
        %dma_wait3A_198 = arith.constant 0 : i32
        %dma_wait3A_199 = tpu.memref_slice %arg3[%dma_wait3A_197, %dma_wait3A_198] : memref<1000000x32xf32, #tpu.memory_space<hbm>> -> memref<1000000x32xf32, #tpu.memory_space<hbm>>
        tpu.wait_indirect_dma semaphore(%arg10 : memref<!tpu.dma_semaphore, #tpu.memory_space<semaphore_mem>>) src(%dma_wait3A_199 : memref<1000000x32xf32, #tpu.memory_space<hbm>>) dst(%dma_wait3A_193 : memref<256x32xf32, #tpu.memory_space<vmem>>)
      } else {
      }
      %ge3A = arith.constant 1 : i32
      %ge3A_173 = arith.cmpi sge, %scan3A_156, %ge3A : i32
      %convert_element_type3A_174 = arith.extui %ge3A_173 : i1 to i32
      %cond3A_175 = arith.constant 0 : i32
      %cond3A_176 = arith.cmpi ne, %convert_element_type3A_174, %cond3A_175 : i32
      scf.if %cond3A_176 {
        %scan3A_189 = arith.constant 0 : i32
        %scan3A_190 = arith.constant 0 : i32
        %scan3A_191 = arith.constant 8 : i32
        %scan3A_192 = arith.addi %scan3A_190, %scan3A_191 : i32
        %scan3A_193 = arith.constant 1 : i32
        scf.for %scan3A_195 = %scan3A_190 to %scan3A_192 step %scan3A_193  : i32 {
          %dma_wait3A = arith.constant 0 : i32
          %dma_wait3A_196 = arith.constant 0 : i32
          %dma_wait3A_197 = arith.constant 0 : i32
          %dma_wait3A_198 = arith.constant 0 : i32
          %dma_wait3A_199 = tpu.memref_slice %arg8[%dma_wait3A_198] : memref<8192xf32, #tpu.memory_space<vmem>> -> memref<1024xf32, #tpu.memory_space<vmem>>
          %dma_wait3A_200 = arith.constant 0 : i32
          %dma_wait3A_201 = tpu.memref_slice %arg4[%dma_wait3A, %dma_wait3A_196, %dma_wait3A_197, %dma_wait3A_200] : memref<50x4x128x1024xf32, #tpu.memory_space<hbm>> -> memref<1x1x1x1024xf32, #tpu.memory_space<hbm>>
          %dma_wait3A_202 = tpu.memref_squeeze %dma_wait3A_201 : memref<1x1x1x1024xf32, #tpu.memory_space<hbm>> -> memref<1024xf32, #tpu.memory_space<hbm>>
          %dma_wait3A_203 = arith.constant 0 : i32
          %dma_wait3A_204 = tpu.memref_slice %arg4[%dma_wait3A, %dma_wait3A_196, %dma_wait3A_197, %dma_wait3A_203] : memref<50x4x128x1024xf32, #tpu.memory_space<hbm>> -> memref<1x1x1x1024xf32, #tpu.memory_space<hbm>>
          %dma_wait3A_205 = tpu.memref_squeeze %dma_wait3A_204 : memref<1x1x1x1024xf32, #tpu.memory_space<hbm>> -> memref<1024xf32, #tpu.memory_space<hbm>>
          %dma_wait3A_206 = arith.constant 0 : i32
          %dma_wait3A_207 = tpu.memref_slice %arg8[%dma_wait3A_206] : memref<8192xf32, #tpu.memory_space<vmem>> -> memref<1024xf32, #tpu.memory_space<vmem>>
          tpu.wait_dma2 semaphore(%arg11 : memref<!tpu.dma_semaphore, #tpu.memory_space<semaphore_mem>>) src(%dma_wait3A_207 : memref<1024xf32, #tpu.memory_space<vmem>>) dst(%dma_wait3A_205 : memref<1024xf32, #tpu.memory_space<hbm>>)
        }
        %scan3A_194 = arith.constant 8 : i32
      } else {
      }
      %scan3A_177 = arith.constant 0 : i32
      %scan3A_178 = arith.constant 0 : i32
      %scan3A_179 = arith.constant 64 : i32
      %scan3A_180 = arith.addi %scan3A_178, %scan3A_179 : i32
      %scan3A_181 = arith.constant 1 : i32
      scf.for %scan3A_189 = %scan3A_178 to %scan3A_180 step %scan3A_181  : i32 {
        %jit3A = arith.constant 32 : i32
        %div3A = arith.divsi %scan3A_189, %jit3A : i32
        %sign3A = arith.constant 0 : i32
        %sign3A_190 = arith.cmpi sgt, %scan3A_189, %sign3A : i32
        %sign3A_191 = arith.extui %sign3A_190 : i1 to i32
        %sign3A_192 = arith.constant 0 : i32
        %sign3A_193 = arith.cmpi slt, %scan3A_189, %sign3A_192 : i32
        %sign3A_194 = arith.extui %sign3A_193 : i1 to i32
        %sign3A_195 = arith.subi %sign3A_191, %sign3A_194 : i32
        %sign3A_196 = arith.constant 0 : i32
        %sign3A_197 = arith.cmpi sgt, %jit3A, %sign3A_196 : i32
        %sign3A_198 = arith.extui %sign3A_197 : i1 to i32
        %sign3A_199 = arith.constant 0 : i32
        %sign3A_200 = arith.cmpi slt, %jit3A, %sign3A_199 : i32
        %sign3A_201 = arith.extui %sign3A_200 : i1 to i32
        %sign3A_202 = arith.subi %sign3A_198, %sign3A_201 : i32
        %ne3A = arith.cmpi ne, %sign3A_195, %sign3A_202 : i32
        %rem3A_203 = arith.remsi %scan3A_189, %jit3A : i32
        %ne3A_204 = arith.constant 0 : i32
        %ne3A_205 = arith.cmpi ne, %rem3A_203, %ne3A_204 : i32
        %and3A = arith.andi %ne3A, %ne3A_205 : i1
        %sub3A = arith.constant 1 : i32
        %sub3A_206 = arith.subi %div3A, %sub3A : i32
        %select_n3A = arith.select %and3A, %sub3A_206, %div3A : i32
        %rem3A_207 = arith.constant 32 : i32
        %rem3A_208 = arith.remsi %scan3A_189, %rem3A_207 : i32
        %broadcast_in_dim3A = vector.broadcast %rem3A_208 : i32 to vector<16xi32>
        %mul3A_209 = arith.constant 128 : i32
        %mul3A_210 = arith.muli %select_n3A, %mul3A_209 : i32
        %mul3A_211 = arith.constant 4096 : i32
        %mul3A_212 = arith.muli %select_n3A, %mul3A_211 : i32
        %jit3A_213 = arith.constant 8 : i32
        %div3A_214 = arith.divsi %rem3A_208, %jit3A_213 : i32
        %sign3A_215 = arith.constant 0 : i32
        %sign3A_216 = arith.cmpi sgt, %rem3A_208, %sign3A_215 : i32
        %sign3A_217 = arith.extui %sign3A_216 : i1 to i32
        %sign3A_218 = arith.constant 0 : i32
        %sign3A_219 = arith.cmpi slt, %rem3A_208, %sign3A_218 : i32
        %sign3A_220 = arith.extui %sign3A_219 : i1 to i32
        %sign3A_221 = arith.subi %sign3A_217, %sign3A_220 : i32
        %sign3A_222 = arith.constant 0 : i32
        %sign3A_223 = arith.cmpi sgt, %jit3A_213, %sign3A_222 : i32
        %sign3A_224 = arith.extui %sign3A_223 : i1 to i32
        %sign3A_225 = arith.constant 0 : i32
        %sign3A_226 = arith.cmpi slt, %jit3A_213, %sign3A_225 : i32
        %sign3A_227 = arith.extui %sign3A_226 : i1 to i32
        %sign3A_228 = arith.subi %sign3A_224, %sign3A_227 : i32
        %ne3A_229 = arith.cmpi ne, %sign3A_221, %sign3A_228 : i32
        %rem3A_230 = arith.remsi %rem3A_208, %jit3A_213 : i32
        %ne3A_231 = arith.constant 0 : i32
        %ne3A_232 = arith.cmpi ne, %rem3A_230, %ne3A_231 : i32
        %and3A_233 = arith.andi %ne3A_229, %ne3A_232 : i1
        %sub3A_234 = arith.constant 1 : i32
        %sub3A_235 = arith.subi %div3A_214, %sub3A_234 : i32
        %select_n3A_236 = arith.select %and3A_233, %sub3A_235, %div3A_214 : i32
        %mul3A_237 = arith.constant 1024 : i32
        %mul3A_238 = arith.muli %select_n3A_236, %mul3A_237 : i32
        %add3A_239 = arith.addi %mul3A_212, %mul3A_238 : i32
        %rem3A_240 = arith.constant 8 : i32
        %rem3A_241 = arith.remsi %rem3A_208, %rem3A_240 : i32
        %mul3A_242 = arith.constant 128 : i32
        %mul3A_243 = arith.muli %rem3A_241, %mul3A_242 : i32
        %add3A_244 = arith.addi %add3A_239, %mul3A_243 : i32
        %add3A_245 = arith.constant 0 : i32
        %add3A_246 = arith.addi %mul3A_210, %add3A_245 : i32
        %add3A_247 = vector.broadcast %add3A_246 : i32 to vector<16xi32>
        %add3A_248 = arith.addi %iota3A, %add3A_247 : vector<16xi32>
        %gather3A = arith.constant 0 : i32
        %gather3A_249 = arith.constant 0 : i32
        %gather3A_250 = tpu.memref_slice %arg7[%rem3A_157, %gather3A, %gather3A_249] : memref<2x256x32xf32, #tpu.memory_space<vmem>> -> memref<1x256x32xf32, #tpu.memory_space<vmem>>
        %gather3A_251 = tpu.memref_squeeze %gather3A_250 : memref<1x256x32xf32, #tpu.memory_space<vmem>> -> memref<256x32xf32, #tpu.memory_space<vmem>>
        %gather3A_252 = tpu.vector_load_idx %gather3A_251[%add3A_248, %broadcast_in_dim3A] : memref<256x32xf32, #tpu.memory_space<vmem>>[vector<16xi32>, vector<16xi32>], vector<16xf32>,
        %add3A_253 = arith.constant 0 : i32
        %add3A_254 = arith.addi %add3A_244, %add3A_253 : i32
        %swap3A = arith.index_cast %add3A_254 : i32 to index
        %swap3A_255 = tpu.vector_load %arg8[%swap3A] {strides = array<i32>} : memref<8192xf32, #tpu.memory_space<vmem>>, vector<16xf32>,
        tpu.vector_store %arg8[%swap3A], %gather3A_252 {strides = array<i32>} : memref<8192xf32, #tpu.memory_space<vmem>>, vector<16xf32>,
        %add3A_256 = arith.constant 16 : i32
        %add3A_257 = arith.addi %mul3A_210, %add3A_256 : i32
        %add3A_258 = vector.broadcast %add3A_257 : i32 to vector<16xi32>
        %add3A_259 = arith.addi %iota3A, %add3A_258 : vector<16xi32>
        %gather3A_260 = arith.constant 0 : i32
        %gather3A_261 = arith.constant 0 : i32
        %gather3A_262 = tpu.memref_slice %arg7[%rem3A_157, %gather3A_260, %gather3A_261] : memref<2x256x32xf32, #tpu.memory_space<vmem>> -> memref<1x256x32xf32, #tpu.memory_space<vmem>>
        %gather3A_263 = tpu.memref_squeeze %gather3A_262 : memref<1x256x32xf32, #tpu.memory_space<vmem>> -> memref<256x32xf32, #tpu.memory_space<vmem>>
        %gather3A_264 = tpu.vector_load_idx %gather3A_263[%add3A_259, %broadcast_in_dim3A] : memref<256x32xf32, #tpu.memory_space<vmem>>[vector<16xi32>, vector<16xi32>], vector<16xf32>,
        %add3A_265 = arith.constant 16 : i32
        %add3A_266 = arith.addi %add3A_244, %add3A_265 : i32
        %swap3A_267 = arith.index_cast %add3A_266 : i32 to index
        %swap3A_268 = tpu.vector_load %arg8[%swap3A_267] {strides = array<i32>} : memref<8192xf32, #tpu.memory_space<vmem>>, vector<16xf32>,
        tpu.vector_store %arg8[%swap3A_267], %gather3A_264 {strides = array<i32>} : memref<8192xf32, #tpu.memory_space<vmem>>, vector<16xf32>,
        %add3A_269 = arith.constant 32 : i32
        %add3A_270 = arith.addi %mul3A_210, %add3A_269 : i32
        %add3A_271 = vector.broadcast %add3A_270 : i32 to vector<16xi32>
        %add3A_272 = arith.addi %iota3A, %add3A_271 : vector<16xi32>
        %gather3A_273 = arith.constant 0 : i32
        %gather3A_274 = arith.constant 0 : i32
        %gather3A_275 = tpu.memref_slice %arg7[%rem3A_157, %gather3A_273, %gather3A_274] : memref<2x256x32xf32, #tpu.memory_space<vmem>> -> memref<1x256x32xf32, #tpu.memory_space<vmem>>
        %gather3A_276 = tpu.memref_squeeze %gather3A_275 : memref<1x256x32xf32, #tpu.memory_space<vmem>> -> memref<256x32xf32, #tpu.memory_space<vmem>>
        %gather3A_277 = tpu.vector_load_idx %gather3A_276[%add3A_272, %broadcast_in_dim3A] : memref<256x32xf32, #tpu.memory_space<vmem>>[vector<16xi32>, vector<16xi32>], vector<16xf32>,
        %add3A_278 = arith.constant 32 : i32
        %add3A_279 = arith.addi %add3A_244, %add3A_278 : i32
        %swap3A_280 = arith.index_cast %add3A_279 : i32 to index
        %swap3A_281 = tpu.vector_load %arg8[%swap3A_280] {strides = array<i32>} : memref<8192xf32, #tpu.memory_space<vmem>>, vector<16xf32>,
        tpu.vector_store %arg8[%swap3A_280], %gather3A_277 {strides = array<i32>} : memref<8192xf32, #tpu.memory_space<vmem>>, vector<16xf32>,
        %add3A_282 = arith.constant 48 : i32
        %add3A_283 = arith.addi %mul3A_210, %add3A_282 : i32
        %add3A_284 = vector.broadcast %add3A_283 : i32 to vector<16xi32>
        %add3A_285 = arith.addi %iota3A, %add3A_284 : vector<16xi32>
        %gather3A_286 = arith.constant 0 : i32
        %gather3A_287 = arith.constant 0 : i32
        %gather3A_288 = tpu.memref_slice %arg7[%rem3A_157, %gather3A_286, %gather3A_287] : memref<2x256x32xf32, #tpu.memory_space<vmem>> -> memref<1x256x32xf32, #tpu.memory_space<vmem>>
        %gather3A_289 = tpu.memref_squeeze %gather3A_288 : memref<1x256x32xf32, #tpu.memory_space<vmem>> -> memref<256x32xf32, #tpu.memory_space<vmem>>
        %gather3A_290 = tpu.vector_load_idx %gather3A_289[%add3A_285, %broadcast_in_dim3A] : memref<256x32xf32, #tpu.memory_space<vmem>>[vector<16xi32>, vector<16xi32>], vector<16xf32>,
        %add3A_291 = arith.constant 48 : i32
        %add3A_292 = arith.addi %add3A_244, %add3A_291 : i32
        %swap3A_293 = arith.index_cast %add3A_292 : i32 to index
        %swap3A_294 = tpu.vector_load %arg8[%swap3A_293] {strides = array<i32>} : memref<8192xf32, #tpu.memory_space<vmem>>, vector<16xf32>,
        tpu.vector_store %arg8[%swap3A_293], %gather3A_290 {strides = array<i32>} : memref<8192xf32, #tpu.memory_space<vmem>>, vector<16xf32>,
        %add3A_295 = arith.constant 64 : i32
        %add3A_296 = arith.addi %mul3A_210, %add3A_295 : i32
        %add3A_297 = vector.broadcast %add3A_296 : i32 to vector<16xi32>
        %add3A_298 = arith.addi %iota3A, %add3A_297 : vector<16xi32>
        %gather3A_299 = arith.constant 0 : i32
        %gather3A_300 = arith.constant 0 : i32
        %gather3A_301 = tpu.memref_slice %arg7[%rem3A_157, %gather3A_299, %gather3A_300] : memref<2x256x32xf32, #tpu.memory_space<vmem>> -> memref<1x256x32xf32, #tpu.memory_space<vmem>>
        %gather3A_302 = tpu.memref_squeeze %gather3A_301 : memref<1x256x32xf32, #tpu.memory_space<vmem>> -> memref<256x32xf32, #tpu.memory_space<vmem>>
        %gather3A_303 = tpu.vector_load_idx %gather3A_302[%add3A_298, %broadcast_in_dim3A] : memref<256x32xf32, #tpu.memory_space<vmem>>[vector<16xi32>, vector<16xi32>], vector<16xf32>,
        %add3A_304 = arith.constant 64 : i32
        %add3A_305 = arith.addi %add3A_244, %add3A_304 : i32
        %swap3A_306 = arith.index_cast %add3A_305 : i32 to index
        %swap3A_307 = tpu.vector_load %arg8[%swap3A_306] {strides = array<i32>} : memref<8192xf32, #tpu.memory_space<vmem>>, vector<16xf32>,
        tpu.vector_store %arg8[%swap3A_306], %gather3A_303 {strides = array<i32>} : memref<8192xf32, #tpu.memory_space<vmem>>, vector<16xf32>,
        %add3A_308 = arith.constant 80 : i32
        %add3A_309 = arith.addi %mul3A_210, %add3A_308 : i32
        %add3A_310 = vector.broadcast %add3A_309 : i32 to vector<16xi32>
        %add3A_311 = arith.addi %iota3A, %add3A_310 : vector<16xi32>
        %gather3A_312 = arith.constant 0 : i32
        %gather3A_313 = arith.constant 0 : i32
        %gather3A_314 = tpu.memref_slice %arg7[%rem3A_157, %gather3A_312, %gather3A_313] : memref<2x256x32xf32, #tpu.memory_space<vmem>> -> memref<1x256x32xf32, #tpu.memory_space<vmem>>
        %gather3A_315 = tpu.memref_squeeze %gather3A_314 : memref<1x256x32xf32, #tpu.memory_space<vmem>> -> memref<256x32xf32, #tpu.memory_space<vmem>>
        %gather3A_316 = tpu.vector_load_idx %gather3A_315[%add3A_311, %broadcast_in_dim3A] : memref<256x32xf32, #tpu.memory_space<vmem>>[vector<16xi32>, vector<16xi32>], vector<16xf32>,
        %add3A_317 = arith.constant 80 : i32
        %add3A_318 = arith.addi %add3A_244, %add3A_317 : i32
        %swap3A_319 = arith.index_cast %add3A_318 : i32 to index
        %swap3A_320 = tpu.vector_load %arg8[%swap3A_319] {strides = array<i32>} : memref<8192xf32, #tpu.memory_space<vmem>>, vector<16xf32>,
        tpu.vector_store %arg8[%swap3A_319], %gather3A_316 {strides = array<i32>} : memref<8192xf32, #tpu.memory_space<vmem>>, vector<16xf32>,
        %add3A_321 = arith.constant 96 : i32
        %add3A_322 = arith.addi %mul3A_210, %add3A_321 : i32
        %add3A_323 = vector.broadcast %add3A_322 : i32 to vector<16xi32>
        %add3A_324 = arith.addi %iota3A, %add3A_323 : vector<16xi32>
        %gather3A_325 = arith.constant 0 : i32
        %gather3A_326 = arith.constant 0 : i32
        %gather3A_327 = tpu.memref_slice %arg7[%rem3A_157, %gather3A_325, %gather3A_326] : memref<2x256x32xf32, #tpu.memory_space<vmem>> -> memref<1x256x32xf32, #tpu.memory_space<vmem>>
        %gather3A_328 = tpu.memref_squeeze %gather3A_327 : memref<1x256x32xf32, #tpu.memory_space<vmem>> -> memref<256x32xf32, #tpu.memory_space<vmem>>
        %gather3A_329 = tpu.vector_load_idx %gather3A_328[%add3A_324, %broadcast_in_dim3A] : memref<256x32xf32, #tpu.memory_space<vmem>>[vector<16xi32>, vector<16xi32>], vector<16xf32>,
        %add3A_330 = arith.constant 96 : i32
        %add3A_331 = arith.addi %add3A_244, %add3A_330 : i32
        %swap3A_332 = arith.index_cast %add3A_331 : i32 to index
        %swap3A_333 = tpu.vector_load %arg8[%swap3A_332] {strides = array<i32>} : memref<8192xf32, #tpu.memory_space<vmem>>, vector<16xf32>,
        tpu.vector_store %arg8[%swap3A_332], %gather3A_329 {strides = array<i32>} : memref<8192xf32, #tpu.memory_space<vmem>>, vector<16xf32>,
        %add3A_334 = arith.constant 112 : i32
        %add3A_335 = arith.addi %mul3A_210, %add3A_334 : i32
        %add3A_336 = vector.broadcast %add3A_335 : i32 to vector<16xi32>
        %add3A_337 = arith.addi %iota3A, %add3A_336 : vector<16xi32>
        %gather3A_338 = arith.constant 0 : i32
        %gather3A_339 = arith.constant 0 : i32
        %gather3A_340 = tpu.memref_slice %arg7[%rem3A_157, %gather3A_338, %gather3A_339] : memref<2x256x32xf32, #tpu.memory_space<vmem>> -> memref<1x256x32xf32, #tpu.memory_space<vmem>>
        %gather3A_341 = tpu.memref_squeeze %gather3A_340 : memref<1x256x32xf32, #tpu.memory_space<vmem>> -> memref<256x32xf32, #tpu.memory_space<vmem>>
        %gather3A_342 = tpu.vector_load_idx %gather3A_341[%add3A_337, %broadcast_in_dim3A] : memref<256x32xf32, #tpu.memory_space<vmem>>[vector<16xi32>, vector<16xi32>], vector<16xf32>,
        %add3A_343 = arith.constant 112 : i32
        %add3A_344 = arith.addi %add3A_244, %add3A_343 : i32
        %swap3A_345 = arith.index_cast %add3A_344 : i32 to index
        %swap3A_346 = tpu.vector_load %arg8[%swap3A_345] {strides = array<i32>} : memref<8192xf32, #tpu.memory_space<vmem>>, vector<16xf32>,
        tpu.vector_store %arg8[%swap3A_345], %gather3A_342 {strides = array<i32>} : memref<8192xf32, #tpu.memory_space<vmem>>, vector<16xf32>,
      }
      %scan3A_182 = arith.constant 64 : i32
      %scan3A_183 = arith.constant 0 : i32
      %scan3A_184 = arith.constant 0 : i32
      %scan3A_185 = arith.constant 8 : i32
      %scan3A_186 = arith.addi %scan3A_184, %scan3A_185 : i32
      %scan3A_187 = arith.constant 1 : i32
      scf.for %scan3A_189 = %scan3A_184 to %scan3A_186 step %scan3A_187  : i32 {
        %jit3A = arith.constant 4 : i32
        %div3A = arith.divsi %scan3A_189, %jit3A : i32
        %sign3A = arith.constant 0 : i32
        %sign3A_190 = arith.cmpi sgt, %scan3A_189, %sign3A : i32
        %sign3A_191 = arith.extui %sign3A_190 : i1 to i32
        %sign3A_192 = arith.constant 0 : i32
        %sign3A_193 = arith.cmpi slt, %scan3A_189, %sign3A_192 : i32
        %sign3A_194 = arith.extui %sign3A_193 : i1 to i32
        %sign3A_195 = arith.subi %sign3A_191, %sign3A_194 : i32
        %sign3A_196 = arith.constant 0 : i32
        %sign3A_197 = arith.cmpi sgt, %jit3A, %sign3A_196 : i32
        %sign3A_198 = arith.extui %sign3A_197 : i1 to i32
        %sign3A_199 = arith.constant 0 : i32
        %sign3A_200 = arith.cmpi slt, %jit3A, %sign3A_199 : i32
        %sign3A_201 = arith.extui %sign3A_200 : i1 to i32
        %sign3A_202 = arith.subi %sign3A_198, %sign3A_201 : i32
        %ne3A = arith.cmpi ne, %sign3A_195, %sign3A_202 : i32
        %rem3A_203 = arith.remsi %scan3A_189, %jit3A : i32
        %ne3A_204 = arith.constant 0 : i32
        %ne3A_205 = arith.cmpi ne, %rem3A_203, %ne3A_204 : i32
        %and3A = arith.andi %ne3A, %ne3A_205 : i1
        %sub3A = arith.constant 1 : i32
        %sub3A_206 = arith.subi %div3A, %sub3A : i32
        %select_n3A = arith.select %and3A, %sub3A_206, %div3A : i32
        %rem3A_207 = arith.constant 4 : i32
        %rem3A_208 = arith.remsi %scan3A_189, %rem3A_207 : i32
        %mul3A_209 = arith.constant 4096 : i32
        %mul3A_210 = arith.muli %select_n3A, %mul3A_209 : i32
        %mul3A_211 = arith.constant 1024 : i32
        %mul3A_212 = arith.muli %rem3A_208, %mul3A_211 : i32
        %add3A_213 = arith.addi %mul3A_210, %mul3A_212 : i32
        %add3A_214 = arith.addi %mul3A_159, %select_n3A : i32
        %dma_start3A_215 = tpu.memref_slice %arg8[%add3A_213] : memref<8192xf32, #tpu.memory_space<vmem>> -> memref<1024xf32, #tpu.memory_space<vmem>>
        %dma_start3A_216 = arith.constant 0 : i32
        %dma_start3A_217 = tpu.memref_slice %arg4[%add3A_214, %rem3A_208, %add3A_85, %dma_start3A_216] : memref<50x4x128x1024xf32, #tpu.memory_space<hbm>> -> memref<1x1x1x1024xf32, #tpu.memory_space<hbm>>
        %dma_start3A_218 = tpu.memref_squeeze %dma_start3A_217 : memref<1x1x1x1024xf32, #tpu.memory_space<hbm>> -> memref<1024xf32, #tpu.memory_space<hbm>>
        %dma_start3A_219 = arith.constant 0 : i32
        %dma_start3A_220 = tpu.memref_slice %arg4[%add3A_214, %rem3A_208, %add3A_85, %dma_start3A_219] : memref<50x4x128x1024xf32, #tpu.memory_space<hbm>> -> memref<1x1x1x1024xf32, #tpu.memory_space<hbm>>
        %dma_start3A_221 = tpu.memref_squeeze %dma_start3A_220 : memref<1x1x1x1024xf32, #tpu.memory_space<hbm>> -> memref<1024xf32, #tpu.memory_space<hbm>>
        %dma_start3A_222 = tpu.memref_slice %arg8[%add3A_213] : memref<8192xf32, #tpu.memory_space<vmem>> -> memref<1024xf32, #tpu.memory_space<vmem>>
        tpu.enqueue_dma source(%dma_start3A_222 : memref<1024xf32, #tpu.memory_space<vmem>>) target(%dma_start3A_221 : memref<1024xf32, #tpu.memory_space<hbm>>) target_semaphore(%arg11 : memref<!tpu.dma_semaphore, #tpu.memory_space<semaphore_mem>>)
      }
      %scan3A_188 = arith.constant 8 : i32
    }
    %scan3A_111 = arith.constant 25 : i32
    %scan3A_112 = arith.constant 0 : i32
    %scan3A_113 = arith.constant 0 : i32
    %scan3A_114 = arith.constant 8 : i32
    %scan3A_115 = arith.addi %scan3A_113, %scan3A_114 : i32
    %scan3A_116 = arith.constant 1 : i32
    scf.for %scan3A_156 = %scan3A_113 to %scan3A_115 step %scan3A_116  : i32 {
      %dma_wait3A = arith.constant 0 : i32
      %dma_wait3A_157 = arith.constant 0 : i32
      %dma_wait3A_158 = arith.constant 0 : i32
      %dma_wait3A_159 = arith.constant 0 : i32
      %dma_wait3A_160 = tpu.memref_slice %arg8[%dma_wait3A_159] : memref<8192xf32, #tpu.memory_space<vmem>> -> memref<1024xf32, #tpu.memory_space<vmem>>
      %dma_wait3A_161 = arith.constant 0 : i32
      %dma_wait3A_162 = tpu.memref_slice %arg4[%dma_wait3A, %dma_wait3A_157, %dma_wait3A_158, %dma_wait3A_161] : memref<50x4x128x1024xf32, #tpu.memory_space<hbm>> -> memref<1x1x1x1024xf32, #tpu.memory_space<hbm>>
      %dma_wait3A_163 = tpu.memref_squeeze %dma_wait3A_162 : memref<1x1x1x1024xf32, #tpu.memory_space<hbm>> -> memref<1024xf32, #tpu.memory_space<hbm>>
      %dma_wait3A_164 = arith.constant 0 : i32
      %dma_wait3A_165 = tpu.memref_slice %arg4[%dma_wait3A, %dma_wait3A_157, %dma_wait3A_158, %dma_wait3A_164] : memref<50x4x128x1024xf32, #tpu.memory_space<hbm>> -> memref<1x1x1x1024xf32, #tpu.memory_space<hbm>>
      %dma_wait3A_166 = tpu.memref_squeeze %dma_wait3A_165 : memref<1x1x1x1024xf32, #tpu.memory_space<hbm>> -> memref<1024xf32, #tpu.memory_space<hbm>>
      %dma_wait3A_167 = arith.constant 0 : i32
      %dma_wait3A_168 = tpu.memref_slice %arg8[%dma_wait3A_167] : memref<8192xf32, #tpu.memory_space<vmem>> -> memref<1024xf32, #tpu.memory_space<vmem>>
      tpu.wait_dma2 semaphore(%arg11 : memref<!tpu.dma_semaphore, #tpu.memory_space<semaphore_mem>>) src(%dma_wait3A_168 : memref<1024xf32, #tpu.memory_space<vmem>>) dst(%dma_wait3A_166 : memref<1024xf32, #tpu.memory_space<hbm>>)
    }
    %scan3A_117 = arith.constant 8 : i32
    %add3A_118 = arith.constant 384 : i32
    %add3A_119 = arith.addi %mul3A_2, %add3A_118 : i32
    %mul3A_120 = arith.constant 4 : i32
    %mul3A_121 = arith.muli %add3A, %mul3A_120 : i32
    %add3A_122 = arith.constant 3 : i32
    %add3A_123 = arith.addi %mul3A_121, %add3A_122 : i32
    %mul3A_124 = arith.constant 50 : i32
    %mul3A_125 = arith.muli %add3A_119, %mul3A_124 : i32
    "tpu.region"() ({
      %run_scoped3A = tpu.sem_alloc : memref<!tpu.dma_semaphore, #tpu.memory_space<semaphore_mem>>
      %dma_start3A_156 = tpu.memref_slice %arg2[%mul3A_125] : memref<819200xi32, #tpu.memory_space<hbm>> -> memref<6400xi32, #tpu.memory_space<hbm>>
      %dma_start3A_157 = tpu.memref_slice %arg2[%mul3A_125] : memref<819200xi32, #tpu.memory_space<hbm>> -> memref<6400xi32, #tpu.memory_space<hbm>>
      tpu.enqueue_dma source(%dma_start3A_157 : memref<6400xi32, #tpu.memory_space<hbm>>) target(%arg5 : memref<6400xi32, #tpu.memory_space<vmem>>) target_semaphore(%run_scoped3A : memref<!tpu.dma_semaphore, #tpu.memory_space<semaphore_mem>>)
      %dma_wait3A = tpu.memref_slice %arg2[%mul3A_125] : memref<819200xi32, #tpu.memory_space<hbm>> -> memref<6400xi32, #tpu.memory_space<hbm>>
      %dma_wait3A_158 = tpu.memref_slice %arg2[%mul3A_125] : memref<819200xi32, #tpu.memory_space<hbm>> -> memref<6400xi32, #tpu.memory_space<hbm>>
      tpu.wait_dma2 semaphore(%run_scoped3A : memref<!tpu.dma_semaphore, #tpu.memory_space<semaphore_mem>>) src(%dma_wait3A_158 : memref<6400xi32, #tpu.memory_space<hbm>>) dst(%arg5 : memref<6400xi32, #tpu.memory_space<vmem>>)
      tpu.yield
    }) : () -> ()
    %scan3A_126 = arith.constant 0 : i32
    %scan3A_127 = arith.constant 0 : i32
    %scan3A_128 = arith.constant 16 : i32
    %scan3A_129 = arith.addi %scan3A_127, %scan3A_128 : i32
    %scan3A_130 = arith.constant 1 : i32
    scf.for %scan3A_156 = %scan3A_127 to %scan3A_129 step %scan3A_130  : i32 {
      %jit3A = arith.constant 8 : i32
      %div3A = arith.divsi %scan3A_156, %jit3A : i32
      %sign3A = arith.constant 0 : i32
      %sign3A_157 = arith.cmpi sgt, %scan3A_156, %sign3A : i32
      %sign3A_158 = arith.extui %sign3A_157 : i1 to i32
      %sign3A_159 = arith.constant 0 : i32
      %sign3A_160 = arith.cmpi slt, %scan3A_156, %sign3A_159 : i32
      %sign3A_161 = arith.extui %sign3A_160 : i1 to i32
      %sign3A_162 = arith.subi %sign3A_158, %sign3A_161 : i32
      %sign3A_163 = arith.constant 0 : i32
      %sign3A_164 = arith.cmpi sgt, %jit3A, %sign3A_163 : i32
      %sign3A_165 = arith.extui %sign3A_164 : i1 to i32
      %sign3A_166 = arith.constant 0 : i32
      %sign3A_167 = arith.cmpi slt, %jit3A, %sign3A_166 : i32
      %sign3A_168 = arith.extui %sign3A_167 : i1 to i32
      %sign3A_169 = arith.subi %sign3A_165, %sign3A_168 : i32
      %ne3A = arith.cmpi ne, %sign3A_162, %sign3A_169 : i32
      %rem3A = arith.remsi %scan3A_156, %jit3A : i32
      %ne3A_170 = arith.constant 0 : i32
      %ne3A_171 = arith.cmpi ne, %rem3A, %ne3A_170 : i32
      %and3A = arith.andi %ne3A, %ne3A_171 : i1
      %sub3A = arith.constant 1 : i32
      %sub3A_172 = arith.subi %div3A, %sub3A : i32
      %select_n3A = arith.select %and3A, %sub3A_172, %div3A : i32
      %rem3A_173 = arith.constant 8 : i32
      %rem3A_174 = arith.remsi %scan3A_156, %rem3A_173 : i32
      %mul3A_175 = arith.constant 16 : i32
      %mul3A_176 = arith.muli %rem3A_174, %mul3A_175 : i32
      %mul3A_177 = arith.constant 50 : i32
      %mul3A_178 = arith.muli %mul3A_176, %mul3A_177 : i32
      %add3A_179 = arith.constant 0 : i32
      %add3A_180 = arith.addi %mul3A_178, %add3A_179 : i32
      %add3A_181 = arith.addi %add3A_180, %select_n3A : i32
      %add3A_182 = vector.broadcast %add3A_181 : i32 to vector<16xi32>
      %add3A_183 = arith.addi %mul3A_5, %add3A_182 : vector<16xi32>
      %gather3A = tpu.vector_load_idx %arg5[%add3A_183] : memref<6400xi32, #tpu.memory_space<vmem>>[vector<16xi32>], vector<16xi32>,
      %mul3A_184 = arith.constant 16 : i32
      %mul3A_185 = arith.muli %scan3A_156, %mul3A_184 : i32
      %swap3A = arith.constant 0 : i32
      %swap3A_186 = arith.index_cast %swap3A : i32 to index
      %swap3A_187 = arith.index_cast %mul3A_185 : i32 to index
      %swap3A_188 = tpu.vector_load %arg6[%swap3A_186, %swap3A_187] {strides = array<i32>} : memref<2x256xi32, #tpu.memory_space<vmem>>, vector<16xi32>,
      tpu.vector_store %arg6[%swap3A_186, %swap3A_187], %gather3A {strides = array<i32>} : memref<2x256xi32, #tpu.memory_space<vmem>>, vector<16xi32>,
    }
    %scan3A_131 = arith.constant 16 : i32
    %dma_start3A_132 = arith.constant 0 : i32
    %dma_start3A_133 = arith.constant 0 : i32
    %dma_start3A_134 = arith.constant 0 : i32
    %dma_start3A_135 = arith.constant 0 : i32
    %dma_start3A_136 = tpu.memref_slice %arg7[%dma_start3A_133, %dma_start3A_134, %dma_start3A_135] : memref<2x256x32xf32, #tpu.memory_space<vmem>> -> memref<1x256x32xf32, #tpu.memory_space<vmem>>
    %dma_start3A_137 = tpu.memref_squeeze %dma_start3A_136 : memref<1x256x32xf32, #tpu.memory_space<vmem>> -> memref<256x32xf32, #tpu.memory_space<vmem>>
    %dma_start3A_138 = arith.constant 0 : i32
    %dma_start3A_139 = tpu.memref_slice %arg6[%dma_start3A_132, %dma_start3A_138] : memref<2x256xi32, #tpu.memory_space<vmem>> -> memref<1x256xi32, #tpu.memory_space<vmem>>
    %dma_start3A_140 = tpu.memref_squeeze %dma_start3A_139 : memref<1x256xi32, #tpu.memory_space<vmem>> -> memref<256xi32, #tpu.memory_space<vmem>>
    %dma_start3A_141 = arith.constant 0 : i32
    %dma_start3A_142 = arith.constant 0 : i32
    %dma_start3A_143 = tpu.memref_slice %arg3[%dma_start3A_141, %dma_start3A_142] : memref<1000000x32xf32, #tpu.memory_space<hbm>> -> memref<1000000x32xf32, #tpu.memory_space<hbm>>
    tpu.enqueue_indirect_dma source(%dma_start3A_143 : memref<1000000x32xf32, #tpu.memory_space<hbm>>) target(%dma_start3A_137 : memref<256x32xf32, #tpu.memory_space<vmem>>) offsets(%dma_start3A_140 : memref<256xi32, #tpu.memory_space<vmem>>) semaphore(%arg9 : memref<!tpu.dma_semaphore, #tpu.memory_space<semaphore_mem>>)
    %scan3A_144 = arith.constant 0 : i32
    %scan3A_145 = arith.constant 0 : i32
    %scan3A_146 = arith.constant 25 : i32
    %scan3A_147 = arith.addi %scan3A_145, %scan3A_146 : i32
    %scan3A_148 = arith.constant 1 : i32
    scf.for %scan3A_156 = %scan3A_145 to %scan3A_147 step %scan3A_148  : i32 {
      %rem3A = arith.constant 2 : i32
      %rem3A_157 = arith.remsi %scan3A_156, %rem3A : i32
      %mul3A_158 = arith.constant 2 : i32
      %mul3A_159 = arith.muli %scan3A_156, %mul3A_158 : i32
      %add3A_160 = arith.constant 1 : i32
      %add3A_161 = arith.addi %scan3A_156, %add3A_160 : i32
      %lt3A = arith.constant 25 : i32
      %lt3A_162 = arith.cmpi slt, %add3A_161, %lt3A : i32
      %convert_element_type3A = arith.extui %lt3A_162 : i1 to i32
      %cond3A = arith.constant 0 : i32
      %cond3A_163 = arith.cmpi ne, %convert_element_type3A, %cond3A : i32
      scf.if %cond3A_163 {
        %add3A_189 = arith.constant 1 : i32
        %add3A_190 = arith.addi %scan3A_156, %add3A_189 : i32
        %sub3A = arith.constant 1 : i32
        %sub3A_191 = arith.subi %sub3A, %rem3A_157 : i32
        %mul3A_192 = arith.constant 2 : i32
        %mul3A_193 = arith.muli %add3A_190, %mul3A_192 : i32
        %scan3A_194 = arith.constant 0 : i32
        %scan3A_195 = arith.constant 0 : i32
        %scan3A_196 = arith.constant 16 : i32
        %scan3A_197 = arith.addi %scan3A_195, %scan3A_196 : i32
        %scan3A_198 = arith.constant 1 : i32
        scf.for %scan3A_212 = %scan3A_195 to %scan3A_197 step %scan3A_198  : i32 {
          %jit3A = arith.constant 8 : i32
          %div3A = arith.divsi %scan3A_212, %jit3A : i32
          %sign3A = arith.constant 0 : i32
          %sign3A_213 = arith.cmpi sgt, %scan3A_212, %sign3A : i32
          %sign3A_214 = arith.extui %sign3A_213 : i1 to i32
          %sign3A_215 = arith.constant 0 : i32
          %sign3A_216 = arith.cmpi slt, %scan3A_212, %sign3A_215 : i32
          %sign3A_217 = arith.extui %sign3A_216 : i1 to i32
          %sign3A_218 = arith.subi %sign3A_214, %sign3A_217 : i32
          %sign3A_219 = arith.constant 0 : i32
          %sign3A_220 = arith.cmpi sgt, %jit3A, %sign3A_219 : i32
          %sign3A_221 = arith.extui %sign3A_220 : i1 to i32
          %sign3A_222 = arith.constant 0 : i32
          %sign3A_223 = arith.cmpi slt, %jit3A, %sign3A_222 : i32
          %sign3A_224 = arith.extui %sign3A_223 : i1 to i32
          %sign3A_225 = arith.subi %sign3A_221, %sign3A_224 : i32
          %ne3A = arith.cmpi ne, %sign3A_218, %sign3A_225 : i32
          %rem3A_226 = arith.remsi %scan3A_212, %jit3A : i32
          %ne3A_227 = arith.constant 0 : i32
          %ne3A_228 = arith.cmpi ne, %rem3A_226, %ne3A_227 : i32
          %and3A = arith.andi %ne3A, %ne3A_228 : i1
          %sub3A_229 = arith.constant 1 : i32
          %sub3A_230 = arith.subi %div3A, %sub3A_229 : i32
          %select_n3A = arith.select %and3A, %sub3A_230, %div3A : i32
          %rem3A_231 = arith.constant 8 : i32
          %rem3A_232 = arith.remsi %scan3A_212, %rem3A_231 : i32
          %mul3A_233 = arith.constant 16 : i32
          %mul3A_234 = arith.muli %rem3A_232, %mul3A_233 : i32
          %mul3A_235 = arith.constant 50 : i32
          %mul3A_236 = arith.muli %mul3A_234, %mul3A_235 : i32
          %add3A_237 = arith.addi %mul3A_236, %mul3A_193 : i32
          %add3A_238 = arith.addi %add3A_237, %select_n3A : i32
          %add3A_239 = vector.broadcast %add3A_238 : i32 to vector<16xi32>
          %add3A_240 = arith.addi %mul3A_5, %add3A_239 : vector<16xi32>
          %gather3A = tpu.vector_load_idx %arg5[%add3A_240] : memref<6400xi32, #tpu.memory_space<vmem>>[vector<16xi32>], vector<16xi32>,
          %mul3A_241 = arith.constant 16 : i32
          %mul3A_242 = arith.muli %scan3A_212, %mul3A_241 : i32
          %swap3A = arith.index_cast %sub3A_191 : i32 to index
          %swap3A_243 = arith.index_cast %mul3A_242 : i32 to index
          %swap3A_244 = tpu.vector_load %arg6[%swap3A, %swap3A_243] {strides = array<i32>} : memref<2x256xi32, #tpu.memory_space<vmem>>, vector<16xi32>,
          tpu.vector_store %arg6[%swap3A, %swap3A_243], %gather3A {strides = array<i32>} : memref<2x256xi32, #tpu.memory_space<vmem>>, vector<16xi32>,
        }
        %scan3A_199 = arith.constant 16 : i32
        %sub3A_200 = arith.constant 1 : i32
        %sub3A_201 = arith.subi %sub3A_200, %rem3A_157 : i32
        %eq3A_202 = arith.constant 0 : i32
        %eq3A_203 = arith.cmpi eq, %sub3A_201, %eq3A_202 : i32
        %convert_element_type3A_204 = arith.extui %eq3A_203 : i1 to i32
        %cond3A_205 = arith.constant 0 : i32
        %cond3A_206 = arith.cmpi ne, %convert_element_type3A_204, %cond3A_205 : i32
        scf.if %cond3A_206 {
          %dma_start3A_212 = arith.constant 0 : i32
          %dma_start3A_213 = arith.constant 0 : i32
          %dma_start3A_214 = arith.constant 0 : i32
          %dma_start3A_215 = arith.constant 0 : i32
          %dma_start3A_216 = tpu.memref_slice %arg7[%dma_start3A_213, %dma_start3A_214, %dma_start3A_215] : memref<2x256x32xf32, #tpu.memory_space<vmem>> -> memref<1x256x32xf32, #tpu.memory_space<vmem>>
          %dma_start3A_217 = tpu.memref_squeeze %dma_start3A_216 : memref<1x256x32xf32, #tpu.memory_space<vmem>> -> memref<256x32xf32, #tpu.memory_space<vmem>>
          %dma_start3A_218 = arith.constant 0 : i32
          %dma_start3A_219 = tpu.memref_slice %arg6[%dma_start3A_212, %dma_start3A_218] : memref<2x256xi32, #tpu.memory_space<vmem>> -> memref<1x256xi32, #tpu.memory_space<vmem>>
          %dma_start3A_220 = tpu.memref_squeeze %dma_start3A_219 : memref<1x256xi32, #tpu.memory_space<vmem>> -> memref<256xi32, #tpu.memory_space<vmem>>
          %dma_start3A_221 = arith.constant 0 : i32
          %dma_start3A_222 = arith.constant 0 : i32
          %dma_start3A_223 = tpu.memref_slice %arg3[%dma_start3A_221, %dma_start3A_222] : memref<1000000x32xf32, #tpu.memory_space<hbm>> -> memref<1000000x32xf32, #tpu.memory_space<hbm>>
          tpu.enqueue_indirect_dma source(%dma_start3A_223 : memref<1000000x32xf32, #tpu.memory_space<hbm>>) target(%dma_start3A_217 : memref<256x32xf32, #tpu.memory_space<vmem>>) offsets(%dma_start3A_220 : memref<256xi32, #tpu.memory_space<vmem>>) semaphore(%arg9 : memref<!tpu.dma_semaphore, #tpu.memory_space<semaphore_mem>>)
        } else {
        }
        %eq3A_207 = arith.constant 1 : i32
        %eq3A_208 = arith.cmpi eq, %sub3A_201, %eq3A_207 : i32
        %convert_element_type3A_209 = arith.extui %eq3A_208 : i1 to i32
        %cond3A_210 = arith.constant 0 : i32
        %cond3A_211 = arith.cmpi ne, %convert_element_type3A_209, %cond3A_210 : i32
        scf.if %cond3A_211 {
          %dma_start3A_212 = arith.constant 1 : i32
          %dma_start3A_213 = arith.constant 1 : i32
          %dma_start3A_214 = arith.constant 0 : i32
          %dma_start3A_215 = arith.constant 0 : i32
          %dma_start3A_216 = tpu.memref_slice %arg7[%dma_start3A_213, %dma_start3A_214, %dma_start3A_215] : memref<2x256x32xf32, #tpu.memory_space<vmem>> -> memref<1x256x32xf32, #tpu.memory_space<vmem>>
          %dma_start3A_217 = tpu.memref_squeeze %dma_start3A_216 : memref<1x256x32xf32, #tpu.memory_space<vmem>> -> memref<256x32xf32, #tpu.memory_space<vmem>>
          %dma_start3A_218 = arith.constant 0 : i32
          %dma_start3A_219 = tpu.memref_slice %arg6[%dma_start3A_212, %dma_start3A_218] : memref<2x256xi32, #tpu.memory_space<vmem>> -> memref<1x256xi32, #tpu.memory_space<vmem>>
          %dma_start3A_220 = tpu.memref_squeeze %dma_start3A_219 : memref<1x256xi32, #tpu.memory_space<vmem>> -> memref<256xi32, #tpu.memory_space<vmem>>
          %dma_start3A_221 = arith.constant 0 : i32
          %dma_start3A_222 = arith.constant 0 : i32
          %dma_start3A_223 = tpu.memref_slice %arg3[%dma_start3A_221, %dma_start3A_222] : memref<1000000x32xf32, #tpu.memory_space<hbm>> -> memref<1000000x32xf32, #tpu.memory_space<hbm>>
          tpu.enqueue_indirect_dma source(%dma_start3A_223 : memref<1000000x32xf32, #tpu.memory_space<hbm>>) target(%dma_start3A_217 : memref<256x32xf32, #tpu.memory_space<vmem>>) offsets(%dma_start3A_220 : memref<256xi32, #tpu.memory_space<vmem>>) semaphore(%arg10 : memref<!tpu.dma_semaphore, #tpu.memory_space<semaphore_mem>>)
        } else {
        }
      } else {
      }
      %eq3A = arith.constant 0 : i32
      %eq3A_164 = arith.cmpi eq, %rem3A_157, %eq3A : i32
      %convert_element_type3A_165 = arith.extui %eq3A_164 : i1 to i32
      %cond3A_166 = arith.constant 0 : i32
      %cond3A_167 = arith.cmpi ne, %convert_element_type3A_165, %cond3A_166 : i32
      scf.if %cond3A_167 {
        %dma_wait3A = arith.constant 0 : i32
        %dma_wait3A_189 = arith.constant 0 : i32
        %dma_wait3A_190 = arith.constant 0 : i32
        %dma_wait3A_191 = arith.constant 0 : i32
        %dma_wait3A_192 = tpu.memref_slice %arg7[%dma_wait3A_189, %dma_wait3A_190, %dma_wait3A_191] : memref<2x256x32xf32, #tpu.memory_space<vmem>> -> memref<1x256x32xf32, #tpu.memory_space<vmem>>
        %dma_wait3A_193 = tpu.memref_squeeze %dma_wait3A_192 : memref<1x256x32xf32, #tpu.memory_space<vmem>> -> memref<256x32xf32, #tpu.memory_space<vmem>>
        %dma_wait3A_194 = arith.constant 0 : i32
        %dma_wait3A_195 = tpu.memref_slice %arg6[%dma_wait3A, %dma_wait3A_194] : memref<2x256xi32, #tpu.memory_space<vmem>> -> memref<1x256xi32, #tpu.memory_space<vmem>>
        %dma_wait3A_196 = tpu.memref_squeeze %dma_wait3A_195 : memref<1x256xi32, #tpu.memory_space<vmem>> -> memref<256xi32, #tpu.memory_space<vmem>>
        %dma_wait3A_197 = arith.constant 0 : i32
        %dma_wait3A_198 = arith.constant 0 : i32
        %dma_wait3A_199 = tpu.memref_slice %arg3[%dma_wait3A_197, %dma_wait3A_198] : memref<1000000x32xf32, #tpu.memory_space<hbm>> -> memref<1000000x32xf32, #tpu.memory_space<hbm>>
        tpu.wait_indirect_dma semaphore(%arg9 : memref<!tpu.dma_semaphore, #tpu.memory_space<semaphore_mem>>) src(%dma_wait3A_199 : memref<1000000x32xf32, #tpu.memory_space<hbm>>) dst(%dma_wait3A_193 : memref<256x32xf32, #tpu.memory_space<vmem>>)
      } else {
      }
      %eq3A_168 = arith.constant 1 : i32
      %eq3A_169 = arith.cmpi eq, %rem3A_157, %eq3A_168 : i32
      %convert_element_type3A_170 = arith.extui %eq3A_169 : i1 to i32
      %cond3A_171 = arith.constant 0 : i32
      %cond3A_172 = arith.cmpi ne, %convert_element_type3A_170, %cond3A_171 : i32
      scf.if %cond3A_172 {
        %dma_wait3A = arith.constant 1 : i32
        %dma_wait3A_189 = arith.constant 1 : i32
        %dma_wait3A_190 = arith.constant 0 : i32
        %dma_wait3A_191 = arith.constant 0 : i32
        %dma_wait3A_192 = tpu.memref_slice %arg7[%dma_wait3A_189, %dma_wait3A_190, %dma_wait3A_191] : memref<2x256x32xf32, #tpu.memory_space<vmem>> -> memref<1x256x32xf32, #tpu.memory_space<vmem>>
        %dma_wait3A_193 = tpu.memref_squeeze %dma_wait3A_192 : memref<1x256x32xf32, #tpu.memory_space<vmem>> -> memref<256x32xf32, #tpu.memory_space<vmem>>
        %dma_wait3A_194 = arith.constant 0 : i32
        %dma_wait3A_195 = tpu.memref_slice %arg6[%dma_wait3A, %dma_wait3A_194] : memref<2x256xi32, #tpu.memory_space<vmem>> -> memref<1x256xi32, #tpu.memory_space<vmem>>
        %dma_wait3A_196 = tpu.memref_squeeze %dma_wait3A_195 : memref<1x256xi32, #tpu.memory_space<vmem>> -> memref<256xi32, #tpu.memory_space<vmem>>
        %dma_wait3A_197 = arith.constant 0 : i32
        %dma_wait3A_198 = arith.constant 0 : i32
        %dma_wait3A_199 = tpu.memref_slice %arg3[%dma_wait3A_197, %dma_wait3A_198] : memref<1000000x32xf32, #tpu.memory_space<hbm>> -> memref<1000000x32xf32, #tpu.memory_space<hbm>>
        tpu.wait_indirect_dma semaphore(%arg10 : memref<!tpu.dma_semaphore, #tpu.memory_space<semaphore_mem>>) src(%dma_wait3A_199 : memref<1000000x32xf32, #tpu.memory_space<hbm>>) dst(%dma_wait3A_193 : memref<256x32xf32, #tpu.memory_space<vmem>>)
      } else {
      }
      %ge3A = arith.constant 1 : i32
      %ge3A_173 = arith.cmpi sge, %scan3A_156, %ge3A : i32
      %convert_element_type3A_174 = arith.extui %ge3A_173 : i1 to i32
      %cond3A_175 = arith.constant 0 : i32
      %cond3A_176 = arith.cmpi ne, %convert_element_type3A_174, %cond3A_175 : i32
      scf.if %cond3A_176 {
        %scan3A_189 = arith.constant 0 : i32
        %scan3A_190 = arith.constant 0 : i32
        %scan3A_191 = arith.constant 8 : i32
        %scan3A_192 = arith.addi %scan3A_190, %scan3A_191 : i32
        %scan3A_193 = arith.constant 1 : i32
        scf.for %scan3A_195 = %scan3A_190 to %scan3A_192 step %scan3A_193  : i32 {
          %dma_wait3A = arith.constant 0 : i32
          %dma_wait3A_196 = arith.constant 0 : i32
          %dma_wait3A_197 = arith.constant 0 : i32
          %dma_wait3A_198 = arith.constant 0 : i32
          %dma_wait3A_199 = tpu.memref_slice %arg8[%dma_wait3A_198] : memref<8192xf32, #tpu.memory_space<vmem>> -> memref<1024xf32, #tpu.memory_space<vmem>>
          %dma_wait3A_200 = arith.constant 0 : i32
          %dma_wait3A_201 = tpu.memref_slice %arg4[%dma_wait3A, %dma_wait3A_196, %dma_wait3A_197, %dma_wait3A_200] : memref<50x4x128x1024xf32, #tpu.memory_space<hbm>> -> memref<1x1x1x1024xf32, #tpu.memory_space<hbm>>
          %dma_wait3A_202 = tpu.memref_squeeze %dma_wait3A_201 : memref<1x1x1x1024xf32, #tpu.memory_space<hbm>> -> memref<1024xf32, #tpu.memory_space<hbm>>
          %dma_wait3A_203 = arith.constant 0 : i32
          %dma_wait3A_204 = tpu.memref_slice %arg4[%dma_wait3A, %dma_wait3A_196, %dma_wait3A_197, %dma_wait3A_203] : memref<50x4x128x1024xf32, #tpu.memory_space<hbm>> -> memref<1x1x1x1024xf32, #tpu.memory_space<hbm>>
          %dma_wait3A_205 = tpu.memref_squeeze %dma_wait3A_204 : memref<1x1x1x1024xf32, #tpu.memory_space<hbm>> -> memref<1024xf32, #tpu.memory_space<hbm>>
          %dma_wait3A_206 = arith.constant 0 : i32
          %dma_wait3A_207 = tpu.memref_slice %arg8[%dma_wait3A_206] : memref<8192xf32, #tpu.memory_space<vmem>> -> memref<1024xf32, #tpu.memory_space<vmem>>
          tpu.wait_dma2 semaphore(%arg11 : memref<!tpu.dma_semaphore, #tpu.memory_space<semaphore_mem>>) src(%dma_wait3A_207 : memref<1024xf32, #tpu.memory_space<vmem>>) dst(%dma_wait3A_205 : memref<1024xf32, #tpu.memory_space<hbm>>)
        }
        %scan3A_194 = arith.constant 8 : i32
      } else {
      }
      %scan3A_177 = arith.constant 0 : i32
      %scan3A_178 = arith.constant 0 : i32
      %scan3A_179 = arith.constant 64 : i32
      %scan3A_180 = arith.addi %scan3A_178, %scan3A_179 : i32
      %scan3A_181 = arith.constant 1 : i32
      scf.for %scan3A_189 = %scan3A_178 to %scan3A_180 step %scan3A_181  : i32 {
        %jit3A = arith.constant 32 : i32
        %div3A = arith.divsi %scan3A_189, %jit3A : i32
        %sign3A = arith.constant 0 : i32
        %sign3A_190 = arith.cmpi sgt, %scan3A_189, %sign3A : i32
        %sign3A_191 = arith.extui %sign3A_190 : i1 to i32
        %sign3A_192 = arith.constant 0 : i32
        %sign3A_193 = arith.cmpi slt, %scan3A_189, %sign3A_192 : i32
        %sign3A_194 = arith.extui %sign3A_193 : i1 to i32
        %sign3A_195 = arith.subi %sign3A_191, %sign3A_194 : i32
        %sign3A_196 = arith.constant 0 : i32
        %sign3A_197 = arith.cmpi sgt, %jit3A, %sign3A_196 : i32
        %sign3A_198 = arith.extui %sign3A_197 : i1 to i32
        %sign3A_199 = arith.constant 0 : i32
        %sign3A_200 = arith.cmpi slt, %jit3A, %sign3A_199 : i32
        %sign3A_201 = arith.extui %sign3A_200 : i1 to i32
        %sign3A_202 = arith.subi %sign3A_198, %sign3A_201 : i32
        %ne3A = arith.cmpi ne, %sign3A_195, %sign3A_202 : i32
        %rem3A_203 = arith.remsi %scan3A_189, %jit3A : i32
        %ne3A_204 = arith.constant 0 : i32
        %ne3A_205 = arith.cmpi ne, %rem3A_203, %ne3A_204 : i32
        %and3A = arith.andi %ne3A, %ne3A_205 : i1
        %sub3A = arith.constant 1 : i32
        %sub3A_206 = arith.subi %div3A, %sub3A : i32
        %select_n3A = arith.select %and3A, %sub3A_206, %div3A : i32
        %rem3A_207 = arith.constant 32 : i32
        %rem3A_208 = arith.remsi %scan3A_189, %rem3A_207 : i32
        %broadcast_in_dim3A = vector.broadcast %rem3A_208 : i32 to vector<16xi32>
        %mul3A_209 = arith.constant 128 : i32
        %mul3A_210 = arith.muli %select_n3A, %mul3A_209 : i32
        %mul3A_211 = arith.constant 4096 : i32
        %mul3A_212 = arith.muli %select_n3A, %mul3A_211 : i32
        %jit3A_213 = arith.constant 8 : i32
        %div3A_214 = arith.divsi %rem3A_208, %jit3A_213 : i32
        %sign3A_215 = arith.constant 0 : i32
        %sign3A_216 = arith.cmpi sgt, %rem3A_208, %sign3A_215 : i32
        %sign3A_217 = arith.extui %sign3A_216 : i1 to i32
        %sign3A_218 = arith.constant 0 : i32
        %sign3A_219 = arith.cmpi slt, %rem3A_208, %sign3A_218 : i32
        %sign3A_220 = arith.extui %sign3A_219 : i1 to i32
        %sign3A_221 = arith.subi %sign3A_217, %sign3A_220 : i32
        %sign3A_222 = arith.constant 0 : i32
        %sign3A_223 = arith.cmpi sgt, %jit3A_213, %sign3A_222 : i32
        %sign3A_224 = arith.extui %sign3A_223 : i1 to i32
        %sign3A_225 = arith.constant 0 : i32
        %sign3A_226 = arith.cmpi slt, %jit3A_213, %sign3A_225 : i32
        %sign3A_227 = arith.extui %sign3A_226 : i1 to i32
        %sign3A_228 = arith.subi %sign3A_224, %sign3A_227 : i32
        %ne3A_229 = arith.cmpi ne, %sign3A_221, %sign3A_228 : i32
        %rem3A_230 = arith.remsi %rem3A_208, %jit3A_213 : i32
        %ne3A_231 = arith.constant 0 : i32
        %ne3A_232 = arith.cmpi ne, %rem3A_230, %ne3A_231 : i32
        %and3A_233 = arith.andi %ne3A_229, %ne3A_232 : i1
        %sub3A_234 = arith.constant 1 : i32
        %sub3A_235 = arith.subi %div3A_214, %sub3A_234 : i32
        %select_n3A_236 = arith.select %and3A_233, %sub3A_235, %div3A_214 : i32
        %mul3A_237 = arith.constant 1024 : i32
        %mul3A_238 = arith.muli %select_n3A_236, %mul3A_237 : i32
        %add3A_239 = arith.addi %mul3A_212, %mul3A_238 : i32
        %rem3A_240 = arith.constant 8 : i32
        %rem3A_241 = arith.remsi %rem3A_208, %rem3A_240 : i32
        %mul3A_242 = arith.constant 128 : i32
        %mul3A_243 = arith.muli %rem3A_241, %mul3A_242 : i32
        %add3A_244 = arith.addi %add3A_239, %mul3A_243 : i32
        %add3A_245 = arith.constant 0 : i32
        %add3A_246 = arith.addi %mul3A_210, %add3A_245 : i32
        %add3A_247 = vector.broadcast %add3A_246 : i32 to vector<16xi32>
        %add3A_248 = arith.addi %iota3A, %add3A_247 : vector<16xi32>
        %gather3A = arith.constant 0 : i32
        %gather3A_249 = arith.constant 0 : i32
        %gather3A_250 = tpu.memref_slice %arg7[%rem3A_157, %gather3A, %gather3A_249] : memref<2x256x32xf32, #tpu.memory_space<vmem>> -> memref<1x256x32xf32, #tpu.memory_space<vmem>>
        %gather3A_251 = tpu.memref_squeeze %gather3A_250 : memref<1x256x32xf32, #tpu.memory_space<vmem>> -> memref<256x32xf32, #tpu.memory_space<vmem>>
        %gather3A_252 = tpu.vector_load_idx %gather3A_251[%add3A_248, %broadcast_in_dim3A] : memref<256x32xf32, #tpu.memory_space<vmem>>[vector<16xi32>, vector<16xi32>], vector<16xf32>,
        %add3A_253 = arith.constant 0 : i32
        %add3A_254 = arith.addi %add3A_244, %add3A_253 : i32
        %swap3A = arith.index_cast %add3A_254 : i32 to index
        %swap3A_255 = tpu.vector_load %arg8[%swap3A] {strides = array<i32>} : memref<8192xf32, #tpu.memory_space<vmem>>, vector<16xf32>,
        tpu.vector_store %arg8[%swap3A], %gather3A_252 {strides = array<i32>} : memref<8192xf32, #tpu.memory_space<vmem>>, vector<16xf32>,
        %add3A_256 = arith.constant 16 : i32
        %add3A_257 = arith.addi %mul3A_210, %add3A_256 : i32
        %add3A_258 = vector.broadcast %add3A_257 : i32 to vector<16xi32>
        %add3A_259 = arith.addi %iota3A, %add3A_258 : vector<16xi32>
        %gather3A_260 = arith.constant 0 : i32
        %gather3A_261 = arith.constant 0 : i32
        %gather3A_262 = tpu.memref_slice %arg7[%rem3A_157, %gather3A_260, %gather3A_261] : memref<2x256x32xf32, #tpu.memory_space<vmem>> -> memref<1x256x32xf32, #tpu.memory_space<vmem>>
        %gather3A_263 = tpu.memref_squeeze %gather3A_262 : memref<1x256x32xf32, #tpu.memory_space<vmem>> -> memref<256x32xf32, #tpu.memory_space<vmem>>
        %gather3A_264 = tpu.vector_load_idx %gather3A_263[%add3A_259, %broadcast_in_dim3A] : memref<256x32xf32, #tpu.memory_space<vmem>>[vector<16xi32>, vector<16xi32>], vector<16xf32>,
        %add3A_265 = arith.constant 16 : i32
        %add3A_266 = arith.addi %add3A_244, %add3A_265 : i32
        %swap3A_267 = arith.index_cast %add3A_266 : i32 to index
        %swap3A_268 = tpu.vector_load %arg8[%swap3A_267] {strides = array<i32>} : memref<8192xf32, #tpu.memory_space<vmem>>, vector<16xf32>,
        tpu.vector_store %arg8[%swap3A_267], %gather3A_264 {strides = array<i32>} : memref<8192xf32, #tpu.memory_space<vmem>>, vector<16xf32>,
        %add3A_269 = arith.constant 32 : i32
        %add3A_270 = arith.addi %mul3A_210, %add3A_269 : i32
        %add3A_271 = vector.broadcast %add3A_270 : i32 to vector<16xi32>
        %add3A_272 = arith.addi %iota3A, %add3A_271 : vector<16xi32>
        %gather3A_273 = arith.constant 0 : i32
        %gather3A_274 = arith.constant 0 : i32
        %gather3A_275 = tpu.memref_slice %arg7[%rem3A_157, %gather3A_273, %gather3A_274] : memref<2x256x32xf32, #tpu.memory_space<vmem>> -> memref<1x256x32xf32, #tpu.memory_space<vmem>>
        %gather3A_276 = tpu.memref_squeeze %gather3A_275 : memref<1x256x32xf32, #tpu.memory_space<vmem>> -> memref<256x32xf32, #tpu.memory_space<vmem>>
        %gather3A_277 = tpu.vector_load_idx %gather3A_276[%add3A_272, %broadcast_in_dim3A] : memref<256x32xf32, #tpu.memory_space<vmem>>[vector<16xi32>, vector<16xi32>], vector<16xf32>,
        %add3A_278 = arith.constant 32 : i32
        %add3A_279 = arith.addi %add3A_244, %add3A_278 : i32
        %swap3A_280 = arith.index_cast %add3A_279 : i32 to index
        %swap3A_281 = tpu.vector_load %arg8[%swap3A_280] {strides = array<i32>} : memref<8192xf32, #tpu.memory_space<vmem>>, vector<16xf32>,
        tpu.vector_store %arg8[%swap3A_280], %gather3A_277 {strides = array<i32>} : memref<8192xf32, #tpu.memory_space<vmem>>, vector<16xf32>,
        %add3A_282 = arith.constant 48 : i32
        %add3A_283 = arith.addi %mul3A_210, %add3A_282 : i32
        %add3A_284 = vector.broadcast %add3A_283 : i32 to vector<16xi32>
        %add3A_285 = arith.addi %iota3A, %add3A_284 : vector<16xi32>
        %gather3A_286 = arith.constant 0 : i32
        %gather3A_287 = arith.constant 0 : i32
        %gather3A_288 = tpu.memref_slice %arg7[%rem3A_157, %gather3A_286, %gather3A_287] : memref<2x256x32xf32, #tpu.memory_space<vmem>> -> memref<1x256x32xf32, #tpu.memory_space<vmem>>
        %gather3A_289 = tpu.memref_squeeze %gather3A_288 : memref<1x256x32xf32, #tpu.memory_space<vmem>> -> memref<256x32xf32, #tpu.memory_space<vmem>>
        %gather3A_290 = tpu.vector_load_idx %gather3A_289[%add3A_285, %broadcast_in_dim3A] : memref<256x32xf32, #tpu.memory_space<vmem>>[vector<16xi32>, vector<16xi32>], vector<16xf32>,
        %add3A_291 = arith.constant 48 : i32
        %add3A_292 = arith.addi %add3A_244, %add3A_291 : i32
        %swap3A_293 = arith.index_cast %add3A_292 : i32 to index
        %swap3A_294 = tpu.vector_load %arg8[%swap3A_293] {strides = array<i32>} : memref<8192xf32, #tpu.memory_space<vmem>>, vector<16xf32>,
        tpu.vector_store %arg8[%swap3A_293], %gather3A_290 {strides = array<i32>} : memref<8192xf32, #tpu.memory_space<vmem>>, vector<16xf32>,
        %add3A_295 = arith.constant 64 : i32
        %add3A_296 = arith.addi %mul3A_210, %add3A_295 : i32
        %add3A_297 = vector.broadcast %add3A_296 : i32 to vector<16xi32>
        %add3A_298 = arith.addi %iota3A, %add3A_297 : vector<16xi32>
        %gather3A_299 = arith.constant 0 : i32
        %gather3A_300 = arith.constant 0 : i32
        %gather3A_301 = tpu.memref_slice %arg7[%rem3A_157, %gather3A_299, %gather3A_300] : memref<2x256x32xf32, #tpu.memory_space<vmem>> -> memref<1x256x32xf32, #tpu.memory_space<vmem>>
        %gather3A_302 = tpu.memref_squeeze %gather3A_301 : memref<1x256x32xf32, #tpu.memory_space<vmem>> -> memref<256x32xf32, #tpu.memory_space<vmem>>
        %gather3A_303 = tpu.vector_load_idx %gather3A_302[%add3A_298, %broadcast_in_dim3A] : memref<256x32xf32, #tpu.memory_space<vmem>>[vector<16xi32>, vector<16xi32>], vector<16xf32>,
        %add3A_304 = arith.constant 64 : i32
        %add3A_305 = arith.addi %add3A_244, %add3A_304 : i32
        %swap3A_306 = arith.index_cast %add3A_305 : i32 to index
        %swap3A_307 = tpu.vector_load %arg8[%swap3A_306] {strides = array<i32>} : memref<8192xf32, #tpu.memory_space<vmem>>, vector<16xf32>,
        tpu.vector_store %arg8[%swap3A_306], %gather3A_303 {strides = array<i32>} : memref<8192xf32, #tpu.memory_space<vmem>>, vector<16xf32>,
        %add3A_308 = arith.constant 80 : i32
        %add3A_309 = arith.addi %mul3A_210, %add3A_308 : i32
        %add3A_310 = vector.broadcast %add3A_309 : i32 to vector<16xi32>
        %add3A_311 = arith.addi %iota3A, %add3A_310 : vector<16xi32>
        %gather3A_312 = arith.constant 0 : i32
        %gather3A_313 = arith.constant 0 : i32
        %gather3A_314 = tpu.memref_slice %arg7[%rem3A_157, %gather3A_312, %gather3A_313] : memref<2x256x32xf32, #tpu.memory_space<vmem>> -> memref<1x256x32xf32, #tpu.memory_space<vmem>>
        %gather3A_315 = tpu.memref_squeeze %gather3A_314 : memref<1x256x32xf32, #tpu.memory_space<vmem>> -> memref<256x32xf32, #tpu.memory_space<vmem>>
        %gather3A_316 = tpu.vector_load_idx %gather3A_315[%add3A_311, %broadcast_in_dim3A] : memref<256x32xf32, #tpu.memory_space<vmem>>[vector<16xi32>, vector<16xi32>], vector<16xf32>,
        %add3A_317 = arith.constant 80 : i32
        %add3A_318 = arith.addi %add3A_244, %add3A_317 : i32
        %swap3A_319 = arith.index_cast %add3A_318 : i32 to index
        %swap3A_320 = tpu.vector_load %arg8[%swap3A_319] {strides = array<i32>} : memref<8192xf32, #tpu.memory_space<vmem>>, vector<16xf32>,
        tpu.vector_store %arg8[%swap3A_319], %gather3A_316 {strides = array<i32>} : memref<8192xf32, #tpu.memory_space<vmem>>, vector<16xf32>,
        %add3A_321 = arith.constant 96 : i32
        %add3A_322 = arith.addi %mul3A_210, %add3A_321 : i32
        %add3A_323 = vector.broadcast %add3A_322 : i32 to vector<16xi32>
        %add3A_324 = arith.addi %iota3A, %add3A_323 : vector<16xi32>
        %gather3A_325 = arith.constant 0 : i32
        %gather3A_326 = arith.constant 0 : i32
        %gather3A_327 = tpu.memref_slice %arg7[%rem3A_157, %gather3A_325, %gather3A_326] : memref<2x256x32xf32, #tpu.memory_space<vmem>> -> memref<1x256x32xf32, #tpu.memory_space<vmem>>
        %gather3A_328 = tpu.memref_squeeze %gather3A_327 : memref<1x256x32xf32, #tpu.memory_space<vmem>> -> memref<256x32xf32, #tpu.memory_space<vmem>>
        %gather3A_329 = tpu.vector_load_idx %gather3A_328[%add3A_324, %broadcast_in_dim3A] : memref<256x32xf32, #tpu.memory_space<vmem>>[vector<16xi32>, vector<16xi32>], vector<16xf32>,
        %add3A_330 = arith.constant 96 : i32
        %add3A_331 = arith.addi %add3A_244, %add3A_330 : i32
        %swap3A_332 = arith.index_cast %add3A_331 : i32 to index
        %swap3A_333 = tpu.vector_load %arg8[%swap3A_332] {strides = array<i32>} : memref<8192xf32, #tpu.memory_space<vmem>>, vector<16xf32>,
        tpu.vector_store %arg8[%swap3A_332], %gather3A_329 {strides = array<i32>} : memref<8192xf32, #tpu.memory_space<vmem>>, vector<16xf32>,
        %add3A_334 = arith.constant 112 : i32
        %add3A_335 = arith.addi %mul3A_210, %add3A_334 : i32
        %add3A_336 = vector.broadcast %add3A_335 : i32 to vector<16xi32>
        %add3A_337 = arith.addi %iota3A, %add3A_336 : vector<16xi32>
        %gather3A_338 = arith.constant 0 : i32
        %gather3A_339 = arith.constant 0 : i32
        %gather3A_340 = tpu.memref_slice %arg7[%rem3A_157, %gather3A_338, %gather3A_339] : memref<2x256x32xf32, #tpu.memory_space<vmem>> -> memref<1x256x32xf32, #tpu.memory_space<vmem>>
        %gather3A_341 = tpu.memref_squeeze %gather3A_340 : memref<1x256x32xf32, #tpu.memory_space<vmem>> -> memref<256x32xf32, #tpu.memory_space<vmem>>
        %gather3A_342 = tpu.vector_load_idx %gather3A_341[%add3A_337, %broadcast_in_dim3A] : memref<256x32xf32, #tpu.memory_space<vmem>>[vector<16xi32>, vector<16xi32>], vector<16xf32>,
        %add3A_343 = arith.constant 112 : i32
        %add3A_344 = arith.addi %add3A_244, %add3A_343 : i32
        %swap3A_345 = arith.index_cast %add3A_344 : i32 to index
        %swap3A_346 = tpu.vector_load %arg8[%swap3A_345] {strides = array<i32>} : memref<8192xf32, #tpu.memory_space<vmem>>, vector<16xf32>,
        tpu.vector_store %arg8[%swap3A_345], %gather3A_342 {strides = array<i32>} : memref<8192xf32, #tpu.memory_space<vmem>>, vector<16xf32>,
      }
      %scan3A_182 = arith.constant 64 : i32
      %scan3A_183 = arith.constant 0 : i32
      %scan3A_184 = arith.constant 0 : i32
      %scan3A_185 = arith.constant 8 : i32
      %scan3A_186 = arith.addi %scan3A_184, %scan3A_185 : i32
      %scan3A_187 = arith.constant 1 : i32
      scf.for %scan3A_189 = %scan3A_184 to %scan3A_186 step %scan3A_187  : i32 {
        %jit3A = arith.constant 4 : i32
        %div3A = arith.divsi %scan3A_189, %jit3A : i32
        %sign3A = arith.constant 0 : i32
        %sign3A_190 = arith.cmpi sgt, %scan3A_189, %sign3A : i32
        %sign3A_191 = arith.extui %sign3A_190 : i1 to i32
        %sign3A_192 = arith.constant 0 : i32
        %sign3A_193 = arith.cmpi slt, %scan3A_189, %sign3A_192 : i32
        %sign3A_194 = arith.extui %sign3A_193 : i1 to i32
        %sign3A_195 = arith.subi %sign3A_191, %sign3A_194 : i32
        %sign3A_196 = arith.constant 0 : i32
        %sign3A_197 = arith.cmpi sgt, %jit3A, %sign3A_196 : i32
        %sign3A_198 = arith.extui %sign3A_197 : i1 to i32
        %sign3A_199 = arith.constant 0 : i32
        %sign3A_200 = arith.cmpi slt, %jit3A, %sign3A_199 : i32
        %sign3A_201 = arith.extui %sign3A_200 : i1 to i32
        %sign3A_202 = arith.subi %sign3A_198, %sign3A_201 : i32
        %ne3A = arith.cmpi ne, %sign3A_195, %sign3A_202 : i32
        %rem3A_203 = arith.remsi %scan3A_189, %jit3A : i32
        %ne3A_204 = arith.constant 0 : i32
        %ne3A_205 = arith.cmpi ne, %rem3A_203, %ne3A_204 : i32
        %and3A = arith.andi %ne3A, %ne3A_205 : i1
        %sub3A = arith.constant 1 : i32
        %sub3A_206 = arith.subi %div3A, %sub3A : i32
        %select_n3A = arith.select %and3A, %sub3A_206, %div3A : i32
        %rem3A_207 = arith.constant 4 : i32
        %rem3A_208 = arith.remsi %scan3A_189, %rem3A_207 : i32
        %mul3A_209 = arith.constant 4096 : i32
        %mul3A_210 = arith.muli %select_n3A, %mul3A_209 : i32
        %mul3A_211 = arith.constant 1024 : i32
        %mul3A_212 = arith.muli %rem3A_208, %mul3A_211 : i32
        %add3A_213 = arith.addi %mul3A_210, %mul3A_212 : i32
        %add3A_214 = arith.addi %mul3A_159, %select_n3A : i32
        %dma_start3A_215 = tpu.memref_slice %arg8[%add3A_213] : memref<8192xf32, #tpu.memory_space<vmem>> -> memref<1024xf32, #tpu.memory_space<vmem>>
        %dma_start3A_216 = arith.constant 0 : i32
        %dma_start3A_217 = tpu.memref_slice %arg4[%add3A_214, %rem3A_208, %add3A_123, %dma_start3A_216] : memref<50x4x128x1024xf32, #tpu.memory_space<hbm>> -> memref<1x1x1x1024xf32, #tpu.memory_space<hbm>>
        %dma_start3A_218 = tpu.memref_squeeze %dma_start3A_217 : memref<1x1x1x1024xf32, #tpu.memory_space<hbm>> -> memref<1024xf32, #tpu.memory_space<hbm>>
        %dma_start3A_219 = arith.constant 0 : i32
        %dma_start3A_220 = tpu.memref_slice %arg4[%add3A_214, %rem3A_208, %add3A_123, %dma_start3A_219] : memref<50x4x128x1024xf32, #tpu.memory_space<hbm>> -> memref<1x1x1x1024xf32, #tpu.memory_space<hbm>>
        %dma_start3A_221 = tpu.memref_squeeze %dma_start3A_220 : memref<1x1x1x1024xf32, #tpu.memory_space<hbm>> -> memref<1024xf32, #tpu.memory_space<hbm>>
        %dma_start3A_222 = tpu.memref_slice %arg8[%add3A_213] : memref<8192xf32, #tpu.memory_space<vmem>> -> memref<1024xf32, #tpu.memory_space<vmem>>
        tpu.enqueue_dma source(%dma_start3A_222 : memref<1024xf32, #tpu.memory_space<vmem>>) target(%dma_start3A_221 : memref<1024xf32, #tpu.memory_space<hbm>>) target_semaphore(%arg11 : memref<!tpu.dma_semaphore, #tpu.memory_space<semaphore_mem>>)
      }
      %scan3A_188 = arith.constant 8 : i32
    }
    %scan3A_149 = arith.constant 25 : i32
    %scan3A_150 = arith.constant 0 : i32
    %scan3A_151 = arith.constant 0 : i32
    %scan3A_152 = arith.constant 8 : i32
    %scan3A_153 = arith.addi %scan3A_151, %scan3A_152 : i32
    %scan3A_154 = arith.constant 1 : i32
    scf.for %scan3A_156 = %scan3A_151 to %scan3A_153 step %scan3A_154  : i32 {
      %dma_wait3A = arith.constant 0 : i32
      %dma_wait3A_157 = arith.constant 0 : i32
      %dma_wait3A_158 = arith.constant 0 : i32
      %dma_wait3A_159 = arith.constant 0 : i32
      %dma_wait3A_160 = tpu.memref_slice %arg8[%dma_wait3A_159] : memref<8192xf32, #tpu.memory_space<vmem>> -> memref<1024xf32, #tpu.memory_space<vmem>>
      %dma_wait3A_161 = arith.constant 0 : i32
      %dma_wait3A_162 = tpu.memref_slice %arg4[%dma_wait3A, %dma_wait3A_157, %dma_wait3A_158, %dma_wait3A_161] : memref<50x4x128x1024xf32, #tpu.memory_space<hbm>> -> memref<1x1x1x1024xf32, #tpu.memory_space<hbm>>
      %dma_wait3A_163 = tpu.memref_squeeze %dma_wait3A_162 : memref<1x1x1x1024xf32, #tpu.memory_space<hbm>> -> memref<1024xf32, #tpu.memory_space<hbm>>
      %dma_wait3A_164 = arith.constant 0 : i32
      %dma_wait3A_165 = tpu.memref_slice %arg4[%dma_wait3A, %dma_wait3A_157, %dma_wait3A_158, %dma_wait3A_164] : memref<50x4x128x1024xf32, #tpu.memory_space<hbm>> -> memref<1x1x1x1024xf32, #tpu.memory_space<hbm>>
      %dma_wait3A_166 = tpu.memref_squeeze %dma_wait3A_165 : memref<1x1x1x1024xf32, #tpu.memory_space<hbm>> -> memref<1024xf32, #tpu.memory_space<hbm>>
      %dma_wait3A_167 = arith.constant 0 : i32
      %dma_wait3A_168 = tpu.memref_slice %arg8[%dma_wait3A_167] : memref<8192xf32, #tpu.memory_space<vmem>> -> memref<1024xf32, #tpu.memory_space<vmem>>
      tpu.wait_dma2 semaphore(%arg11 : memref<!tpu.dma_semaphore, #tpu.memory_space<semaphore_mem>>) src(%dma_wait3A_168 : memref<1024xf32, #tpu.memory_space<vmem>>) dst(%dma_wait3A_166 : memref<1024xf32, #tpu.memory_space<hbm>>)
    }
    %scan3A_155 = arith.constant 8 : i32
    return
  }
}

</mosaic_0001>

<sc_bundles>
// kernel: kernel.3.cloned.1.call-start
scs
__scs_entry_jumppad:
0x0: {  	(pc) =	sbr.rel $0x88, $3  }
0x1: {  	(tag) =	ssettag $0x0;
	lr =	simm.s32 $0x1  }
0x2: {  	[smem:$0x3F9F] =	sst lr;
	_ =	strace $0xD0000000  }
0x3: {  	_ = 	snop  }
0x4: {  	_ = 	snop  }
0x5: {  	_ = 	snop  }
0x6: {  	_ = 	snop  }
0x7: {  	_ = 	snop  }
__scs_overlays_trampoline_lowered:
0x8: {  	[smem:$0x3FAE] =	sst s0  }
0x9: {  	[smem:$0x3FAF] =	sst s1  }
0xa: {  	[smem:$0x3FB0] =	sst s2  }
0xb: {  	[smem:$0x3FB1] =	sst s3  }
0xc: {  	[smem:$0x3FB2] =	sst s4  }
0xd: {  	[smem:$0x3FB3] =	sst s5  }
0xe: {  	[smem:$0x3FB4] =	sst s6  }
0xf: {  	[smem:$0x3FB5] =	sst s7  }
0x10: {  	[smem:$0x3FB6] =	sst s8  }
0x11: {  	[smem:$0x3FB7] =	sst s9;
	s0 =	simm.s32 @!p0 $0x0  }
0x12: {  	s1 =	sld [smem:$0x3F9D];
	s0 =	simm.s32 @p0 $0x1  }
0x13: {  	[smem:$0x3FB8] =	sst s0;
	s0 =	simm.s32 @!p1 $0x0  }
0x14: {  	s2 =	sld [smem:$0x3F9C];
	s0 =	simm.s32 @p1 $0x1  }
0x15: {  	[smem:$0x3FB9] =	sst s0;
	s0 =	simm.s32 @!p2 $0x0  }
0x16: {  	s3 =	sld [smem:$0x3FDB];
	s0 =	simm.s32 @p2 $0x1  }
0x17: {  	s4 =	simm.s32 $0x1BF5;
	[smem:$0x3FBB] =	sst s0  }
0x18: {  	s0 =	sld [smem:$0x3F9E];
	_ =	swait.ge [sflag:s4], $0x0  }
0x19: {  	s7 =	sld [smem:$0x3F9F]  }
0x1a: {  	s8 =	sadd.s32 $0xFFFFE003, lr  }
0x1b: {  	s9 =	sadd.s32 $0xFFFFFEF7, lr;
	s5 =	simm.s32 $0xFFFFFFFF;
	p2 =	slt.u32 s8, $0xFFFFF086  }
0x1c: {  	p1 =	slt.u32 s9, $0xF7A;
	s5 =	simm.s32 @!p2 $0x0  }
0x1d: {  	s5 =	simm.s32 @p1 $0x1;
	p0 =	seq.s32 s7, s2  }
0x1e: {  	s7 =	smul.u32 @!p0 $0xF7A, s2;
	p2 =	seq.s32 @!p0 s5, $0x0  }
0x1f: {  	s9 =	smul.u32 $0xF7A, s1;
	s8 =	simm.s32 @!p0 $0x1BF5;
	p2 =	por !p2, p0  }
0x20: {  	[sflag:s8] =	ssyncset.s32 @!p0 $0xFFFFF086;
	s6 =	sadd.s32 @!p0 s3, s7;
	s7 =	simm.s32 @!p0 $0x108  }
0x21: {  	s3 =	sadd.s32 s3, s9;
	s6 =	sadd.s32 @!p0 $0x88, s6;
	s7 =	simm.s32 @p2 $0x1082  }
0x22: {  	[simem:s7], [sflag:s8] =	dma.local @!p0 [hbm:s6], $0xF7A  }
0x23: {  	s9 =	sor.u32 $0xD0000000, s2;
	s6 =	simm.s32 $0x108;
	_ =	swait.ge @!p0 [sflag:s8], $0x0  }
0x24: {  	s3 =	sadd.s32 $0x88, s3;
	s6 =	simm.s32 @!p1 $0x1082;
	[sflag:s4] =	ssyncset.s32 $0xFFFFF086  }
0x25: {  	[simem:s6], [sflag:s4] =	dma.local [hbm:s3], $0xF7A  }
0x26: {  	[smem:$0x3F9F] =	sst s1;
	(tag) =	ssettag s2;
	_ =	strace s9  }
0x27: {  	s1 =	sld [smem:$0x3FAF]  }
0x28: {  	s2 =	sld [smem:$0x3FB0]  }
0x29: {  	s4 =	sld [smem:$0x3FB2]  }
0x2a: {  	p0 =	seq.s32 s5, $0x0;
	s5 =	sld [smem:$0x3FB3]  }
0x2b: {  	s6 =	sld [smem:$0x3FB4]  }
0x2c: {  	s7 =	sld [smem:$0x3FB5]  }
0x2d: {  	s3 =	simm.s32 $0x108;
	s8 =	sld [smem:$0x3FB6]  }
0x2e: {  	s3 =	simm.s32 @!p0 $0x1082;
	s9 =	sld [smem:$0x3FB7]  }
0x2f: {  	lr =	sadd.s32 s0, s3;
	s0 =	sld [smem:$0x3FAE]  }
0x30: {  	s3 =	sld [smem:$0x3FB1]  }
0x31: {  	[smem:$0x3FBA] =	sst s10  }
0x32: {  	s10 =	sld [smem:$0x3FB8];
	_ =	sdelay $0x3  }
0x33: {  	p0 =	seq.s32 s10, $0x1;
	s10 =	sld [smem:$0x3FBA];
	_ =	sdelay $0x3  }
0x34: {  	[smem:$0x3FBA] =	sst s10  }
0x35: {  	s10 =	sld [smem:$0x3FB9];
	_ =	sdelay $0x3  }
0x36: {  	p1 =	seq.s32 s10, $0x1;
	s10 =	sld [smem:$0x3FBA];
	_ =	sdelay $0x3  }
0x37: {  	[smem:$0x3FBA] =	sst s10  }
0x38: {  	s10 =	sld [smem:$0x3FBB]  }
0x39: {  	_ = 	snop;
	(pc) =	sbr.ind lr, $3  }
0x3a: {  	_ = 	snop  }
0x3b: {  	_ = 	snop  }
0x3c: {  	p2 =	seq.s32 s10, $0x1;
	s10 =	sld [smem:$0x3FBA]  }
0x3d: {  	_ =	shalt  }
0x3e: {  	_ =	shalt  }
0x3f: {  	_ =	shalt  }
0x40: {  	_ =	shalt  }
0x41: {  	_ =	shalt  }
0x42: {  	_ =	shalt  }
0x43: {  	_ =	shalt  }
0x44: {  	_ =	shalt  }
0x45: {  	_ =	shalt  }
0x46: {  	_ =	shalt  }
0x47: {  	_ =	shalt  }
0x48: {  	_ =	shalt  }
0x49: {  	_ =	shalt  }
0x4a: {  	_ =	shalt  }
0x4b: {  	_ =	shalt  }
0x4c: {  	_ =	shalt  }
0x4d: {  	_ =	shalt  }
0x4e: {  	_ =	shalt  }
0x4f: {  	_ =	shalt  }
0x50: {  	_ =	shalt  }
0x51: {  	_ =	shalt  }
0x52: {  	_ =	shalt  }
0x53: {  	_ =	shalt  }
0x54: {  	_ =	shalt  }
0x55: {  	_ =	shalt  }
0x56: {  	_ =	shalt  }
0x57: {  	_ =	shalt  }
0x58: {  	_ =	shalt  }
0x59: {  	_ =	shalt  }
0x5a: {  	_ =	shalt  }
0x5b: {  	_ =	shalt  }
0x5c: {  	_ =	shalt  }
0x5d: {  	_ =	shalt  }
0x5e: {  	_ =	shalt  }
0x5f: {  	_ =	shalt  }
0x60: {  	_ =	shalt  }
0x61: {  	_ =	shalt  }
0x62: {  	_ =	shalt  }
0x63: {  	_ =	shalt  }
0x64: {  	_ =	shalt  }
0x65: {  	_ =	shalt  }
0x66: {  	_ =	shalt  }
0x67: {  	_ =	shalt  }
0x68: {  	_ =	shalt  }
0x69: {  	_ =	shalt  }
0x6a: {  	_ =	shalt  }
0x6b: {  	_ =	shalt  }
0x6c: {  	_ =	shalt  }
0x6d: {  	_ =	shalt  }
0x6e: {  	_ =	shalt  }
0x6f: {  	_ =	shalt  }
0x70: {  	_ =	shalt  }
0x71: {  	_ =	shalt  }
0x72: {  	_ =	shalt  }
0x73: {  	_ =	shalt  }
0x74: {  	_ =	shalt  }
0x75: {  	_ =	shalt  }
0x76: {  	_ =	shalt  }
0x77: {  	_ =	shalt  }
0x78: {  	_ =	shalt  }
0x79: {  	_ =	shalt  }
0x7a: {  	_ =	shalt  }
0x7b: {  	_ =	shalt  }
0x7c: {  	_ =	shalt  }
0x7d: {  	_ =	shalt  }
0x7e: {  	_ =	shalt  }
0x7f: {  	_ =	shalt  }
0x80: {  	_ =	shalt  }
0x81: {  	_ =	shalt  }
0x82: {  	_ =	shalt  }
0x83: {  	_ =	shalt  }
0x84: {  	_ =	shalt  }
0x85: {  	_ =	shalt  }
0x86: {  	_ =	shalt  }
0x87: {  	_ =	shalt  }
.Lfunc_end0:
.L_simem_size_0:
called_computation_lowered:
.L_overlay_start_0:
0x88: {  	s2 =	sld [smem:$0x3FD9]  }
0x89: {  	s3 =	sld [smem:$0x3FFE];
	_ =	sdelay $0x1  }
0x8a: {  	s1 =	srdreg.scid  }
0x8b: {  	s0 =	sand.u32 $0x1, s1  }
0x8c: {  	s17 =	sshll.u32 s0, $0xA;
	s2 =	sadd.s32 s3, s2  }
0x8d: {  	s2 =	sadd.s32 s2, s17  }
0x8e: {  	[smem:$0x3FC6] =	sst s2  }
0x8f: {  	_ = 	snop  }
0x90: {  	s2 =	sld [smem:$0x3FD0];
	(tm) =	ssettm $0x1  }
0x91: {  	s18 =	sld [smem:$0x3FFB];
	_ =	sdelay $0x3  }
0x92: {  	_ =	strace s18  }
0x93: {  	s3 =	sld [smem:$0x3FFC];
	_ =	sdelay $0x3  }
0x94: {  	_ =	strace s3  }
0x95: {  	s3 =	sld [smem:$0x3FFD];
	_ =	sdelay $0x3  }
0x96: {  	_ =	strace s3  }
0x97: {  	_ =	strace $0x8FFFFFFF  }
0x98: {  	s19 =	sld [smem:$0x3FDB];
	_ =	sdelay $0x1  }
0x99: {  	s4 =	simm.s32 $_scs_section_size  }
0x9a: {  	s5 =	simm.s32 $_size__tile_overlayer_lowered;
	s6 =	simm.s32 $_tile_overlayer_lowered  }
0x9b: {  	s22 =	simm.s32 $0x1BFF;
	s21 =	sshll.u32 s6, $0x1;
	s3 =	sadd.s32 s4, s19  }
0x9c: {  	s7 =	simm.s32 $0x0;
	s20 =	sshll.u32 s5, $0x1;
	s5 =	sadd.s32 s21, s3  }
0x9d: {  	[timem:s7], [sflag:s22] =	dma.local [hbm:s5], s20  }
0x9e: {  	_ =	swait.ge [sflag:s22], s20  }
0x9f: {  	s4 =	ssub.s32 $0x0, s20;
	[sflag:s22] =	ssyncset.done $0x0  }
0xa0: {  	[sflag:s22] =	ssyncadd.s32 s4;
	_ =	sdelay $0x1  }
0xa1: {  	s23 =	simm.s32 $0x1B8B  }
0xa2: {  	_ =	swait.ge [sflag:s23], $0x1  }
0xa3: {  	[sflag:s23] =	ssyncset.done $0x0  }
0xa4: {  	s25 =	simm.s32 $0x1B8E;
	s24 =	sld [smem:$0x3FFE];
	[sflag:s23] =	ssyncadd.s32 $0xFFFFFFFF  }
0xa5: {  	s26 =	simm.s32 $execute0_lowered;
	[smem:$0x3FD2] =	sst s25  }
0xa6: {  	s5 =	sshll.u32 s26, $0x1;
	_ =	strace $0x80000046;
	[dreg:$0x1] =	wrdreg $0xFFFFFFFF  }
0xa7: {  	s28 =	simm.s32 $_size_execute0_lowered;
	s3 =	sadd.s32 s3, s5;
	[dreg:$0x0] =	wrdreg $0x0  }
0xa8: {  	s5 =	sshll.u32 s28, $0x1;
	[dreg:$0x2] =	wrdreg s3  }
0xa9: {  	[dreg:$0x3] =	wrdreg s5  }
0xaa: {  	[dreg:$0x4] =	wrdreg $0xC0  }
0xab: {  	_ =	task [dreg:s7], $0x5FFFF  }
0xac: {  	[dreg:$0x1] =	wrdreg $0xFFFFFFFF  }
0xad: {  	[dreg:$0x0] =	wrdreg $0x60  }
0xae: {  	[dreg:$0x2] =	wrdreg s24  }
0xaf: {  	[dreg:$0x3] =	wrdreg s2  }
0xb0: {  	[dreg:$0x4] =	wrdreg $0x9  }
0xb1: {  	_ =	task.clear_ibuf [dreg:s7], $0x5FFFF;
	_ =	strace $0x90000046  }
0xb2: {  	s29 =	simm.s32 $0x9;
	_ =	strace $0x80000048  }
0xb3: {  	_ =	swait.ge [sflag:s29], $0x1  }
0xb4: {  	[sflag:s29] =	ssyncadd.s32 $0xFFFFFFFF  }
0xb5: {  	_ =	strace $0x90000048  }
0xb6: {  	_ =	sfence  }
0xb7: {  	s30 =	sld [smem:$0x0];
	_ =	sdelay $0x2  }
0xb8: {  	s31 =	sshll.u32 s1, $0xD;
	s1 =	sshrl.u32 s1, $0x2  }
0xb9: {  	s3 =	sand.u32 $0x4000, s31;
	s1 =	sadd.s32 s1, s30  }
0xba: {  	s0 =	sor.u32 s3, s0;
	s1 =	sshll.u32 s1, $0x11  }
0xbb: {  	s0 =	sor.u32 s1, s0  }
0xbc: {  	s0 =	sadd.s32 $0x8F2B, s0  }
0xbd: {  	[sflag:s0] =	ssyncadd.remote.s32 $0x1  }
0xbe: {  	_ =	sfence.sel $0xFFFF  }
0xbf: {  	[dreg:$0x0] =	wrdreg $0xFFFFFFFF;
	(pc) =	sbr.abs _section_cstart, $3  }
0xc0: {  	[dreg:$0x1] =	wrdreg $0xFFFFFFFF  }
0xc1: {  	_ =	task.clear_ibuf [dreg:s7], $0x2FFFF;
	_ =	strace $0x9FFFFFFF  }
0xc2: {  	(tm) =	ssettm $0x7FFFFFFF  }
0xc3: {  	_ =	shalt  }
tec
execute0_lowered:
.L_overlay_start_1:
0x0: {  	(tag) =	ssettag $0x1  }
0x1: {  	s0 =	rddreg [dreg:$0x0]  }
0x2: {  	s1 =	rddreg [dreg:$0x1]  }
0x3: {  	s2 =	simm.s32 $0x0;
	s3 =	srdreg.scid;
	s4 =	stileid.u32  }
0x4: {  	s13 =	simm.s32 $0x4;
	s14 =	simm.s32 $0x100;
	s15 =	simm.s32 $0x1900  }
0x5: {  	s16 =	simm.s32 $0x1B00;
	s17 =	simm.s32 $0x5B00;
	s18 =	simm.s32 $0x5F00  }
0x6: {  	s19 =	simm.s32 $0x6300;
	s20 =	simm.s32 $0x6700;
	s21 =	simm.s32 $0x6B00  }
0x7: {  	s22 =	simm.s32 $0x6F00;
	s23 =	simm.s32 $0x7300;
	s24 =	simm.s32 $0x7700  }
0x8: {  	s25 =	simm.s32 $0x3;
	s3 =	sand.u32 $0x1, s3;
	s4 =	sshll.u32 s4, $0x1  }
0x9: {  	[smem:$0x7FF] =	sst s2;
	s6 =	sadd.s32 $0x600, s0;
	s4 =	sor.u32 s3, s4  }
0xa: {  	_ =	strace $0x80000047;
	s5 =	ssub.s32 $0x2, s3;
	s7 =	smul.u32 $0x6400, s4  }
0xb: {  	s3 =	sadd.s32 $0xF42A00, s0;
	s26 =	sshrl.u32 s5, $0x1;
	s8 =	smul.u32 $0xC80, s4  }
0xc: {  	s4 =	sshll.u32 s4, $0x9;
	s0 =	ssub.s32 s5, s26;
	s7 =	sshrl.u32 s7, $0x3  }
0xd: {  	s5 =	sadd.s32 s1, s4;
	s28 =	sadd.s32 s6, s8;
	s29 =	sadd.s32 s6, s7  }
0xe: {  	s26 =	simm.s32 $0x0;
	[dreg:$0x3] =	wrdreg s28;
	s30 =	sadd.s32 $0x320, s29  }
0xf: {  	s9 =	sadd.s32 $0x100, s5;
	s31 =	sadd.s32 $0x640, s29;
	[dreg:$0x4] =	wrdreg s30  }
0x10: {  	v1 =	vlaneseq.u32;
	s11 =	sadd.s32 $0x180, s5;
	s1 =	sadd.s32 $0x960, s29;
	[dreg:$0x5] =	wrdreg s31  }
0x11: {  	v0 =	vmul.u32 $0x32, v1;
	v1 =	vmul.u32 $0x20, v1;
	s12 =	smax.u32 s0, $0x1;
	s7 =	sadd.s32 $0x80, s5;
	[dreg:$0x6] =	wrdreg s1  }
.LBB2_1:
0x12: {  	s0 =	sand.u32 $0x7, s2  }
0x13: {  	s0 =	smul.u32 $0x320, s0;
	_ =	sdelay $0x1  }
0x14: {  	s0 =	sadd.s32 $0x0, s0  }
0x15: {  	s1 =	rddreg [dreg:$0x3];
	s30 =	simm.s32 $0x1;
	v2 =	vadd.s32 s0, v0  }
0x16: {  	[tilespmem:s2], [sflag:$0x4] =	stream.linear.gather [hbm4b:s1+s2], $0x1900, $0x38;
	[tilespmem:$0x7B00] =	vst v63  }
0x17: {  	s31 =	sand.u32 $0x7, s30;
	_ =	swait.ge [sflag:s13], $0x1900  }
0x18: {  	s1 =	smul.u32 $0x320, s31;
	[sflag:s13] =	ssyncset.done $0x0  }
0x19: {  	[sflag:s13] =	ssyncadd.s32 $0xFFFFE700  }
0x1a: {  	s1 =	sadd.s32 $0x0, s1;
	v2 =	vld.idx.msk [tilespmem:v2+s2+$0x0], $0xffff  }
0x1b: {  	v3 =	vadd.s32 s1, v0;
	_ =	sdelay $0x1  }
0x1c: {  	s0 =	simm.s32 $0x2  }
0x1d: {  	s4 =	simm.s32 $0x3;
	s6 =	sand.u32 $0x7, s0;
	s1 =	simm.s32 $0x1900  }
.LBB2_2:
0x1e: {  	p0 =	sne.s32 s4, $0xF;
	s6 =	smul.u32 $0x320, s6;
	[tilespmem:s1+$0x0] =	vst v2  }
0x1f: {  	s28 =	sshrl.u32 s0, $0x3;
	s0 =	smov.u32 s4;
	v2 =	vld.idx.msk [tilespmem:v3+s2+$0x0], $0xffff  }
.Ltmp0:
0x20: {  	s6 =	sadd.s32 s28, s6;
	(pc) =	sbr.rel @p0 .LBB2_2-.Ltmp0, $2  }
0x21: {  	v3 =	vadd.s32 s6, v0;
	_ =	sdelay $0x2  }
0x22: {  	s4 =	sadd.s32 $0x1, s4;
	s1 =	sadd.s32 $0x10, s1;
	s6 =	sand.u32 $0x7, s0  }
0x23: {  	_ =	sdelay $0x1  }
0x24: {  	s4 =	smul.u32 $0x320, s6  }
0x25: {  	[tilespmem:s1+$0x0] =	vst v2;
	s0 =	sshrl.u32 s0, $0x3  }
0x26: {  	v2 =	vld.idx.msk [tilespmem:v3+s2+$0x0], $0xffff;
	s0 =	sadd.s32 s0, s4  }
0x27: {  	v3 =	vadd.s32 s0, v0;
	_ =	sdelay $0x2  }
0x28: {  	s31 =	sadd.s32 $0x10, s1  }
0x29: {  	[tilespmem:s31+$0x0] =	vst v2  }
0x2a: {  	v2 =	vld.idx.msk [tilespmem:v3+s2+$0x0], $0xffff;
	_ =	sdelay $0x3  }
0x2b: {  	s0 =	sadd.s32 $0x10, s31  }
0x2c: {  	s29 =	simm.s32 $0x0;
	[tilespmem:s0+$0x0] =	vst v2  }
0x2d: {  	[tilespmem:s16], [sflag:$0x1] =	stream.indirect.gather [hbm4b:s3+s14], $0x20, s15, s14, $0xb8;
	[tilespmem:$0x7B00] =	vst v63  }
.LBB2_4:
0x2e: {  	p0 =	seq.s32 s29, $0x18  }
.Ltmp1:
0x2f: {  	_ = 	snop;
	(pc) =	sbr.rel @p0 .LBB2_8-.Ltmp1, $2  }
0x30: {  	_ =	sdelay $0x2  }
0x31: {  	s0 =	sand.u32 $0x1, s29;
	s28 =	sadd.s32 $0x1, s29;
	s1 =	simm.s32 $0x1  }
0x32: {  	s1 =	simm.s32 $0x0  }
0x33: {  	s1 =	sand.u32 $0x7, s1  }
0x34: {  	s4 =	smul.u32 $0x320, s1  }
0x35: {  	s1 =	sshll.u32 s28, $0x1  }
0x36: {  	s4 =	sadd.s32 s1, s4  }
0x37: {  	s4 =	sadd.s32 $0x0, s4  }
0x38: {  	s6 =	simm.s32 $0x1;
	v2 =	vadd.s32 s4, v0  }
0x39: {  	s8 =	sand.u32 $0x7, s6  }
0x3a: {  	s4 =	smul.u32 $0x320, s8;
	_ =	sdelay $0x1  }
0x3b: {  	s4 =	sadd.s32 s1, s4  }
0x3c: {  	s4 =	sadd.s32 $0x0, s4;
	v2 =	vld.idx.msk [tilespmem:v2+s2+$0x0], $0xffff  }
0x3d: {  	s10 =	simm.s32 $0x2;
	v3 =	vadd.s32 s4, v0  }
0x3e: {  	s6 =	sand.u32 $0x7, s10;
	s8 =	sshll.u32 s0, $0x8  }
0x3f: {  	s30 =	smul.u32 $0x320, s6;
	s10 =	sxor.u32 $0x100, s8  }
0x40: {  	s4 =	sadd.s32 $0x1900, s10  }
0x41: {  	s30 =	sadd.s32 s1, s30;
	[tilespmem:s4+$0x0] =	vst v2  }
0x42: {  	s30 =	sadd.s32 $0x0, s30;
	v3 =	vld.idx.msk [tilespmem:v3+s2+$0x0], $0xffff  }
0x43: {  	v2 =	vadd.s32 s30, v0  }
0x44: {  	s6 =	simm.s32 $0x3  }
0x45: {  	s31 =	sand.u32 $0x7, s6;
	s30 =	simm.s32 $0x4  }
.LBB2_6:
0x46: {  	p0 =	sne.s32 s30, $0xF;
	s31 =	smul.u32 $0x320, s31;
	s4 =	sadd.s32 $0x10, s4  }
0x47: {  	[tilespmem:s4+$0x0] =	vst v3  }
.Ltmp2:
0x48: {  	s6 =	sshrl.u32 s6, $0x3;
	s31 =	sadd.s32 s1, s31;
	v3 =	vld.idx.msk [tilespmem:v2+s2+$0x0], $0xffff;
	(pc) =	sbr.rel @p0 .LBB2_6-.Ltmp2, $3  }
0x49: {  	s31 =	sadd.s32 s6, s31;
	s6 =	smov.u32 s30  }
0x4a: {  	v2 =	vadd.s32 s31, v0;
	_ =	sdelay $0x1  }
0x4b: {  	s30 =	sadd.s32 $0x1, s30;
	s31 =	sand.u32 $0x7, s6  }
0x4c: {  	_ = 	snop  }
0x4d: {  	s30 =	smul.u32 $0x320, s31  }
0x4e: {  	s4 =	sadd.s32 $0x10, s4  }
0x4f: {  	s6 =	sshrl.u32 s6, $0x3;
	[tilespmem:s4+$0x0] =	vst v3;
	s1 =	sadd.s32 s1, s30  }
0x50: {  	v2 =	vld.idx.msk [tilespmem:v2+s2+$0x0], $0xffff;
	s1 =	sadd.s32 s6, s1  }
0x51: {  	v3 =	vadd.s32 s1, v0;
	_ =	sdelay $0x2  }
0x52: {  	s31 =	sadd.s32 $0x10, s4  }
0x53: {  	[tilespmem:s31+$0x0] =	vst v2  }
0x54: {  	v2 =	vld.idx.msk [tilespmem:v3+s2+$0x0], $0xffff;
	_ =	sdelay $0x3  }
0x55: {  	p0 =	seq.s32 s0, $0x0;
	s1 =	sadd.s32 $0x10, s31  }
0x56: {  	s4 =	simm.s32 @p0 $0x1A00;
	s6 =	simm.s32 @p0 $0x3B00;
	[tilespmem:s1+$0x0] =	vst v2;
	s1 =	simm.s32 @p0 $0x100  }
0x57: {  	[tilespmem:s6], [sflag:$0x2] =	stream.indirect.gather @p0 [hbm4b:s3+s1], $0x20, s4, s1, $0xb8;
	[tilespmem:$0x7B00] =	vst v63  }
0x58: {  	s1 =	simm.s32 @!p0 $0x100;
	s4 =	simm.s32 @!p0 $0x1900;
	s6 =	simm.s32 @!p0 $0x1B00  }
0x59: {  	[tilespmem:s6], [sflag:$0x1] =	stream.indirect.gather @!p0 [hbm4b:s3+s1], $0x20, s4, s1, $0xb8;
	[tilespmem:$0x7B00] =	vst v63  }
0x5a: {  	p0 =	seq.s32 s0, $0x1;
	s1 =	simm.s32 $0x2  }
0x5b: {  	s1 =	simm.s32 @!p0 $0x1  }
.LBB2_8:
0x5c: {  	_ =	swait.ge [sflag:s1], $0x2000  }
0x5d: {  	p0 =	seq.s32 s29, $0x0;
	[sflag:s1] =	ssyncset.done $0x0  }
0x5e: {  	[sflag:s1] =	ssyncadd.s32 $0xFFFFE000;
	s1 =	simm.s32 @!p0 $0x3  }
0x5f: {  	_ =	swait.ge @!p0 [sflag:s1], $0x400  }
0x60: {  	[sflag:s1] =	ssyncset.done @!p0 $0x0  }
0x61: {  	[sflag:s1] =	ssyncadd.s32 @!p0 $0xFFFFFC00  }
0x62: {  	_ =	swait.ge @!p0 [sflag:s1], $0x400  }
0x63: {  	[sflag:s1] =	ssyncset.done @!p0 $0x0  }
0x64: {  	[sflag:s1] =	ssyncadd.s32 @!p0 $0xFFFFFC00  }
0x65: {  	_ =	swait.ge @!p0 [sflag:s1], $0x400  }
0x66: {  	[sflag:s1] =	ssyncset.done @!p0 $0x0  }
0x67: {  	[sflag:s1] =	ssyncadd.s32 @!p0 $0xFFFFFC00  }
0x68: {  	_ =	swait.ge @!p0 [sflag:s1], $0x400  }
0x69: {  	[sflag:s1] =	ssyncset.done @!p0 $0x0  }
0x6a: {  	[sflag:s1] =	ssyncadd.s32 @!p0 $0xFFFFFC00  }
0x6b: {  	_ =	swait.ge @!p0 [sflag:s1], $0x400  }
0x6c: {  	[sflag:s1] =	ssyncset.done @!p0 $0x0  }
0x6d: {  	[sflag:s1] =	ssyncadd.s32 @!p0 $0xFFFFFC00  }
0x6e: {  	_ =	swait.ge @!p0 [sflag:s1], $0x400  }
0x6f: {  	[sflag:s1] =	ssyncset.done @!p0 $0x0  }
0x70: {  	[sflag:s1] =	ssyncadd.s32 @!p0 $0xFFFFFC00  }
0x71: {  	_ =	swait.ge @!p0 [sflag:s1], $0x400  }
0x72: {  	[sflag:s1] =	ssyncset.done @!p0 $0x0  }
0x73: {  	[sflag:s1] =	ssyncadd.s32 @!p0 $0xFFFFFC00  }
0x74: {  	_ =	swait.ge @!p0 [sflag:s1], $0x400  }
0x75: {  	s6 =	simm.s32 $0x0;
	[sflag:s1] =	ssyncset.done @!p0 $0x0  }
0x76: {  	[sflag:s1] =	ssyncadd.s32 @!p0 $0xFFFFFC00;
	s1 =	sand.u32 $0xFFFFFF80, s6  }
0x77: {  	s31 =	simm.s32 $0x0;
	v2 =	vmov s1  }
0x78: {  	v3 =	vmov s31;
	v2 =	vshll.u32 v2, $0x5  }
0x79: {  	v4 =	vand.u32 $0x18, v3;
	v2 =	vor.u32 v1, v2  }
0x7a: {  	v5 =	vand.u32 $0x7, v3;
	v2 =	vor.u32 v4, v2  }
0x7b: {  	s0 =	sshll.u32 s0, $0xD;
	v2 =	vor.u32 v5, v2  }
0x7c: {  	s30 =	sor.u32 $0x1B00, s0;
	s0 =	sor.u32 $0x10, s1  }
0x7d: {  	v3 =	vmov s0  }
0x7e: {  	v3 =	vshll.u32 v3, $0x5  }
0x7f: {  	v3 =	vor.u32 v1, v3  }
0x80: {  	v3 =	vor.u32 v4, v3;
	v2 =	vld.idx.msk [tilespmem:v2+s30+$0x0], $0xffff  }
0x81: {  	v3 =	vor.u32 v5, v3  }
0x82: {  	s8 =	simm.s32 $0x0;
	s4 =	sor.u32 $0x20, s1  }
0x83: {  	s6 =	sand.u32 $0xF80, s31;
	s0 =	sand.u32 $0x3FFFF000, s8;
	v6 =	vmov s4  }
0x84: {  	s0 =	sor.u32 s6, s0;
	v6 =	vshll.u32 v6, $0x5  }
0x85: {  	[tilespmem:s0+$0x5B00] =	vst v2;
	v2 =	vor.u32 v1, v6  }
0x86: {  	v3 =	vld.idx.msk [tilespmem:v3+s30+$0x0], $0xffff;
	v2 =	vor.u32 v4, v2  }
0x87: {  	v2 =	vor.u32 v5, v2  }
0x88: {  	s10 =	sor.u32 $0x30, s1  }
0x89: {  	v59 =	vmov s10  }
0x8a: {  	v6 =	vshll.u32 v59, $0x5  }
0x8b: {  	[tilespmem:s0+$0x5B10] =	vst v3;
	v3 =	vor.u32 v1, v6  }
0x8c: {  	v2 =	vld.idx.msk [tilespmem:v2+s30+$0x0], $0xffff;
	v3 =	vor.u32 v4, v3  }
0x8d: {  	v3 =	vor.u32 v5, v3  }
0x8e: {  	s6 =	sor.u32 $0x40, s1  }
0x8f: {  	v60 =	vmov s6  }
0x90: {  	v6 =	vshll.u32 v60, $0x5  }
0x91: {  	[tilespmem:s0+$0x5B20] =	vst v2;
	v2 =	vor.u32 v1, v6  }
0x92: {  	v3 =	vld.idx.msk [tilespmem:v3+s30+$0x0], $0xffff;
	v2 =	vor.u32 v4, v2  }
0x93: {  	v2 =	vor.u32 v5, v2  }
0x94: {  	s8 =	sor.u32 $0x50, s1  }
0x95: {  	v61 =	vmov s8  }
0x96: {  	v6 =	vshll.u32 v61, $0x5  }
0x97: {  	[tilespmem:s0+$0x5B30] =	vst v3;
	v3 =	vor.u32 v1, v6  }
0x98: {  	v2 =	vld.idx.msk [tilespmem:v2+s30+$0x0], $0xffff;
	v3 =	vor.u32 v4, v3  }
0x99: {  	v3 =	vor.u32 v5, v3  }
0x9a: {  	s10 =	sor.u32 $0x60, s1  }
0x9b: {  	v62 =	vmov s10  }
0x9c: {  	v6 =	vshll.u32 v62, $0x5  }
0x9d: {  	[tilespmem:s0+$0x5B40] =	vst v2;
	v2 =	vor.u32 v1, v6  }
0x9e: {  	v3 =	vld.idx.msk [tilespmem:v3+s30+$0x0], $0xffff;
	v2 =	vor.u32 v4, v2  }
0x9f: {  	v2 =	vor.u32 v5, v2  }
0xa0: {  	s1 =	sor.u32 $0x70, s1  }
0xa1: {  	v63 =	vmov s1  }
0xa2: {  	v6 =	vshll.u32 v63, $0x5  }
0xa3: {  	v6 =	vor.u32 v1, v6;
	[tilespmem:s0+$0x5B50] =	vst v3  }
0xa4: {  	v4 =	vor.u32 v4, v6;
	v3 =	vld.idx.msk [tilespmem:v2+s30+$0x0], $0xffff  }
0xa5: {  	v2 =	vor.u32 v5, v4  }
0xa6: {  	s4 =	simm.s32 $0x2;
	s1 =	simm.s32 $0x1;
	s6 =	simm.s32 $0x4  }
.LBB2_9:
0xa7: {  	p0 =	seq.s32 s4, $0x3F;
	s6 =	sand.u32 $0xFFFFFF80, s6  }
0xa8: {  	v4 =	vmov s6  }
0xa9: {  	v5 =	vmov s1;
	v4 =	vshll.u32 v4, $0x5;
	[tilespmem:s0+$0x5B60] =	vst v3  }
0xaa: {  	v6 =	vand.u32 $0x18, v5;
	v3 =	vor.u32 v1, v4;
	v2 =	vld.idx.msk [tilespmem:v2+s30+$0x0], $0xffff  }
0xab: {  	v4 =	vand.u32 $0x7, v5;
	v3 =	vor.u32 v6, v3  }
0xac: {  	v3 =	vor.u32 v4, v3;
	_ =	sdelay $0x1  }
0xad: {  	s8 =	sor.u32 $0x10, s6  }
0xae: {  	v5 =	vmov s8  }
0xaf: {  	v5 =	vshll.u32 v5, $0x5;
	[tilespmem:s0+$0x5B70] =	vst v2  }
0xb0: {  	v2 =	vld.idx.msk [tilespmem:v3+s30+$0x0], $0xffff;
	v3 =	vor.u32 v1, v5  }
0xb1: {  	v3 =	vor.u32 v6, v3  }
0xb2: {  	v3 =	vor.u32 v4, v3  }
0xb3: {  	s31 =	sadd.s32 $0x80, s31;
	s0 =	sshll.u32 s1, $0x7;
	s1 =	smov.u32 s4  }
0xb4: {  	s10 =	sor.u32 $0x20, s6;
	s8 =	sand.u32 $0xF80, s31;
	s0 =	sand.u32 $0x3FFFF000, s0  }
0xb5: {  	v5 =	vmov s10;
	s0 =	sor.u32 s8, s0  }
0xb6: {  	[tilespmem:s0+$0x5B00] =	vst v2;
	v2 =	vshll.u32 v5, $0x5  }
0xb7: {  	v3 =	vld.idx.msk [tilespmem:v3+s30+$0x0], $0xffff;
	v2 =	vor.u32 v1, v2  }
0xb8: {  	v2 =	vor.u32 v6, v2  }
0xb9: {  	v2 =	vor.u32 v4, v2;
	_ =	sdelay $0x1  }
0xba: {  	s8 =	sor.u32 $0x30, s6  }
0xbb: {  	v5 =	vmov s8  }
0xbc: {  	[tilespmem:s0+$0x5B10] =	vst v3;
	v3 =	vshll.u32 v5, $0x5  }
0xbd: {  	v2 =	vld.idx.msk [tilespmem:v2+s30+$0x0], $0xffff;
	v3 =	vor.u32 v1, v3  }
0xbe: {  	v3 =	vor.u32 v6, v3  }
0xbf: {  	v3 =	vor.u32 v4, v3;
	_ =	sdelay $0x1  }
0xc0: {  	s8 =	sor.u32 $0x40, s6  }
0xc1: {  	v5 =	vmov s8  }
0xc2: {  	[tilespmem:s0+$0x5B20] =	vst v2;
	v2 =	vshll.u32 v5, $0x5  }
0xc3: {  	v3 =	vld.idx.msk [tilespmem:v3+s30+$0x0], $0xffff;
	v2 =	vor.u32 v1, v2  }
0xc4: {  	v2 =	vor.u32 v6, v2  }
0xc5: {  	v2 =	vor.u32 v4, v2;
	_ =	sdelay $0x1  }
0xc6: {  	s8 =	sor.u32 $0x50, s6  }
0xc7: {  	v5 =	vmov s8  }
0xc8: {  	[tilespmem:s0+$0x5B30] =	vst v3;
	v3 =	vshll.u32 v5, $0x5  }
0xc9: {  	v2 =	vld.idx.msk [tilespmem:v2+s30+$0x0], $0xffff;
	v3 =	vor.u32 v1, v3  }
0xca: {  	v3 =	vor.u32 v6, v3  }
0xcb: {  	v3 =	vor.u32 v4, v3;
	_ =	sdelay $0x1  }
0xcc: {  	s8 =	sor.u32 $0x60, s6  }
0xcd: {  	v5 =	vmov s8  }
0xce: {  	[tilespmem:s0+$0x5B40] =	vst v2;
	v2 =	vshll.u32 v5, $0x5  }
0xcf: {  	v3 =	vld.idx.msk [tilespmem:v3+s30+$0x0], $0xffff;
	v2 =	vor.u32 v1, v2  }
0xd0: {  	v2 =	vor.u32 v6, v2  }
0xd1: {  	v2 =	vor.u32 v4, v2;
	_ =	sdelay $0x1  }
0xd2: {  	s6 =	sor.u32 $0x70, s6  }
0xd3: {  	v5 =	vmov s6  }
.Ltmp3:
0xd4: {  	v5 =	vshll.u32 v5, $0x5;
	[tilespmem:s0+$0x5B50] =	vst v3;
	(pc) =	sbr.rel @!p0 .LBB2_9-.Ltmp3, $4  }
0xd5: {  	v3 =	vld.idx.msk [tilespmem:v2+s30+$0x0], $0xffff;
	v2 =	vor.u32 v1, v5  }
0xd6: {  	v2 =	vor.u32 v6, v2  }
0xd7: {  	v2 =	vor.u32 v4, v2  }
0xd8: {  	s4 =	sadd.s32 $0x1, s4;
	s6 =	sshll.u32 s1, $0x2  }
0xd9: {  	s4 =	sand.u32 $0xFFFFFF80, s6  }
0xda: {  	v4 =	vmov s4  }
0xdb: {  	v5 =	vmov s1;
	v4 =	vshll.u32 v4, $0x5  }
0xdc: {  	[tilespmem:s0+$0x5B60] =	vst v3;
	v3 =	vand.u32 $0x18, v5;
	v4 =	vor.u32 v1, v4  }
0xdd: {  	v5 =	vand.u32 $0x7, v5;
	v2 =	vld.idx.msk [tilespmem:v2+s30+$0x0], $0xffff;
	v4 =	vor.u32 v3, v4  }
0xde: {  	v4 =	vor.u32 v5, v4  }
0xdf: {  	s6 =	sor.u32 $0x10, s4  }
0xe0: {  	v6 =	vmov s6  }
0xe1: {  	v6 =	vshll.u32 v6, $0x5  }
0xe2: {  	[tilespmem:s0+$0x5B70] =	vst v2;
	v2 =	vor.u32 v1, v6  }
0xe3: {  	v2 =	vor.u32 v3, v2;
	v4 =	vld.idx.msk [tilespmem:v4+s30+$0x0], $0xffff  }
0xe4: {  	v2 =	vor.u32 v5, v2  }
0xe5: {  	s8 =	sadd.s32 $0x80, s31;
	s10 =	sor.u32 $0x20, s4;
	s6 =	sshll.u32 s1, $0x7  }
0xe6: {  	s1 =	sand.u32 $0xF80, s8;
	v55 =	vmov s10;
	s0 =	sand.u32 $0x3FFFF000, s6  }
0xe7: {  	v6 =	vshll.u32 v55, $0x5;
	s0 =	sor.u32 s1, s0  }
0xe8: {  	v56 =	vor.u32 v1, v6;
	[tilespmem:s0+$0x5B00] =	vst v4  }
0xe9: {  	v4 =	vor.u32 v3, v56;
	v2 =	vld.idx.msk [tilespmem:v2+s30+$0x0], $0xffff  }
0xea: {  	v4 =	vor.u32 v5, v4  }
0xeb: {  	s31 =	sor.u32 $0x30, s4  }
0xec: {  	v57 =	vmov s31  }
0xed: {  	v6 =	vshll.u32 v57, $0x5  }
0xee: {  	[tilespmem:s0+$0x5B10] =	vst v2;
	v2 =	vor.u32 v1, v6  }
0xef: {  	v4 =	vld.idx.msk [tilespmem:v4+s30+$0x0], $0xffff;
	v2 =	vor.u32 v3, v2  }
0xf0: {  	v2 =	vor.u32 v5, v2  }
0xf1: {  	s6 =	sor.u32 $0x40, s4  }
0xf2: {  	v58 =	vmov s6  }
0xf3: {  	v6 =	vshll.u32 v58, $0x5  }
0xf4: {  	v59 =	vor.u32 v1, v6;
	[tilespmem:s0+$0x5B20] =	vst v4  }
0xf5: {  	v4 =	vor.u32 v3, v59;
	v2 =	vld.idx.msk [tilespmem:v2+s30+$0x0], $0xffff  }
0xf6: {  	v4 =	vor.u32 v5, v4  }
0xf7: {  	s8 =	sor.u32 $0x50, s4  }
0xf8: {  	v60 =	vmov s8  }
0xf9: {  	v6 =	vshll.u32 v60, $0x5  }
0xfa: {  	[tilespmem:s0+$0x5B30] =	vst v2;
	v2 =	vor.u32 v1, v6  }
0xfb: {  	v4 =	vld.idx.msk [tilespmem:v4+s30+$0x0], $0xffff;
	v2 =	vor.u32 v3, v2  }
0xfc: {  	v2 =	vor.u32 v5, v2  }
0xfd: {  	s10 =	sor.u32 $0x60, s4  }
0xfe: {  	v61 =	vmov s10  }
0xff: {  	v6 =	vshll.u32 v61, $0x5  }
0x100: {  	v62 =	vor.u32 v1, v6;
	[tilespmem:s0+$0x5B40] =	vst v4  }
0x101: {  	v4 =	vor.u32 v3, v62;
	v2 =	vld.idx.msk [tilespmem:v2+s30+$0x0], $0xffff  }
0x102: {  	v4 =	vor.u32 v5, v4  }
0x103: {  	s31 =	sor.u32 $0x70, s4  }
0x104: {  	v63 =	vmov s31  }
0x105: {  	v6 =	vshll.u32 v63, $0x5  }
0x106: {  	[tilespmem:s0+$0x5B50] =	vst v2;
	v2 =	vor.u32 v1, v6  }
0x107: {  	v4 =	vld.idx.msk [tilespmem:v4+s30+$0x0], $0xffff;
	v2 =	vor.u32 v3, v2  }
0x108: {  	v2 =	vor.u32 v5, v2;
	_ =	sdelay $0x3  }
0x109: {  	[tilespmem:s0+$0x5B60] =	vst v4  }
0x10a: {  	v2 =	vld.idx.msk [tilespmem:v2+s30+$0x0], $0xffff;
	_ =	sdelay $0x3  }
0x10b: {  	s1 =	sshll.u32 s29, $0x11  }
0x10c: {  	[tilespmem:s0+$0x5B70] =	vst v2;
	s0 =	sadd.s32 s1, s5  }
0x10d: {  	[hbm4b:s0+s2] =	stream.linear.scatter [tilespmem:s17], [sflag:$0x3], $0x400, $0x38;
	[tilespmem:$0x7B00] =	vst v63  }
0x10e: {  	s4 =	sadd.s32 $0x4000, s0  }
0x10f: {  	[hbm4b:s4+s2] =	stream.linear.scatter [tilespmem:s18], [sflag:$0x3], $0x400, $0x38;
	[tilespmem:$0x7B00] =	vst v63  }
0x110: {  	s6 =	sadd.s32 $0x8000, s0  }
0x111: {  	[hbm4b:s6+s2] =	stream.linear.scatter [tilespmem:s19], [sflag:$0x3], $0x400, $0x38;
	[tilespmem:$0x7B00] =	vst v63  }
0x112: {  	s8 =	sadd.s32 $0xC000, s0  }
0x113: {  	[hbm4b:s8+s2] =	stream.linear.scatter [tilespmem:s20], [sflag:$0x3], $0x400, $0x38;
	[tilespmem:$0x7B00] =	vst v63  }
0x114: {  	s10 =	sadd.s32 $0x10000, s0  }
0x115: {  	[hbm4b:s10+s2] =	stream.linear.scatter [tilespmem:s21], [sflag:$0x3], $0x400, $0x38;
	[tilespmem:$0x7B00] =	vst v63  }
0x116: {  	p0 =	seq.s32 s28, $0x19;
	s30 =	sadd.s32 $0x14000, s0  }
0x117: {  	[hbm4b:s30+s2] =	stream.linear.scatter [tilespmem:s22], [sflag:$0x3], $0x400, $0x38;
	[tilespmem:$0x7B00] =	vst v63  }
.Ltmp4:
0x118: {  	_ = 	snop;
	(pc) =	sbr.rel @!p0 .LBB2_4-.Ltmp4, $4  }
0x119: {  	s31 =	sadd.s32 $0x18000, s0  }
0x11a: {  	[hbm4b:s31+s2] =	stream.linear.scatter [tilespmem:s23], [sflag:$0x3], $0x400, $0x38;
	[tilespmem:$0x7B00] =	vst v63  }
0x11b: {  	s29 =	smov.u32 s28;
	s0 =	sadd.s32 $0x1C000, s0  }
0x11c: {  	[hbm4b:s0+s2] =	stream.linear.scatter [tilespmem:s24], [sflag:$0x3], $0x400, $0x38;
	[tilespmem:$0x7B00] =	vst v63  }
0x11d: {  	_ =	swait.ge [sflag:s25], $0x400  }
0x11e: {  	[sflag:s25] =	ssyncset.done $0x0  }
0x11f: {  	[sflag:s25] =	ssyncadd.s32 $0xFFFFFC00  }
0x120: {  	_ =	swait.ge [sflag:s25], $0x400  }
0x121: {  	[sflag:s25] =	ssyncset.done $0x0  }
0x122: {  	[sflag:s25] =	ssyncadd.s32 $0xFFFFFC00  }
0x123: {  	_ =	swait.ge [sflag:s25], $0x400  }
0x124: {  	[sflag:s25] =	ssyncset.done $0x0  }
0x125: {  	[sflag:s25] =	ssyncadd.s32 $0xFFFFFC00  }
0x126: {  	_ =	swait.ge [sflag:s25], $0x400  }
0x127: {  	[sflag:s25] =	ssyncset.done $0x0  }
0x128: {  	[sflag:s25] =	ssyncadd.s32 $0xFFFFFC00  }
0x129: {  	_ =	swait.ge [sflag:s25], $0x400  }
0x12a: {  	[sflag:s25] =	ssyncset.done $0x0  }
0x12b: {  	[sflag:s25] =	ssyncadd.s32 $0xFFFFFC00  }
0x12c: {  	_ =	swait.ge [sflag:s25], $0x400  }
0x12d: {  	[sflag:s25] =	ssyncset.done $0x0  }
0x12e: {  	[sflag:s25] =	ssyncadd.s32 $0xFFFFFC00  }
0x12f: {  	_ =	swait.ge [sflag:s25], $0x400  }
0x130: {  	[sflag:s25] =	ssyncset.done $0x0  }
0x131: {  	[sflag:s25] =	ssyncadd.s32 $0xFFFFFC00  }
0x132: {  	_ =	swait.ge [sflag:s25], $0x400  }
0x133: {  	[sflag:s25] =	ssyncset.done $0x0  }
0x134: {  	s1 =	simm.s32 $0x0;
	s0 =	rddreg [dreg:$0x4];
	[sflag:s25] =	ssyncadd.s32 $0xFFFFFC00  }
0x135: {  	[tilespmem:s1], [sflag:$0x4] =	stream.linear.gather [hbm4b:s0+s1], $0x1900, $0x38;
	[tilespmem:$0x7B00] =	vst v63  }
0x136: {  	s1 =	sand.u32 $0x7, s1  }
0x137: {  	s1 =	smul.u32 $0x320, s1;
	_ =	sdelay $0x1  }
0x138: {  	s1 =	sadd.s32 $0x0, s1  }
0x139: {  	v2 =	vadd.s32 s1, v0  }
0x13a: {  	s4 =	simm.s32 $0x1  }
0x13b: {  	s31 =	sand.u32 $0x7, s4;
	_ =	swait.ge [sflag:s13], $0x1900  }
0x13c: {  	s4 =	smul.u32 $0x320, s31;
	[sflag:s13] =	ssyncset.done $0x0  }
0x13d: {  	[sflag:s13] =	ssyncadd.s32 $0xFFFFE700  }
0x13e: {  	s4 =	sadd.s32 $0x0, s4;
	v2 =	vld.idx.msk [tilespmem:v2+s2+$0x0], $0xffff  }
0x13f: {  	v3 =	vadd.s32 s4, v0;
	_ =	sdelay $0x1  }
0x140: {  	s1 =	simm.s32 $0x2  }
0x141: {  	s4 =	simm.s32 $0x3;
	s0 =	simm.s32 $0x1900;
	s6 =	sand.u32 $0x7, s1  }
.LBB2_12:
0x142: {  	p0 =	sne.s32 s4, $0xF;
	s6 =	smul.u32 $0x320, s6;
	[tilespmem:s0+$0x0] =	vst v2  }
0x143: {  	s8 =	sshrl.u32 s1, $0x3;
	s1 =	smov.u32 s4;
	v2 =	vld.idx.msk [tilespmem:v3+s2+$0x0], $0xffff  }
.Ltmp5:
0x144: {  	s6 =	sadd.s32 s8, s6;
	(pc) =	sbr.rel @p0 .LBB2_12-.Ltmp5, $2  }
0x145: {  	v3 =	vadd.s32 s6, v0;
	_ =	sdelay $0x2  }
0x146: {  	s4 =	sadd.s32 $0x1, s4;
	s0 =	sadd.s32 $0x10, s0;
	s6 =	sand.u32 $0x7, s1  }
0x147: {  	_ =	sdelay $0x1  }
0x148: {  	s4 =	smul.u32 $0x320, s6  }
0x149: {  	[tilespmem:s0+$0x0] =	vst v2;
	s1 =	sshrl.u32 s1, $0x3  }
0x14a: {  	v2 =	vld.idx.msk [tilespmem:v3+s2+$0x0], $0xffff;
	s1 =	sadd.s32 s1, s4  }
0x14b: {  	v3 =	vadd.s32 s1, v0;
	_ =	sdelay $0x2  }
0x14c: {  	s31 =	sadd.s32 $0x10, s0  }
0x14d: {  	[tilespmem:s31+$0x0] =	vst v2  }
0x14e: {  	v2 =	vld.idx.msk [tilespmem:v3+s2+$0x0], $0xffff;
	_ =	sdelay $0x3  }
0x14f: {  	s0 =	sadd.s32 $0x10, s31  }
0x150: {  	s29 =	simm.s32 $0x0;
	[tilespmem:s0+$0x0] =	vst v2  }
0x151: {  	[tilespmem:s16], [sflag:$0x1] =	stream.indirect.gather [hbm4b:s3+s14], $0x20, s15, s14, $0xb8;
	[tilespmem:$0x7B00] =	vst v63  }
.LBB2_14:
0x152: {  	p0 =	seq.s32 s29, $0x18  }
.Ltmp6:
0x153: {  	_ = 	snop;
	(pc) =	sbr.rel @p0 .LBB2_18-.Ltmp6, $2  }
0x154: {  	_ =	sdelay $0x2  }
0x155: {  	s0 =	sand.u32 $0x1, s29;
	s28 =	sadd.s32 $0x1, s29;
	s1 =	simm.s32 $0x1  }
0x156: {  	s1 =	simm.s32 $0x0  }
0x157: {  	s1 =	sand.u32 $0x7, s1  }
0x158: {  	s4 =	smul.u32 $0x320, s1  }
0x159: {  	s1 =	sshll.u32 s28, $0x1  }
0x15a: {  	s4 =	sadd.s32 s1, s4  }
0x15b: {  	s4 =	sadd.s32 $0x0, s4  }
0x15c: {  	s6 =	simm.s32 $0x1;
	v2 =	vadd.s32 s4, v0  }
0x15d: {  	s8 =	sand.u32 $0x7, s6  }
0x15e: {  	s4 =	smul.u32 $0x320, s8;
	_ =	sdelay $0x1  }
0x15f: {  	s4 =	sadd.s32 s1, s4  }
0x160: {  	s4 =	sadd.s32 $0x0, s4;
	v2 =	vld.idx.msk [tilespmem:v2+s2+$0x0], $0xffff  }
0x161: {  	s10 =	simm.s32 $0x2;
	v3 =	vadd.s32 s4, v0  }
0x162: {  	s8 =	sand.u32 $0x7, s10;
	s10 =	sshll.u32 s0, $0x8  }
0x163: {  	s8 =	smul.u32 $0x320, s8;
	s10 =	sxor.u32 $0x100, s10  }
0x164: {  	s4 =	sadd.s32 $0x1900, s10  }
0x165: {  	s8 =	sadd.s32 s1, s8;
	[tilespmem:s4+$0x0] =	vst v2  }
0x166: {  	s8 =	sadd.s32 $0x0, s8;
	v3 =	vld.idx.msk [tilespmem:v3+s2+$0x0], $0xffff  }
0x167: {  	v2 =	vadd.s32 s8, v0  }
0x168: {  	s6 =	simm.s32 $0x3  }
0x169: {  	s30 =	simm.s32 $0x4;
	s31 =	sand.u32 $0x7, s6  }
.LBB2_16:
0x16a: {  	p0 =	sne.s32 s30, $0xF;
	s8 =	smul.u32 $0x320, s31;
	s4 =	sadd.s32 $0x10, s4  }
0x16b: {  	[tilespmem:s4+$0x0] =	vst v3  }
.Ltmp7:
0x16c: {  	s6 =	sshrl.u32 s6, $0x3;
	s8 =	sadd.s32 s1, s8;
	v3 =	vld.idx.msk [tilespmem:v2+s2+$0x0], $0xffff;
	(pc) =	sbr.rel @p0 .LBB2_16-.Ltmp7, $3  }
0x16d: {  	s8 =	sadd.s32 s6, s8;
	s6 =	smov.u32 s30  }
0x16e: {  	v2 =	vadd.s32 s8, v0;
	_ =	sdelay $0x1  }
0x16f: {  	s30 =	sadd.s32 $0x1, s30;
	s31 =	sand.u32 $0x7, s6  }
0x170: {  	_ = 	snop  }
0x171: {  	s8 =	smul.u32 $0x320, s31  }
0x172: {  	s4 =	sadd.s32 $0x10, s4  }
0x173: {  	s6 =	sshrl.u32 s6, $0x3;
	[tilespmem:s4+$0x0] =	vst v3;
	s1 =	sadd.s32 s1, s8  }
0x174: {  	v2 =	vld.idx.msk [tilespmem:v2+s2+$0x0], $0xffff;
	s1 =	sadd.s32 s6, s1  }
0x175: {  	v3 =	vadd.s32 s1, v0;
	_ =	sdelay $0x2  }
0x176: {  	s31 =	sadd.s32 $0x10, s4  }
0x177: {  	[tilespmem:s31+$0x0] =	vst v2  }
0x178: {  	v2 =	vld.idx.msk [tilespmem:v3+s2+$0x0], $0xffff;
	_ =	sdelay $0x3  }
0x179: {  	p0 =	seq.s32 s0, $0x0;
	s1 =	sadd.s32 $0x10, s31  }
0x17a: {  	s4 =	simm.s32 @p0 $0x1A00;
	s6 =	simm.s32 @p0 $0x3B00;
	[tilespmem:s1+$0x0] =	vst v2;
	s1 =	simm.s32 @p0 $0x100  }
0x17b: {  	[tilespmem:s6], [sflag:$0x2] =	stream.indirect.gather @p0 [hbm4b:s3+s1], $0x20, s4, s1, $0xb8;
	[tilespmem:$0x7B00] =	vst v63  }
0x17c: {  	s1 =	simm.s32 @!p0 $0x100;
	s4 =	simm.s32 @!p0 $0x1900;
	s6 =	simm.s32 @!p0 $0x1B00  }
0x17d: {  	[tilespmem:s6], [sflag:$0x1] =	stream.indirect.gather @!p0 [hbm4b:s3+s1], $0x20, s4, s1, $0xb8;
	[tilespmem:$0x7B00] =	vst v63  }
0x17e: {  	p0 =	seq.s32 s0, $0x1;
	s1 =	simm.s32 $0x2  }
0x17f: {  	s1 =	simm.s32 @!p0 $0x1  }
.LBB2_18:
0x180: {  	_ =	swait.ge [sflag:s1], $0x2000  }
0x181: {  	p0 =	seq.s32 s29, $0x0;
	[sflag:s1] =	ssyncset.done $0x0  }
0x182: {  	[sflag:s1] =	ssyncadd.s32 $0xFFFFE000;
	s1 =	simm.s32 @!p0 $0x3  }
0x183: {  	_ =	swait.ge @!p0 [sflag:s1], $0x400  }
0x184: {  	[sflag:s1] =	ssyncset.done @!p0 $0x0  }
0x185: {  	[sflag:s1] =	ssyncadd.s32 @!p0 $0xFFFFFC00  }
0x186: {  	_ =	swait.ge @!p0 [sflag:s1], $0x400  }
0x187: {  	[sflag:s1] =	ssyncset.done @!p0 $0x0  }
0x188: {  	[sflag:s1] =	ssyncadd.s32 @!p0 $0xFFFFFC00  }
0x189: {  	_ =	swait.ge @!p0 [sflag:s1], $0x400  }
0x18a: {  	[sflag:s1] =	ssyncset.done @!p0 $0x0  }
0x18b: {  	[sflag:s1] =	ssyncadd.s32 @!p0 $0xFFFFFC00  }
0x18c: {  	_ =	swait.ge @!p0 [sflag:s1], $0x400  }
0x18d: {  	[sflag:s1] =	ssyncset.done @!p0 $0x0  }
0x18e: {  	[sflag:s1] =	ssyncadd.s32 @!p0 $0xFFFFFC00  }
0x18f: {  	_ =	swait.ge @!p0 [sflag:s1], $0x400  }
0x190: {  	[sflag:s1] =	ssyncset.done @!p0 $0x0  }
0x191: {  	[sflag:s1] =	ssyncadd.s32 @!p0 $0xFFFFFC00  }
0x192: {  	_ =	swait.ge @!p0 [sflag:s1], $0x400  }
0x193: {  	[sflag:s1] =	ssyncset.done @!p0 $0x0  }
0x194: {  	[sflag:s1] =	ssyncadd.s32 @!p0 $0xFFFFFC00  }
0x195: {  	_ =	swait.ge @!p0 [sflag:s1], $0x400  }
0x196: {  	[sflag:s1] =	ssyncset.done @!p0 $0x0  }
0x197: {  	[sflag:s1] =	ssyncadd.s32 @!p0 $0xFFFFFC00  }
0x198: {  	_ =	swait.ge @!p0 [sflag:s1], $0x400  }
0x199: {  	s6 =	simm.s32 $0x0;
	[sflag:s1] =	ssyncset.done @!p0 $0x0  }
0x19a: {  	[sflag:s1] =	ssyncadd.s32 @!p0 $0xFFFFFC00;
	s1 =	sand.u32 $0xFFFFFF80, s6  }
0x19b: {  	s31 =	simm.s32 $0x0;
	v2 =	vmov s1  }
0x19c: {  	v3 =	vmov s31;
	v2 =	vshll.u32 v2, $0x5  }
0x19d: {  	v4 =	vand.u32 $0x18, v3;
	v2 =	vor.u32 v1, v2  }
0x19e: {  	v5 =	vand.u32 $0x7, v3;
	v2 =	vor.u32 v4, v2  }
0x19f: {  	s0 =	sshll.u32 s0, $0xD;
	v2 =	vor.u32 v5, v2  }
0x1a0: {  	s30 =	sor.u32 $0x1B00, s0;
	s0 =	sor.u32 $0x10, s1  }
0x1a1: {  	v3 =	vmov s0  }
0x1a2: {  	v3 =	vshll.u32 v3, $0x5  }
0x1a3: {  	v3 =	vor.u32 v1, v3  }
0x1a4: {  	v3 =	vor.u32 v4, v3;
	v2 =	vld.idx.msk [tilespmem:v2+s30+$0x0], $0xffff  }
0x1a5: {  	v3 =	vor.u32 v5, v3  }
0x1a6: {  	s8 =	simm.s32 $0x0;
	s4 =	sor.u32 $0x20, s1  }
0x1a7: {  	s6 =	sand.u32 $0xF80, s31;
	s0 =	sand.u32 $0x3FFFF000, s8;
	v6 =	vmov s4  }
0x1a8: {  	s0 =	sor.u32 s6, s0;
	v6 =	vshll.u32 v6, $0x5  }
0x1a9: {  	[tilespmem:s0+$0x5B00] =	vst v2;
	v2 =	vor.u32 v1, v6  }
0x1aa: {  	v3 =	vld.idx.msk [tilespmem:v3+s30+$0x0], $0xffff;
	v2 =	vor.u32 v4, v2  }
0x1ab: {  	v2 =	vor.u32 v5, v2  }
0x1ac: {  	s10 =	sor.u32 $0x30, s1  }
0x1ad: {  	v59 =	vmov s10  }
0x1ae: {  	v6 =	vshll.u32 v59, $0x5  }
0x1af: {  	[tilespmem:s0+$0x5B10] =	vst v3;
	v3 =	vor.u32 v1, v6  }
0x1b0: {  	v2 =	vld.idx.msk [tilespmem:v2+s30+$0x0], $0xffff;
	v3 =	vor.u32 v4, v3  }
0x1b1: {  	v3 =	vor.u32 v5, v3  }
0x1b2: {  	s6 =	sor.u32 $0x40, s1  }
0x1b3: {  	v60 =	vmov s6  }
0x1b4: {  	v6 =	vshll.u32 v60, $0x5  }
0x1b5: {  	[tilespmem:s0+$0x5B20] =	vst v2;
	v2 =	vor.u32 v1, v6  }
0x1b6: {  	v3 =	vld.idx.msk [tilespmem:v3+s30+$0x0], $0xffff;
	v2 =	vor.u32 v4, v2  }
0x1b7: {  	v2 =	vor.u32 v5, v2  }
0x1b8: {  	s8 =	sor.u32 $0x50, s1  }
0x1b9: {  	v61 =	vmov s8  }
0x1ba: {  	v6 =	vshll.u32 v61, $0x5  }
0x1bb: {  	[tilespmem:s0+$0x5B30] =	vst v3;
	v3 =	vor.u32 v1, v6  }
0x1bc: {  	v2 =	vld.idx.msk [tilespmem:v2+s30+$0x0], $0xffff;
	v3 =	vor.u32 v4, v3  }
0x1bd: {  	v3 =	vor.u32 v5, v3  }
0x1be: {  	s10 =	sor.u32 $0x60, s1  }
0x1bf: {  	v62 =	vmov s10  }
0x1c0: {  	v6 =	vshll.u32 v62, $0x5  }
0x1c1: {  	[tilespmem:s0+$0x5B40] =	vst v2;
	v2 =	vor.u32 v1, v6  }
0x1c2: {  	v3 =	vld.idx.msk [tilespmem:v3+s30+$0x0], $0xffff;
	v2 =	vor.u32 v4, v2  }
0x1c3: {  	v2 =	vor.u32 v5, v2  }
0x1c4: {  	s1 =	sor.u32 $0x70, s1  }
0x1c5: {  	v63 =	vmov s1  }
0x1c6: {  	v6 =	vshll.u32 v63, $0x5  }
0x1c7: {  	v6 =	vor.u32 v1, v6;
	[tilespmem:s0+$0x5B50] =	vst v3  }
0x1c8: {  	v4 =	vor.u32 v4, v6;
	v3 =	vld.idx.msk [tilespmem:v2+s30+$0x0], $0xffff  }
0x1c9: {  	v2 =	vor.u32 v5, v4  }
0x1ca: {  	s4 =	simm.s32 $0x2;
	s1 =	simm.s32 $0x1;
	s6 =	simm.s32 $0x4  }
.LBB2_19:
0x1cb: {  	p0 =	seq.s32 s4, $0x3F;
	s6 =	sand.u32 $0xFFFFFF80, s6  }
0x1cc: {  	v4 =	vmov s6  }
0x1cd: {  	v5 =	vmov s1;
	v4 =	vshll.u32 v4, $0x5;
	[tilespmem:s0+$0x5B60] =	vst v3  }
0x1ce: {  	v6 =	vand.u32 $0x18, v5;
	v3 =	vor.u32 v1, v4;
	v2 =	vld.idx.msk [tilespmem:v2+s30+$0x0], $0xffff  }
0x1cf: {  	v4 =	vand.u32 $0x7, v5;
	v3 =	vor.u32 v6, v3  }
0x1d0: {  	v3 =	vor.u32 v4, v3;
	_ =	sdelay $0x1  }
0x1d1: {  	s8 =	sor.u32 $0x10, s6  }
0x1d2: {  	v5 =	vmov s8  }
0x1d3: {  	v5 =	vshll.u32 v5, $0x5;
	[tilespmem:s0+$0x5B70] =	vst v2  }
0x1d4: {  	v2 =	vld.idx.msk [tilespmem:v3+s30+$0x0], $0xffff;
	v3 =	vor.u32 v1, v5  }
0x1d5: {  	v3 =	vor.u32 v6, v3  }
0x1d6: {  	v3 =	vor.u32 v4, v3  }
0x1d7: {  	s31 =	sadd.s32 $0x80, s31;
	s0 =	sshll.u32 s1, $0x7;
	s1 =	smov.u32 s4  }
0x1d8: {  	s10 =	sor.u32 $0x20, s6;
	s8 =	sand.u32 $0xF80, s31;
	s0 =	sand.u32 $0x3FFFF000, s0  }
0x1d9: {  	v5 =	vmov s10;
	s0 =	sor.u32 s8, s0  }
0x1da: {  	[tilespmem:s0+$0x5B00] =	vst v2;
	v2 =	vshll.u32 v5, $0x5  }
0x1db: {  	v3 =	vld.idx.msk [tilespmem:v3+s30+$0x0], $0xffff;
	v2 =	vor.u32 v1, v2  }
0x1dc: {  	v2 =	vor.u32 v6, v2  }
0x1dd: {  	v2 =	vor.u32 v4, v2;
	_ =	sdelay $0x1  }
0x1de: {  	s8 =	sor.u32 $0x30, s6  }
0x1df: {  	v5 =	vmov s8  }
0x1e0: {  	[tilespmem:s0+$0x5B10] =	vst v3;
	v3 =	vshll.u32 v5, $0x5  }
0x1e1: {  	v2 =	vld.idx.msk [tilespmem:v2+s30+$0x0], $0xffff;
	v3 =	vor.u32 v1, v3  }
0x1e2: {  	v3 =	vor.u32 v6, v3  }
0x1e3: {  	v3 =	vor.u32 v4, v3;
	_ =	sdelay $0x1  }
0x1e4: {  	s8 =	sor.u32 $0x40, s6  }
0x1e5: {  	v5 =	vmov s8  }
0x1e6: {  	[tilespmem:s0+$0x5B20] =	vst v2;
	v2 =	vshll.u32 v5, $0x5  }
0x1e7: {  	v3 =	vld.idx.msk [tilespmem:v3+s30+$0x0], $0xffff;
	v2 =	vor.u32 v1, v2  }
0x1e8: {  	v2 =	vor.u32 v6, v2  }
0x1e9: {  	v2 =	vor.u32 v4, v2;
	_ =	sdelay $0x1  }
0x1ea: {  	s8 =	sor.u32 $0x50, s6  }
0x1eb: {  	v5 =	vmov s8  }
0x1ec: {  	[tilespmem:s0+$0x5B30] =	vst v3;
	v3 =	vshll.u32 v5, $0x5  }
0x1ed: {  	v2 =	vld.idx.msk [tilespmem:v2+s30+$0x0], $0xffff;
	v3 =	vor.u32 v1, v3  }
0x1ee: {  	v3 =	vor.u32 v6, v3  }
0x1ef: {  	v3 =	vor.u32 v4, v3;
	_ =	sdelay $0x1  }
0x1f0: {  	s8 =	sor.u32 $0x60, s6  }
0x1f1: {  	v5 =	vmov s8  }
0x1f2: {  	[tilespmem:s0+$0x5B40] =	vst v2;
	v2 =	vshll.u32 v5, $0x5  }
0x1f3: {  	v3 =	vld.idx.msk [tilespmem:v3+s30+$0x0], $0xffff;
	v2 =	vor.u32 v1, v2  }
0x1f4: {  	v2 =	vor.u32 v6, v2  }
0x1f5: {  	v2 =	vor.u32 v4, v2;
	_ =	sdelay $0x1  }
0x1f6: {  	s6 =	sor.u32 $0x70, s6  }
0x1f7: {  	v5 =	vmov s6  }
.Ltmp8:
0x1f8: {  	v5 =	vshll.u32 v5, $0x5;
	[tilespmem:s0+$0x5B50] =	vst v3;
	(pc) =	sbr.rel @!p0 .LBB2_19-.Ltmp8, $4  }
0x1f9: {  	v3 =	vld.idx.msk [tilespmem:v2+s30+$0x0], $0xffff;
	v2 =	vor.u32 v1, v5  }
0x1fa: {  	v2 =	vor.u32 v6, v2  }
0x1fb: {  	v2 =	vor.u32 v4, v2  }
0x1fc: {  	s4 =	sadd.s32 $0x1, s4;
	s6 =	sshll.u32 s1, $0x2  }
0x1fd: {  	s4 =	sand.u32 $0xFFFFFF80, s6  }
0x1fe: {  	v4 =	vmov s4  }
0x1ff: {  	v5 =	vmov s1;
	v4 =	vshll.u32 v4, $0x5  }
0x200: {  	[tilespmem:s0+$0x5B60] =	vst v3;
	v3 =	vand.u32 $0x18, v5;
	v4 =	vor.u32 v1, v4  }
0x201: {  	v5 =	vand.u32 $0x7, v5;
	v2 =	vld.idx.msk [tilespmem:v2+s30+$0x0], $0xffff;
	v4 =	vor.u32 v3, v4  }
0x202: {  	v4 =	vor.u32 v5, v4  }
0x203: {  	s6 =	sor.u32 $0x10, s4  }
0x204: {  	v6 =	vmov s6  }
0x205: {  	v6 =	vshll.u32 v6, $0x5  }
0x206: {  	[tilespmem:s0+$0x5B70] =	vst v2;
	v2 =	vor.u32 v1, v6  }
0x207: {  	v2 =	vor.u32 v3, v2;
	v4 =	vld.idx.msk [tilespmem:v4+s30+$0x0], $0xffff  }
0x208: {  	v2 =	vor.u32 v5, v2  }
0x209: {  	s8 =	sadd.s32 $0x80, s31;
	s10 =	sor.u32 $0x20, s4;
	s6 =	sshll.u32 s1, $0x7  }
0x20a: {  	s1 =	sand.u32 $0xF80, s8;
	v55 =	vmov s10;
	s0 =	sand.u32 $0x3FFFF000, s6  }
0x20b: {  	v6 =	vshll.u32 v55, $0x5;
	s0 =	sor.u32 s1, s0  }
0x20c: {  	v56 =	vor.u32 v1, v6;
	[tilespmem:s0+$0x5B00] =	vst v4  }
0x20d: {  	v4 =	vor.u32 v3, v56;
	v2 =	vld.idx.msk [tilespmem:v2+s30+$0x0], $0xffff  }
0x20e: {  	v4 =	vor.u32 v5, v4  }
0x20f: {  	s31 =	sor.u32 $0x30, s4  }
0x210: {  	v57 =	vmov s31  }
0x211: {  	v6 =	vshll.u32 v57, $0x5  }
0x212: {  	[tilespmem:s0+$0x5B10] =	vst v2;
	v2 =	vor.u32 v1, v6  }
0x213: {  	v4 =	vld.idx.msk [tilespmem:v4+s30+$0x0], $0xffff;
	v2 =	vor.u32 v3, v2  }
0x214: {  	v2 =	vor.u32 v5, v2  }
0x215: {  	s6 =	sor.u32 $0x40, s4  }
0x216: {  	v58 =	vmov s6  }
0x217: {  	v6 =	vshll.u32 v58, $0x5  }
0x218: {  	v59 =	vor.u32 v1, v6;
	[tilespmem:s0+$0x5B20] =	vst v4  }
0x219: {  	v4 =	vor.u32 v3, v59;
	v2 =	vld.idx.msk [tilespmem:v2+s30+$0x0], $0xffff  }
0x21a: {  	v4 =	vor.u32 v5, v4  }
0x21b: {  	s8 =	sor.u32 $0x50, s4  }
0x21c: {  	v60 =	vmov s8  }
0x21d: {  	v6 =	vshll.u32 v60, $0x5  }
0x21e: {  	[tilespmem:s0+$0x5B30] =	vst v2;
	v2 =	vor.u32 v1, v6  }
0x21f: {  	v4 =	vld.idx.msk [tilespmem:v4+s30+$0x0], $0xffff;
	v2 =	vor.u32 v3, v2  }
0x220: {  	v2 =	vor.u32 v5, v2  }
0x221: {  	s10 =	sor.u32 $0x60, s4  }
0x222: {  	v61 =	vmov s10  }
0x223: {  	v6 =	vshll.u32 v61, $0x5  }
0x224: {  	v62 =	vor.u32 v1, v6;
	[tilespmem:s0+$0x5B40] =	vst v4  }
0x225: {  	v4 =	vor.u32 v3, v62;
	v2 =	vld.idx.msk [tilespmem:v2+s30+$0x0], $0xffff  }
0x226: {  	v4 =	vor.u32 v5, v4  }
0x227: {  	s31 =	sor.u32 $0x70, s4  }
0x228: {  	v63 =	vmov s31  }
0x229: {  	v6 =	vshll.u32 v63, $0x5  }
0x22a: {  	[tilespmem:s0+$0x5B50] =	vst v2;
	v2 =	vor.u32 v1, v6  }
0x22b: {  	v4 =	vld.idx.msk [tilespmem:v4+s30+$0x0], $0xffff;
	v2 =	vor.u32 v3, v2  }
0x22c: {  	v2 =	vor.u32 v5, v2;
	_ =	sdelay $0x3  }
0x22d: {  	[tilespmem:s0+$0x5B60] =	vst v4  }
0x22e: {  	v2 =	vld.idx.msk [tilespmem:v2+s30+$0x0], $0xffff;
	_ =	sdelay $0x3  }
0x22f: {  	s1 =	sshll.u32 s29, $0x11  }
0x230: {  	[tilespmem:s0+$0x5B70] =	vst v2;
	s0 =	sadd.s32 s1, s7  }
0x231: {  	[hbm4b:s0+s2] =	stream.linear.scatter [tilespmem:s17], [sflag:$0x3], $0x400, $0x38;
	[tilespmem:$0x7B00] =	vst v63  }
0x232: {  	s4 =	sadd.s32 $0x4000, s0  }
0x233: {  	[hbm4b:s4+s2] =	stream.linear.scatter [tilespmem:s18], [sflag:$0x3], $0x400, $0x38;
	[tilespmem:$0x7B00] =	vst v63  }
0x234: {  	s6 =	sadd.s32 $0x8000, s0  }
0x235: {  	[hbm4b:s6+s2] =	stream.linear.scatter [tilespmem:s19], [sflag:$0x3], $0x400, $0x38;
	[tilespmem:$0x7B00] =	vst v63  }
0x236: {  	s8 =	sadd.s32 $0xC000, s0  }
0x237: {  	[hbm4b:s8+s2] =	stream.linear.scatter [tilespmem:s20], [sflag:$0x3], $0x400, $0x38;
	[tilespmem:$0x7B00] =	vst v63  }
0x238: {  	s10 =	sadd.s32 $0x10000, s0  }
0x239: {  	[hbm4b:s10+s2] =	stream.linear.scatter [tilespmem:s21], [sflag:$0x3], $0x400, $0x38;
	[tilespmem:$0x7B00] =	vst v63  }
0x23a: {  	p0 =	seq.s32 s28, $0x19;
	s30 =	sadd.s32 $0x14000, s0  }
0x23b: {  	[hbm4b:s30+s2] =	stream.linear.scatter [tilespmem:s22], [sflag:$0x3], $0x400, $0x38;
	[tilespmem:$0x7B00] =	vst v63  }
.Ltmp9:
0x23c: {  	_ = 	snop;
	(pc) =	sbr.rel @!p0 .LBB2_14-.Ltmp9, $4  }
0x23d: {  	s31 =	sadd.s32 $0x18000, s0  }
0x23e: {  	[hbm4b:s31+s2] =	stream.linear.scatter [tilespmem:s23], [sflag:$0x3], $0x400, $0x38;
	[tilespmem:$0x7B00] =	vst v63  }
0x23f: {  	s29 =	smov.u32 s28;
	s0 =	sadd.s32 $0x1C000, s0  }
0x240: {  	[hbm4b:s0+s2] =	stream.linear.scatter [tilespmem:s24], [sflag:$0x3], $0x400, $0x38;
	[tilespmem:$0x7B00] =	vst v63  }
0x241: {  	_ =	swait.ge [sflag:s25], $0x400  }
0x242: {  	[sflag:s25] =	ssyncset.done $0x0  }
0x243: {  	[sflag:s25] =	ssyncadd.s32 $0xFFFFFC00  }
0x244: {  	_ =	swait.ge [sflag:s25], $0x400  }
0x245: {  	[sflag:s25] =	ssyncset.done $0x0  }
0x246: {  	[sflag:s25] =	ssyncadd.s32 $0xFFFFFC00  }
0x247: {  	_ =	swait.ge [sflag:s25], $0x400  }
0x248: {  	[sflag:s25] =	ssyncset.done $0x0  }
0x249: {  	[sflag:s25] =	ssyncadd.s32 $0xFFFFFC00  }
0x24a: {  	_ =	swait.ge [sflag:s25], $0x400  }
0x24b: {  	[sflag:s25] =	ssyncset.done $0x0  }
0x24c: {  	[sflag:s25] =	ssyncadd.s32 $0xFFFFFC00  }
0x24d: {  	_ =	swait.ge [sflag:s25], $0x400  }
0x24e: {  	[sflag:s25] =	ssyncset.done $0x0  }
0x24f: {  	[sflag:s25] =	ssyncadd.s32 $0xFFFFFC00  }
0x250: {  	_ =	swait.ge [sflag:s25], $0x400  }
0x251: {  	[sflag:s25] =	ssyncset.done $0x0  }
0x252: {  	[sflag:s25] =	ssyncadd.s32 $0xFFFFFC00  }
0x253: {  	_ =	swait.ge [sflag:s25], $0x400  }
0x254: {  	[sflag:s25] =	ssyncset.done $0x0  }
0x255: {  	[sflag:s25] =	ssyncadd.s32 $0xFFFFFC00  }
0x256: {  	_ =	swait.ge [sflag:s25], $0x400  }
0x257: {  	[sflag:s25] =	ssyncset.done $0x0  }
0x258: {  	s1 =	simm.s32 $0x0;
	s0 =	rddreg [dreg:$0x5];
	[sflag:s25] =	ssyncadd.s32 $0xFFFFFC00  }
0x259: {  	[tilespmem:s1], [sflag:$0x4] =	stream.linear.gather [hbm4b:s0+s1], $0x1900, $0x38;
	[tilespmem:$0x7B00] =	vst v63  }
0x25a: {  	s1 =	sand.u32 $0x7, s1  }
0x25b: {  	s1 =	smul.u32 $0x320, s1;
	_ =	sdelay $0x1  }
0x25c: {  	s1 =	sadd.s32 $0x0, s1  }
0x25d: {  	v2 =	vadd.s32 s1, v0  }
0x25e: {  	s4 =	simm.s32 $0x1  }
0x25f: {  	s31 =	sand.u32 $0x7, s4;
	_ =	swait.ge [sflag:s13], $0x1900  }
0x260: {  	s4 =	smul.u32 $0x320, s31;
	[sflag:s13] =	ssyncset.done $0x0  }
0x261: {  	[sflag:s13] =	ssyncadd.s32 $0xFFFFE700  }
0x262: {  	s4 =	sadd.s32 $0x0, s4;
	v2 =	vld.idx.msk [tilespmem:v2+s2+$0x0], $0xffff  }
0x263: {  	v3 =	vadd.s32 s4, v0;
	_ =	sdelay $0x1  }
0x264: {  	s1 =	simm.s32 $0x2  }
0x265: {  	s4 =	simm.s32 $0x3;
	s0 =	simm.s32 $0x1900;
	s6 =	sand.u32 $0x7, s1  }
.LBB2_22:
0x266: {  	p0 =	sne.s32 s4, $0xF;
	s6 =	smul.u32 $0x320, s6;
	[tilespmem:s0+$0x0] =	vst v2  }
0x267: {  	s8 =	sshrl.u32 s1, $0x3;
	s1 =	smov.u32 s4;
	v2 =	vld.idx.msk [tilespmem:v3+s2+$0x0], $0xffff  }
.Ltmp10:
0x268: {  	s6 =	sadd.s32 s8, s6;
	(pc) =	sbr.rel @p0 .LBB2_22-.Ltmp10, $2  }
0x269: {  	v3 =	vadd.s32 s6, v0;
	_ =	sdelay $0x2  }
0x26a: {  	s4 =	sadd.s32 $0x1, s4;
	s0 =	sadd.s32 $0x10, s0;
	s6 =	sand.u32 $0x7, s1  }
0x26b: {  	_ =	sdelay $0x1  }
0x26c: {  	s4 =	smul.u32 $0x320, s6  }
0x26d: {  	[tilespmem:s0+$0x0] =	vst v2;
	s1 =	sshrl.u32 s1, $0x3  }
0x26e: {  	v2 =	vld.idx.msk [tilespmem:v3+s2+$0x0], $0xffff;
	s1 =	sadd.s32 s1, s4  }
0x26f: {  	v3 =	vadd.s32 s1, v0;
	_ =	sdelay $0x2  }
0x270: {  	s31 =	sadd.s32 $0x10, s0  }
0x271: {  	[tilespmem:s31+$0x0] =	vst v2  }
0x272: {  	v2 =	vld.idx.msk [tilespmem:v3+s2+$0x0], $0xffff;
	_ =	sdelay $0x3  }
0x273: {  	s0 =	sadd.s32 $0x10, s31  }
0x274: {  	s29 =	simm.s32 $0x0;
	[tilespmem:s0+$0x0] =	vst v2  }
0x275: {  	[tilespmem:s16], [sflag:$0x1] =	stream.indirect.gather [hbm4b:s3+s14], $0x20, s15, s14, $0xb8;
	[tilespmem:$0x7B00] =	vst v63  }
.LBB2_24:
0x276: {  	p0 =	seq.s32 s29, $0x18  }
.Ltmp11:
0x277: {  	_ = 	snop;
	(pc) =	sbr.rel @p0 .LBB2_28-.Ltmp11, $2  }
0x278: {  	_ =	sdelay $0x2  }
0x279: {  	s0 =	sand.u32 $0x1, s29;
	s28 =	sadd.s32 $0x1, s29;
	s1 =	simm.s32 $0x1  }
0x27a: {  	s1 =	simm.s32 $0x0  }
0x27b: {  	s1 =	sand.u32 $0x7, s1  }
0x27c: {  	s4 =	smul.u32 $0x320, s1  }
0x27d: {  	s1 =	sshll.u32 s28, $0x1  }
0x27e: {  	s4 =	sadd.s32 s1, s4  }
0x27f: {  	s4 =	sadd.s32 $0x0, s4  }
0x280: {  	s6 =	simm.s32 $0x1;
	v2 =	vadd.s32 s4, v0  }
0x281: {  	s8 =	sand.u32 $0x7, s6  }
0x282: {  	s4 =	smul.u32 $0x320, s8;
	_ =	sdelay $0x1  }
0x283: {  	s4 =	sadd.s32 s1, s4  }
0x284: {  	s4 =	sadd.s32 $0x0, s4;
	v2 =	vld.idx.msk [tilespmem:v2+s2+$0x0], $0xffff  }
0x285: {  	s10 =	simm.s32 $0x2;
	v3 =	vadd.s32 s4, v0  }
0x286: {  	s8 =	sand.u32 $0x7, s10;
	s10 =	sshll.u32 s0, $0x8  }
0x287: {  	s8 =	smul.u32 $0x320, s8;
	s10 =	sxor.u32 $0x100, s10  }
0x288: {  	s4 =	sadd.s32 $0x1900, s10  }
0x289: {  	s8 =	sadd.s32 s1, s8;
	[tilespmem:s4+$0x0] =	vst v2  }
0x28a: {  	s8 =	sadd.s32 $0x0, s8;
	v3 =	vld.idx.msk [tilespmem:v3+s2+$0x0], $0xffff  }
0x28b: {  	v2 =	vadd.s32 s8, v0  }
0x28c: {  	s6 =	simm.s32 $0x3  }
0x28d: {  	s30 =	simm.s32 $0x4;
	s31 =	sand.u32 $0x7, s6  }
.LBB2_26:
0x28e: {  	p0 =	sne.s32 s30, $0xF;
	s8 =	smul.u32 $0x320, s31;
	s4 =	sadd.s32 $0x10, s4  }
0x28f: {  	[tilespmem:s4+$0x0] =	vst v3  }
.Ltmp12:
0x290: {  	s6 =	sshrl.u32 s6, $0x3;
	s8 =	sadd.s32 s1, s8;
	v3 =	vld.idx.msk [tilespmem:v2+s2+$0x0], $0xffff;
	(pc) =	sbr.rel @p0 .LBB2_26-.Ltmp12, $3  }
0x291: {  	s8 =	sadd.s32 s6, s8;
	s6 =	smov.u32 s30  }
0x292: {  	v2 =	vadd.s32 s8, v0;
	_ =	sdelay $0x1  }
0x293: {  	s30 =	sadd.s32 $0x1, s30;
	s31 =	sand.u32 $0x7, s6  }
0x294: {  	_ = 	snop  }
0x295: {  	s8 =	smul.u32 $0x320, s31  }
0x296: {  	s4 =	sadd.s32 $0x10, s4  }
0x297: {  	s6 =	sshrl.u32 s6, $0x3;
	[tilespmem:s4+$0x0] =	vst v3;
	s1 =	sadd.s32 s1, s8  }
0x298: {  	v2 =	vld.idx.msk [tilespmem:v2+s2+$0x0], $0xffff;
	s1 =	sadd.s32 s6, s1  }
0x299: {  	v3 =	vadd.s32 s1, v0;
	_ =	sdelay $0x2  }
0x29a: {  	s31 =	sadd.s32 $0x10, s4  }
0x29b: {  	[tilespmem:s31+$0x0] =	vst v2  }
0x29c: {  	v2 =	vld.idx.msk [tilespmem:v3+s2+$0x0], $0xffff;
	_ =	sdelay $0x3  }
0x29d: {  	p0 =	seq.s32 s0, $0x0;
	s1 =	sadd.s32 $0x10, s31  }
0x29e: {  	s4 =	simm.s32 @p0 $0x1A00;
	s6 =	simm.s32 @p0 $0x3B00;
	[tilespmem:s1+$0x0] =	vst v2;
	s1 =	simm.s32 @p0 $0x100  }
0x29f: {  	[tilespmem:s6], [sflag:$0x2] =	stream.indirect.gather @p0 [hbm4b:s3+s1], $0x20, s4, s1, $0xb8;
	[tilespmem:$0x7B00] =	vst v63  }
0x2a0: {  	s1 =	simm.s32 @!p0 $0x100;
	s4 =	simm.s32 @!p0 $0x1900;
	s6 =	simm.s32 @!p0 $0x1B00  }
0x2a1: {  	[tilespmem:s6], [sflag:$0x1] =	stream.indirect.gather @!p0 [hbm4b:s3+s1], $0x20, s4, s1, $0xb8;
	[tilespmem:$0x7B00] =	vst v63  }
0x2a2: {  	p0 =	seq.s32 s0, $0x1;
	s1 =	simm.s32 $0x2  }
0x2a3: {  	s1 =	simm.s32 @!p0 $0x1  }
.LBB2_28:
0x2a4: {  	_ =	swait.ge [sflag:s1], $0x2000  }
0x2a5: {  	p0 =	seq.s32 s29, $0x0;
	[sflag:s1] =	ssyncset.done $0x0  }
0x2a6: {  	[sflag:s1] =	ssyncadd.s32 $0xFFFFE000;
	s1 =	simm.s32 @!p0 $0x3  }
0x2a7: {  	_ =	swait.ge @!p0 [sflag:s1], $0x400  }
0x2a8: {  	[sflag:s1] =	ssyncset.done @!p0 $0x0  }
0x2a9: {  	[sflag:s1] =	ssyncadd.s32 @!p0 $0xFFFFFC00  }
0x2aa: {  	_ =	swait.ge @!p0 [sflag:s1], $0x400  }
0x2ab: {  	[sflag:s1] =	ssyncset.done @!p0 $0x0  }
0x2ac: {  	[sflag:s1] =	ssyncadd.s32 @!p0 $0xFFFFFC00  }
0x2ad: {  	_ =	swait.ge @!p0 [sflag:s1], $0x400  }
0x2ae: {  	[sflag:s1] =	ssyncset.done @!p0 $0x0  }
0x2af: {  	[sflag:s1] =	ssyncadd.s32 @!p0 $0xFFFFFC00  }
0x2b0: {  	_ =	swait.ge @!p0 [sflag:s1], $0x400  }
0x2b1: {  	[sflag:s1] =	ssyncset.done @!p0 $0x0  }
0x2b2: {  	[sflag:s1] =	ssyncadd.s32 @!p0 $0xFFFFFC00  }
0x2b3: {  	_ =	swait.ge @!p0 [sflag:s1], $0x400  }
0x2b4: {  	[sflag:s1] =	ssyncset.done @!p0 $0x0  }
0x2b5: {  	[sflag:s1] =	ssyncadd.s32 @!p0 $0xFFFFFC00  }
0x2b6: {  	_ =	swait.ge @!p0 [sflag:s1], $0x400  }
0x2b7: {  	[sflag:s1] =	ssyncset.done @!p0 $0x0  }
0x2b8: {  	[sflag:s1] =	ssyncadd.s32 @!p0 $0xFFFFFC00  }
0x2b9: {  	_ =	swait.ge @!p0 [sflag:s1], $0x400  }
0x2ba: {  	[sflag:s1] =	ssyncset.done @!p0 $0x0  }
0x2bb: {  	[sflag:s1] =	ssyncadd.s32 @!p0 $0xFFFFFC00  }
0x2bc: {  	_ =	swait.ge @!p0 [sflag:s1], $0x400  }
0x2bd: {  	s6 =	simm.s32 $0x0;
	[sflag:s1] =	ssyncset.done @!p0 $0x0  }
0x2be: {  	[sflag:s1] =	ssyncadd.s32 @!p0 $0xFFFFFC00;
	s1 =	sand.u32 $0xFFFFFF80, s6  }
0x2bf: {  	s31 =	simm.s32 $0x0;
	v2 =	vmov s1  }
0x2c0: {  	v3 =	vmov s31;
	v2 =	vshll.u32 v2, $0x5  }
0x2c1: {  	v4 =	vand.u32 $0x18, v3;
	v2 =	vor.u32 v1, v2  }
0x2c2: {  	v5 =	vand.u32 $0x7, v3;
	v2 =	vor.u32 v4, v2  }
0x2c3: {  	s0 =	sshll.u32 s0, $0xD;
	v2 =	vor.u32 v5, v2  }
0x2c4: {  	s30 =	sor.u32 $0x1B00, s0;
	s0 =	sor.u32 $0x10, s1  }
0x2c5: {  	v3 =	vmov s0  }
0x2c6: {  	v3 =	vshll.u32 v3, $0x5  }
0x2c7: {  	v3 =	vor.u32 v1, v3  }
0x2c8: {  	v3 =	vor.u32 v4, v3;
	v2 =	vld.idx.msk [tilespmem:v2+s30+$0x0], $0xffff  }
0x2c9: {  	v3 =	vor.u32 v5, v3  }
0x2ca: {  	s8 =	simm.s32 $0x0;
	s4 =	sor.u32 $0x20, s1  }
0x2cb: {  	s6 =	sand.u32 $0xF80, s31;
	s0 =	sand.u32 $0x3FFFF000, s8;
	v6 =	vmov s4  }
0x2cc: {  	s0 =	sor.u32 s6, s0;
	v6 =	vshll.u32 v6, $0x5  }
0x2cd: {  	[tilespmem:s0+$0x5B00] =	vst v2;
	v2 =	vor.u32 v1, v6  }
0x2ce: {  	v3 =	vld.idx.msk [tilespmem:v3+s30+$0x0], $0xffff;
	v2 =	vor.u32 v4, v2  }
0x2cf: {  	v2 =	vor.u32 v5, v2  }
0x2d0: {  	s10 =	sor.u32 $0x30, s1  }
0x2d1: {  	v59 =	vmov s10  }
0x2d2: {  	v6 =	vshll.u32 v59, $0x5  }
0x2d3: {  	[tilespmem:s0+$0x5B10] =	vst v3;
	v3 =	vor.u32 v1, v6  }
0x2d4: {  	v2 =	vld.idx.msk [tilespmem:v2+s30+$0x0], $0xffff;
	v3 =	vor.u32 v4, v3  }
0x2d5: {  	v3 =	vor.u32 v5, v3  }
0x2d6: {  	s6 =	sor.u32 $0x40, s1  }
0x2d7: {  	v60 =	vmov s6  }
0x2d8: {  	v6 =	vshll.u32 v60, $0x5  }
0x2d9: {  	[tilespmem:s0+$0x5B20] =	vst v2;
	v2 =	vor.u32 v1, v6  }
0x2da: {  	v3 =	vld.idx.msk [tilespmem:v3+s30+$0x0], $0xffff;
	v2 =	vor.u32 v4, v2  }
0x2db: {  	v2 =	vor.u32 v5, v2  }
0x2dc: {  	s8 =	sor.u32 $0x50, s1  }
0x2dd: {  	v61 =	vmov s8  }
0x2de: {  	v6 =	vshll.u32 v61, $0x5  }
0x2df: {  	[tilespmem:s0+$0x5B30] =	vst v3;
	v3 =	vor.u32 v1, v6  }
0x2e0: {  	v2 =	vld.idx.msk [tilespmem:v2+s30+$0x0], $0xffff;
	v3 =	vor.u32 v4, v3  }
0x2e1: {  	v3 =	vor.u32 v5, v3  }
0x2e2: {  	s10 =	sor.u32 $0x60, s1  }
0x2e3: {  	v62 =	vmov s10  }
0x2e4: {  	v6 =	vshll.u32 v62, $0x5  }
0x2e5: {  	[tilespmem:s0+$0x5B40] =	vst v2;
	v2 =	vor.u32 v1, v6  }
0x2e6: {  	v3 =	vld.idx.msk [tilespmem:v3+s30+$0x0], $0xffff;
	v2 =	vor.u32 v4, v2  }
0x2e7: {  	v2 =	vor.u32 v5, v2  }
0x2e8: {  	s1 =	sor.u32 $0x70, s1  }
0x2e9: {  	v63 =	vmov s1  }
0x2ea: {  	v6 =	vshll.u32 v63, $0x5  }
0x2eb: {  	v6 =	vor.u32 v1, v6;
	[tilespmem:s0+$0x5B50] =	vst v3  }
0x2ec: {  	v4 =	vor.u32 v4, v6;
	v3 =	vld.idx.msk [tilespmem:v2+s30+$0x0], $0xffff  }
0x2ed: {  	v2 =	vor.u32 v5, v4  }
0x2ee: {  	s4 =	simm.s32 $0x2;
	s1 =	simm.s32 $0x1;
	s6 =	simm.s32 $0x4  }
.LBB2_29:
0x2ef: {  	p0 =	seq.s32 s4, $0x3F;
	s6 =	sand.u32 $0xFFFFFF80, s6  }
0x2f0: {  	v4 =	vmov s6  }
0x2f1: {  	v5 =	vmov s1;
	v4 =	vshll.u32 v4, $0x5;
	[tilespmem:s0+$0x5B60] =	vst v3  }
0x2f2: {  	v6 =	vand.u32 $0x18, v5;
	v3 =	vor.u32 v1, v4;
	v2 =	vld.idx.msk [tilespmem:v2+s30+$0x0], $0xffff  }
0x2f3: {  	v4 =	vand.u32 $0x7, v5;
	v3 =	vor.u32 v6, v3  }
0x2f4: {  	v3 =	vor.u32 v4, v3;
	_ =	sdelay $0x1  }
0x2f5: {  	s8 =	sor.u32 $0x10, s6  }
0x2f6: {  	v5 =	vmov s8  }
0x2f7: {  	v5 =	vshll.u32 v5, $0x5;
	[tilespmem:s0+$0x5B70] =	vst v2  }
0x2f8: {  	v2 =	vld.idx.msk [tilespmem:v3+s30+$0x0], $0xffff;
	v3 =	vor.u32 v1, v5  }
0x2f9: {  	v3 =	vor.u32 v6, v3  }
0x2fa: {  	v3 =	vor.u32 v4, v3  }
0x2fb: {  	s31 =	sadd.s32 $0x80, s31;
	s0 =	sshll.u32 s1, $0x7;
	s1 =	smov.u32 s4  }
0x2fc: {  	s10 =	sor.u32 $0x20, s6;
	s8 =	sand.u32 $0xF80, s31;
	s0 =	sand.u32 $0x3FFFF000, s0  }
0x2fd: {  	v5 =	vmov s10;
	s0 =	sor.u32 s8, s0  }
0x2fe: {  	[tilespmem:s0+$0x5B00] =	vst v2;
	v2 =	vshll.u32 v5, $0x5  }
0x2ff: {  	v3 =	vld.idx.msk [tilespmem:v3+s30+$0x0], $0xffff;
	v2 =	vor.u32 v1, v2  }
0x300: {  	v2 =	vor.u32 v6, v2  }
0x301: {  	v2 =	vor.u32 v4, v2;
	_ =	sdelay $0x1  }
0x302: {  	s8 =	sor.u32 $0x30, s6  }
0x303: {  	v5 =	vmov s8  }
0x304: {  	[tilespmem:s0+$0x5B10] =	vst v3;
	v3 =	vshll.u32 v5, $0x5  }
0x305: {  	v2 =	vld.idx.msk [tilespmem:v2+s30+$0x0], $0xffff;
	v3 =	vor.u32 v1, v3  }
0x306: {  	v3 =	vor.u32 v6, v3  }
0x307: {  	v3 =	vor.u32 v4, v3;
	_ =	sdelay $0x1  }
0x308: {  	s8 =	sor.u32 $0x40, s6  }
0x309: {  	v5 =	vmov s8  }
0x30a: {  	[tilespmem:s0+$0x5B20] =	vst v2;
	v2 =	vshll.u32 v5, $0x5  }
0x30b: {  	v3 =	vld.idx.msk [tilespmem:v3+s30+$0x0], $0xffff;
	v2 =	vor.u32 v1, v2  }
0x30c: {  	v2 =	vor.u32 v6, v2  }
0x30d: {  	v2 =	vor.u32 v4, v2;
	_ =	sdelay $0x1  }
0x30e: {  	s8 =	sor.u32 $0x50, s6  }
0x30f: {  	v5 =	vmov s8  }
0x310: {  	[tilespmem:s0+$0x5B30] =	vst v3;
	v3 =	vshll.u32 v5, $0x5  }
0x311: {  	v2 =	vld.idx.msk [tilespmem:v2+s30+$0x0], $0xffff;
	v3 =	vor.u32 v1, v3  }
0x312: {  	v3 =	vor.u32 v6, v3  }
0x313: {  	v3 =	vor.u32 v4, v3;
	_ =	sdelay $0x1  }
0x314: {  	s8 =	sor.u32 $0x60, s6  }
0x315: {  	v5 =	vmov s8  }
0x316: {  	[tilespmem:s0+$0x5B40] =	vst v2;
	v2 =	vshll.u32 v5, $0x5  }
0x317: {  	v3 =	vld.idx.msk [tilespmem:v3+s30+$0x0], $0xffff;
	v2 =	vor.u32 v1, v2  }
0x318: {  	v2 =	vor.u32 v6, v2  }
0x319: {  	v2 =	vor.u32 v4, v2;
	_ =	sdelay $0x1  }
0x31a: {  	s6 =	sor.u32 $0x70, s6  }
0x31b: {  	v5 =	vmov s6  }
.Ltmp13:
0x31c: {  	v5 =	vshll.u32 v5, $0x5;
	[tilespmem:s0+$0x5B50] =	vst v3;
	(pc) =	sbr.rel @!p0 .LBB2_29-.Ltmp13, $4  }
0x31d: {  	v3 =	vld.idx.msk [tilespmem:v2+s30+$0x0], $0xffff;
	v2 =	vor.u32 v1, v5  }
0x31e: {  	v2 =	vor.u32 v6, v2  }
0x31f: {  	v2 =	vor.u32 v4, v2  }
0x320: {  	s4 =	sadd.s32 $0x1, s4;
	s6 =	sshll.u32 s1, $0x2  }
0x321: {  	s4 =	sand.u32 $0xFFFFFF80, s6  }
0x322: {  	v4 =	vmov s4  }
0x323: {  	v5 =	vmov s1;
	v4 =	vshll.u32 v4, $0x5  }
0x324: {  	[tilespmem:s0+$0x5B60] =	vst v3;
	v3 =	vand.u32 $0x18, v5;
	v4 =	vor.u32 v1, v4  }
0x325: {  	v5 =	vand.u32 $0x7, v5;
	v2 =	vld.idx.msk [tilespmem:v2+s30+$0x0], $0xffff;
	v4 =	vor.u32 v3, v4  }
0x326: {  	v4 =	vor.u32 v5, v4  }
0x327: {  	s6 =	sor.u32 $0x10, s4  }
0x328: {  	v6 =	vmov s6  }
0x329: {  	v6 =	vshll.u32 v6, $0x5  }
0x32a: {  	[tilespmem:s0+$0x5B70] =	vst v2;
	v2 =	vor.u32 v1, v6  }
0x32b: {  	v2 =	vor.u32 v3, v2;
	v4 =	vld.idx.msk [tilespmem:v4+s30+$0x0], $0xffff  }
0x32c: {  	v2 =	vor.u32 v5, v2  }
0x32d: {  	s8 =	sadd.s32 $0x80, s31;
	s10 =	sor.u32 $0x20, s4;
	s6 =	sshll.u32 s1, $0x7  }
0x32e: {  	s1 =	sand.u32 $0xF80, s8;
	v55 =	vmov s10;
	s0 =	sand.u32 $0x3FFFF000, s6  }
0x32f: {  	v6 =	vshll.u32 v55, $0x5;
	s0 =	sor.u32 s1, s0  }
0x330: {  	v56 =	vor.u32 v1, v6;
	[tilespmem:s0+$0x5B00] =	vst v4  }
0x331: {  	v4 =	vor.u32 v3, v56;
	v2 =	vld.idx.msk [tilespmem:v2+s30+$0x0], $0xffff  }
0x332: {  	v4 =	vor.u32 v5, v4  }
0x333: {  	s31 =	sor.u32 $0x30, s4  }
0x334: {  	v57 =	vmov s31  }
0x335: {  	v6 =	vshll.u32 v57, $0x5  }
0x336: {  	[tilespmem:s0+$0x5B10] =	vst v2;
	v2 =	vor.u32 v1, v6  }
0x337: {  	v4 =	vld.idx.msk [tilespmem:v4+s30+$0x0], $0xffff;
	v2 =	vor.u32 v3, v2  }
0x338: {  	v2 =	vor.u32 v5, v2  }
0x339: {  	s6 =	sor.u32 $0x40, s4  }
0x33a: {  	v58 =	vmov s6  }
0x33b: {  	v6 =	vshll.u32 v58, $0x5  }
0x33c: {  	v59 =	vor.u32 v1, v6;
	[tilespmem:s0+$0x5B20] =	vst v4  }
0x33d: {  	v4 =	vor.u32 v3, v59;
	v2 =	vld.idx.msk [tilespmem:v2+s30+$0x0], $0xffff  }
0x33e: {  	v4 =	vor.u32 v5, v4  }
0x33f: {  	s8 =	sor.u32 $0x50, s4  }
0x340: {  	v60 =	vmov s8  }
0x341: {  	v6 =	vshll.u32 v60, $0x5  }
0x342: {  	[tilespmem:s0+$0x5B30] =	vst v2;
	v2 =	vor.u32 v1, v6  }
0x343: {  	v4 =	vld.idx.msk [tilespmem:v4+s30+$0x0], $0xffff;
	v2 =	vor.u32 v3, v2  }
0x344: {  	v2 =	vor.u32 v5, v2  }
0x345: {  	s10 =	sor.u32 $0x60, s4  }
0x346: {  	v61 =	vmov s10  }
0x347: {  	v6 =	vshll.u32 v61, $0x5  }
0x348: {  	v62 =	vor.u32 v1, v6;
	[tilespmem:s0+$0x5B40] =	vst v4  }
0x349: {  	v4 =	vor.u32 v3, v62;
	v2 =	vld.idx.msk [tilespmem:v2+s30+$0x0], $0xffff  }
0x34a: {  	v4 =	vor.u32 v5, v4  }
0x34b: {  	s31 =	sor.u32 $0x70, s4  }
0x34c: {  	v63 =	vmov s31  }
0x34d: {  	v6 =	vshll.u32 v63, $0x5  }
0x34e: {  	[tilespmem:s0+$0x5B50] =	vst v2;
	v2 =	vor.u32 v1, v6  }
0x34f: {  	v4 =	vld.idx.msk [tilespmem:v4+s30+$0x0], $0xffff;
	v2 =	vor.u32 v3, v2  }
0x350: {  	v2 =	vor.u32 v5, v2;
	_ =	sdelay $0x3  }
0x351: {  	[tilespmem:s0+$0x5B60] =	vst v4  }
0x352: {  	v2 =	vld.idx.msk [tilespmem:v2+s30+$0x0], $0xffff;
	_ =	sdelay $0x3  }
0x353: {  	s1 =	sshll.u32 s29, $0x11  }
0x354: {  	[tilespmem:s0+$0x5B70] =	vst v2;
	s0 =	sadd.s32 s1, s9  }
0x355: {  	[hbm4b:s0+s2] =	stream.linear.scatter [tilespmem:s17], [sflag:$0x3], $0x400, $0x38;
	[tilespmem:$0x7B00] =	vst v63  }
0x356: {  	s4 =	sadd.s32 $0x4000, s0  }
0x357: {  	[hbm4b:s4+s2] =	stream.linear.scatter [tilespmem:s18], [sflag:$0x3], $0x400, $0x38;
	[tilespmem:$0x7B00] =	vst v63  }
0x358: {  	s6 =	sadd.s32 $0x8000, s0  }
0x359: {  	[hbm4b:s6+s2] =	stream.linear.scatter [tilespmem:s19], [sflag:$0x3], $0x400, $0x38;
	[tilespmem:$0x7B00] =	vst v63  }
0x35a: {  	s8 =	sadd.s32 $0xC000, s0  }
0x35b: {  	[hbm4b:s8+s2] =	stream.linear.scatter [tilespmem:s20], [sflag:$0x3], $0x400, $0x38;
	[tilespmem:$0x7B00] =	vst v63  }
0x35c: {  	s10 =	sadd.s32 $0x10000, s0  }
0x35d: {  	[hbm4b:s10+s2] =	stream.linear.scatter [tilespmem:s21], [sflag:$0x3], $0x400, $0x38;
	[tilespmem:$0x7B00] =	vst v63  }
0x35e: {  	p0 =	seq.s32 s28, $0x19;
	s30 =	sadd.s32 $0x14000, s0  }
0x35f: {  	[hbm4b:s30+s2] =	stream.linear.scatter [tilespmem:s22], [sflag:$0x3], $0x400, $0x38;
	[tilespmem:$0x7B00] =	vst v63  }
.Ltmp14:
0x360: {  	_ = 	snop;
	(pc) =	sbr.rel @!p0 .LBB2_24-.Ltmp14, $4  }
0x361: {  	s31 =	sadd.s32 $0x18000, s0  }
0x362: {  	[hbm4b:s31+s2] =	stream.linear.scatter [tilespmem:s23], [sflag:$0x3], $0x400, $0x38;
	[tilespmem:$0x7B00] =	vst v63  }
0x363: {  	s29 =	smov.u32 s28;
	s0 =	sadd.s32 $0x1C000, s0  }
0x364: {  	[hbm4b:s0+s2] =	stream.linear.scatter [tilespmem:s24], [sflag:$0x3], $0x400, $0x38;
	[tilespmem:$0x7B00] =	vst v63  }
0x365: {  	_ =	swait.ge [sflag:s25], $0x400  }
0x366: {  	[sflag:s25] =	ssyncset.done $0x0  }
0x367: {  	[sflag:s25] =	ssyncadd.s32 $0xFFFFFC00  }
0x368: {  	_ =	swait.ge [sflag:s25], $0x400  }
0x369: {  	[sflag:s25] =	ssyncset.done $0x0  }
0x36a: {  	[sflag:s25] =	ssyncadd.s32 $0xFFFFFC00  }
0x36b: {  	_ =	swait.ge [sflag:s25], $0x400  }
0x36c: {  	[sflag:s25] =	ssyncset.done $0x0  }
0x36d: {  	[sflag:s25] =	ssyncadd.s32 $0xFFFFFC00  }
0x36e: {  	_ =	swait.ge [sflag:s25], $0x400  }
0x36f: {  	[sflag:s25] =	ssyncset.done $0x0  }
0x370: {  	[sflag:s25] =	ssyncadd.s32 $0xFFFFFC00  }
0x371: {  	_ =	swait.ge [sflag:s25], $0x400  }
0x372: {  	[sflag:s25] =	ssyncset.done $0x0  }
0x373: {  	[sflag:s25] =	ssyncadd.s32 $0xFFFFFC00  }
0x374: {  	_ =	swait.ge [sflag:s25], $0x400  }
0x375: {  	[sflag:s25] =	ssyncset.done $0x0  }
0x376: {  	[sflag:s25] =	ssyncadd.s32 $0xFFFFFC00  }
0x377: {  	_ =	swait.ge [sflag:s25], $0x400  }
0x378: {  	[sflag:s25] =	ssyncset.done $0x0  }
0x379: {  	[sflag:s25] =	ssyncadd.s32 $0xFFFFFC00  }
0x37a: {  	_ =	swait.ge [sflag:s25], $0x400  }
0x37b: {  	[sflag:s25] =	ssyncset.done $0x0  }
0x37c: {  	s1 =	simm.s32 $0x0;
	s0 =	rddreg [dreg:$0x6];
	[sflag:s25] =	ssyncadd.s32 $0xFFFFFC00  }
0x37d: {  	[tilespmem:s1], [sflag:$0x4] =	stream.linear.gather [hbm4b:s0+s1], $0x1900, $0x38;
	[tilespmem:$0x7B00] =	vst v63  }
0x37e: {  	s1 =	sand.u32 $0x7, s1  }
0x37f: {  	s1 =	smul.u32 $0x320, s1;
	_ =	sdelay $0x1  }
0x380: {  	s1 =	sadd.s32 $0x0, s1  }
0x381: {  	v2 =	vadd.s32 s1, v0  }
0x382: {  	s4 =	simm.s32 $0x1  }
0x383: {  	s31 =	sand.u32 $0x7, s4;
	_ =	swait.ge [sflag:s13], $0x1900  }
0x384: {  	s4 =	smul.u32 $0x320, s31;
	[sflag:s13] =	ssyncset.done $0x0  }
0x385: {  	[sflag:s13] =	ssyncadd.s32 $0xFFFFE700  }
0x386: {  	s4 =	sadd.s32 $0x0, s4;
	v2 =	vld.idx.msk [tilespmem:v2+s2+$0x0], $0xffff  }
0x387: {  	v3 =	vadd.s32 s4, v0;
	_ =	sdelay $0x1  }
0x388: {  	s1 =	simm.s32 $0x2  }
0x389: {  	s4 =	simm.s32 $0x3;
	s0 =	simm.s32 $0x1900;
	s6 =	sand.u32 $0x7, s1  }
.LBB2_32:
0x38a: {  	p0 =	sne.s32 s4, $0xF;
	s6 =	smul.u32 $0x320, s6;
	[tilespmem:s0+$0x0] =	vst v2  }
0x38b: {  	s8 =	sshrl.u32 s1, $0x3;
	s1 =	smov.u32 s4;
	v2 =	vld.idx.msk [tilespmem:v3+s2+$0x0], $0xffff  }
.Ltmp15:
0x38c: {  	s6 =	sadd.s32 s8, s6;
	(pc) =	sbr.rel @p0 .LBB2_32-.Ltmp15, $2  }
0x38d: {  	v3 =	vadd.s32 s6, v0;
	_ =	sdelay $0x2  }
0x38e: {  	s4 =	sadd.s32 $0x1, s4;
	s0 =	sadd.s32 $0x10, s0;
	s6 =	sand.u32 $0x7, s1  }
0x38f: {  	_ =	sdelay $0x1  }
0x390: {  	s4 =	smul.u32 $0x320, s6  }
0x391: {  	[tilespmem:s0+$0x0] =	vst v2;
	s1 =	sshrl.u32 s1, $0x3  }
0x392: {  	v2 =	vld.idx.msk [tilespmem:v3+s2+$0x0], $0xffff;
	s1 =	sadd.s32 s1, s4  }
0x393: {  	v3 =	vadd.s32 s1, v0;
	_ =	sdelay $0x2  }
0x394: {  	s31 =	sadd.s32 $0x10, s0  }
0x395: {  	[tilespmem:s31+$0x0] =	vst v2  }
0x396: {  	v2 =	vld.idx.msk [tilespmem:v3+s2+$0x0], $0xffff;
	_ =	sdelay $0x3  }
0x397: {  	s0 =	sadd.s32 $0x10, s31  }
0x398: {  	s29 =	simm.s32 $0x0;
	[tilespmem:s0+$0x0] =	vst v2  }
0x399: {  	[tilespmem:s16], [sflag:$0x1] =	stream.indirect.gather [hbm4b:s3+s14], $0x20, s15, s14, $0xb8;
	[tilespmem:$0x7B00] =	vst v63  }
.LBB2_34:
0x39a: {  	p0 =	seq.s32 s29, $0x18  }
.Ltmp16:
0x39b: {  	_ = 	snop;
	(pc) =	sbr.rel @p0 .LBB2_38-.Ltmp16, $2  }
0x39c: {  	_ =	sdelay $0x2  }
0x39d: {  	s0 =	sand.u32 $0x1, s29;
	s28 =	sadd.s32 $0x1, s29;
	s1 =	simm.s32 $0x1  }
0x39e: {  	s1 =	simm.s32 $0x0  }
0x39f: {  	s1 =	sand.u32 $0x7, s1  }
0x3a0: {  	s4 =	smul.u32 $0x320, s1  }
0x3a1: {  	s1 =	sshll.u32 s28, $0x1  }
0x3a2: {  	s4 =	sadd.s32 s1, s4  }
0x3a3: {  	s4 =	sadd.s32 $0x0, s4  }
0x3a4: {  	s6 =	simm.s32 $0x1;
	v2 =	vadd.s32 s4, v0  }
0x3a5: {  	s8 =	sand.u32 $0x7, s6  }
0x3a6: {  	s4 =	smul.u32 $0x320, s8;
	_ =	sdelay $0x1  }
0x3a7: {  	s4 =	sadd.s32 s1, s4  }
0x3a8: {  	s4 =	sadd.s32 $0x0, s4;
	v2 =	vld.idx.msk [tilespmem:v2+s2+$0x0], $0xffff  }
0x3a9: {  	s10 =	simm.s32 $0x2;
	v3 =	vadd.s32 s4, v0  }
0x3aa: {  	s8 =	sand.u32 $0x7, s10;
	s10 =	sshll.u32 s0, $0x8  }
0x3ab: {  	s8 =	smul.u32 $0x320, s8;
	s10 =	sxor.u32 $0x100, s10  }
0x3ac: {  	s4 =	sadd.s32 $0x1900, s10  }
0x3ad: {  	s8 =	sadd.s32 s1, s8;
	[tilespmem:s4+$0x0] =	vst v2  }
0x3ae: {  	s8 =	sadd.s32 $0x0, s8;
	v3 =	vld.idx.msk [tilespmem:v3+s2+$0x0], $0xffff  }
0x3af: {  	v2 =	vadd.s32 s8, v0  }
0x3b0: {  	s6 =	simm.s32 $0x3  }
0x3b1: {  	s30 =	simm.s32 $0x4;
	s31 =	sand.u32 $0x7, s6  }
.LBB2_36:
0x3b2: {  	p0 =	sne.s32 s30, $0xF;
	s8 =	smul.u32 $0x320, s31;
	s4 =	sadd.s32 $0x10, s4  }
0x3b3: {  	[tilespmem:s4+$0x0] =	vst v3  }
.Ltmp17:
0x3b4: {  	s6 =	sshrl.u32 s6, $0x3;
	s8 =	sadd.s32 s1, s8;
	v3 =	vld.idx.msk [tilespmem:v2+s2+$0x0], $0xffff;
	(pc) =	sbr.rel @p0 .LBB2_36-.Ltmp17, $3  }
0x3b5: {  	s8 =	sadd.s32 s6, s8;
	s6 =	smov.u32 s30  }
0x3b6: {  	v2 =	vadd.s32 s8, v0;
	_ =	sdelay $0x1  }
0x3b7: {  	s30 =	sadd.s32 $0x1, s30;
	s31 =	sand.u32 $0x7, s6  }
0x3b8: {  	_ = 	snop  }
0x3b9: {  	s8 =	smul.u32 $0x320, s31  }
0x3ba: {  	s4 =	sadd.s32 $0x10, s4  }
0x3bb: {  	s6 =	sshrl.u32 s6, $0x3;
	[tilespmem:s4+$0x0] =	vst v3;
	s1 =	sadd.s32 s1, s8  }
0x3bc: {  	v2 =	vld.idx.msk [tilespmem:v2+s2+$0x0], $0xffff;
	s1 =	sadd.s32 s6, s1  }
0x3bd: {  	v3 =	vadd.s32 s1, v0;
	_ =	sdelay $0x2  }
0x3be: {  	s31 =	sadd.s32 $0x10, s4  }
0x3bf: {  	[tilespmem:s31+$0x0] =	vst v2  }
0x3c0: {  	v2 =	vld.idx.msk [tilespmem:v3+s2+$0x0], $0xffff;
	_ =	sdelay $0x3  }
0x3c1: {  	p0 =	seq.s32 s0, $0x0;
	s1 =	sadd.s32 $0x10, s31  }
0x3c2: {  	s4 =	simm.s32 @p0 $0x1A00;
	s6 =	simm.s32 @p0 $0x3B00;
	[tilespmem:s1+$0x0] =	vst v2;
	s1 =	simm.s32 @p0 $0x100  }
0x3c3: {  	[tilespmem:s6], [sflag:$0x2] =	stream.indirect.gather @p0 [hbm4b:s3+s1], $0x20, s4, s1, $0xb8;
	[tilespmem:$0x7B00] =	vst v63  }
0x3c4: {  	s1 =	simm.s32 @!p0 $0x100;
	s4 =	simm.s32 @!p0 $0x1900;
	s6 =	simm.s32 @!p0 $0x1B00  }
0x3c5: {  	[tilespmem:s6], [sflag:$0x1] =	stream.indirect.gather @!p0 [hbm4b:s3+s1], $0x20, s4, s1, $0xb8;
	[tilespmem:$0x7B00] =	vst v63  }
0x3c6: {  	p0 =	seq.s32 s0, $0x1;
	s1 =	simm.s32 $0x2  }
0x3c7: {  	s1 =	simm.s32 @!p0 $0x1  }
.LBB2_38:
0x3c8: {  	_ =	swait.ge [sflag:s1], $0x2000  }
0x3c9: {  	p0 =	seq.s32 s29, $0x0;
	[sflag:s1] =	ssyncset.done $0x0  }
0x3ca: {  	[sflag:s1] =	ssyncadd.s32 $0xFFFFE000;
	s1 =	simm.s32 @!p0 $0x3  }
0x3cb: {  	_ =	swait.ge @!p0 [sflag:s1], $0x400  }
0x3cc: {  	[sflag:s1] =	ssyncset.done @!p0 $0x0  }
0x3cd: {  	[sflag:s1] =	ssyncadd.s32 @!p0 $0xFFFFFC00  }
0x3ce: {  	_ =	swait.ge @!p0 [sflag:s1], $0x400  }
0x3cf: {  	[sflag:s1] =	ssyncset.done @!p0 $0x0  }
0x3d0: {  	[sflag:s1] =	ssyncadd.s32 @!p0 $0xFFFFFC00  }
0x3d1: {  	_ =	swait.ge @!p0 [sflag:s1], $0x400  }
0x3d2: {  	[sflag:s1] =	ssyncset.done @!p0 $0x0  }
0x3d3: {  	[sflag:s1] =	ssyncadd.s32 @!p0 $0xFFFFFC00  }
0x3d4: {  	_ =	swait.ge @!p0 [sflag:s1], $0x400  }
0x3d5: {  	[sflag:s1] =	ssyncset.done @!p0 $0x0  }
0x3d6: {  	[sflag:s1] =	ssyncadd.s32 @!p0 $0xFFFFFC00  }
0x3d7: {  	_ =	swait.ge @!p0 [sflag:s1], $0x400  }
0x3d8: {  	[sflag:s1] =	ssyncset.done @!p0 $0x0  }
0x3d9: {  	[sflag:s1] =	ssyncadd.s32 @!p0 $0xFFFFFC00  }
0x3da: {  	_ =	swait.ge @!p0 [sflag:s1], $0x400  }
0x3db: {  	[sflag:s1] =	ssyncset.done @!p0 $0x0  }
0x3dc: {  	[sflag:s1] =	ssyncadd.s32 @!p0 $0xFFFFFC00  }
0x3dd: {  	_ =	swait.ge @!p0 [sflag:s1], $0x400  }
0x3de: {  	[sflag:s1] =	ssyncset.done @!p0 $0x0  }
0x3df: {  	[sflag:s1] =	ssyncadd.s32 @!p0 $0xFFFFFC00  }
0x3e0: {  	_ =	swait.ge @!p0 [sflag:s1], $0x400  }
0x3e1: {  	s6 =	simm.s32 $0x0;
	[sflag:s1] =	ssyncset.done @!p0 $0x0  }
0x3e2: {  	[sflag:s1] =	ssyncadd.s32 @!p0 $0xFFFFFC00;
	s1 =	sand.u32 $0xFFFFFF80, s6  }
0x3e3: {  	s31 =	simm.s32 $0x0;
	v2 =	vmov s1  }
0x3e4: {  	v3 =	vmov s31;
	v2 =	vshll.u32 v2, $0x5  }
0x3e5: {  	v4 =	vand.u32 $0x18, v3;
	v2 =	vor.u32 v1, v2  }
0x3e6: {  	v5 =	vand.u32 $0x7, v3;
	v2 =	vor.u32 v4, v2  }
0x3e7: {  	s0 =	sshll.u32 s0, $0xD;
	v2 =	vor.u32 v5, v2  }
0x3e8: {  	s30 =	sor.u32 $0x1B00, s0;
	s0 =	sor.u32 $0x10, s1  }
0x3e9: {  	v3 =	vmov s0  }
0x3ea: {  	v3 =	vshll.u32 v3, $0x5  }
0x3eb: {  	v3 =	vor.u32 v1, v3  }
0x3ec: {  	v3 =	vor.u32 v4, v3;
	v2 =	vld.idx.msk [tilespmem:v2+s30+$0x0], $0xffff  }
0x3ed: {  	v3 =	vor.u32 v5, v3  }
0x3ee: {  	s8 =	simm.s32 $0x0;
	s4 =	sor.u32 $0x20, s1  }
0x3ef: {  	s6 =	sand.u32 $0xF80, s31;
	s0 =	sand.u32 $0x3FFFF000, s8;
	v6 =	vmov s4  }
0x3f0: {  	s0 =	sor.u32 s6, s0;
	v6 =	vshll.u32 v6, $0x5  }
0x3f1: {  	[tilespmem:s0+$0x5B00] =	vst v2;
	v2 =	vor.u32 v1, v6  }
0x3f2: {  	v3 =	vld.idx.msk [tilespmem:v3+s30+$0x0], $0xffff;
	v2 =	vor.u32 v4, v2  }
0x3f3: {  	v2 =	vor.u32 v5, v2  }
0x3f4: {  	s10 =	sor.u32 $0x30, s1  }
0x3f5: {  	v59 =	vmov s10  }
0x3f6: {  	v6 =	vshll.u32 v59, $0x5  }
0x3f7: {  	[tilespmem:s0+$0x5B10] =	vst v3;
	v3 =	vor.u32 v1, v6  }
0x3f8: {  	v2 =	vld.idx.msk [tilespmem:v2+s30+$0x0], $0xffff;
	v3 =	vor.u32 v4, v3  }
0x3f9: {  	v3 =	vor.u32 v5, v3  }
0x3fa: {  	s6 =	sor.u32 $0x40, s1  }
0x3fb: {  	v60 =	vmov s6  }
0x3fc: {  	v6 =	vshll.u32 v60, $0x5  }
0x3fd: {  	[tilespmem:s0+$0x5B20] =	vst v2;
	v2 =	vor.u32 v1, v6  }
0x3fe: {  	v3 =	vld.idx.msk [tilespmem:v3+s30+$0x0], $0xffff;
	v2 =	vor.u32 v4, v2  }
0x3ff: {  	v2 =	vor.u32 v5, v2  }
0x400: {  	s8 =	sor.u32 $0x50, s1  }
0x401: {  	v61 =	vmov s8  }
0x402: {  	v6 =	vshll.u32 v61, $0x5  }
0x403: {  	[tilespmem:s0+$0x5B30] =	vst v3;
	v3 =	vor.u32 v1, v6  }
0x404: {  	v2 =	vld.idx.msk [tilespmem:v2+s30+$0x0], $0xffff;
	v3 =	vor.u32 v4, v3  }
0x405: {  	v3 =	vor.u32 v5, v3  }
0x406: {  	s10 =	sor.u32 $0x60, s1  }
0x407: {  	v62 =	vmov s10  }
0x408: {  	v6 =	vshll.u32 v62, $0x5  }
0x409: {  	[tilespmem:s0+$0x5B40] =	vst v2;
	v2 =	vor.u32 v1, v6  }
0x40a: {  	v3 =	vld.idx.msk [tilespmem:v3+s30+$0x0], $0xffff;
	v2 =	vor.u32 v4, v2  }
0x40b: {  	v2 =	vor.u32 v5, v2  }
0x40c: {  	s1 =	sor.u32 $0x70, s1  }
0x40d: {  	v63 =	vmov s1  }
0x40e: {  	v6 =	vshll.u32 v63, $0x5  }
0x40f: {  	v6 =	vor.u32 v1, v6;
	[tilespmem:s0+$0x5B50] =	vst v3  }
0x410: {  	v4 =	vor.u32 v4, v6;
	v3 =	vld.idx.msk [tilespmem:v2+s30+$0x0], $0xffff  }
0x411: {  	v2 =	vor.u32 v5, v4  }
0x412: {  	s4 =	simm.s32 $0x2;
	s1 =	simm.s32 $0x1;
	s6 =	simm.s32 $0x4  }
.LBB2_39:
0x413: {  	p0 =	seq.s32 s4, $0x3F;
	s6 =	sand.u32 $0xFFFFFF80, s6  }
0x414: {  	v4 =	vmov s6  }
0x415: {  	v5 =	vmov s1;
	v4 =	vshll.u32 v4, $0x5;
	[tilespmem:s0+$0x5B60] =	vst v3  }
0x416: {  	v6 =	vand.u32 $0x18, v5;
	v3 =	vor.u32 v1, v4;
	v2 =	vld.idx.msk [tilespmem:v2+s30+$0x0], $0xffff  }
0x417: {  	v4 =	vand.u32 $0x7, v5;
	v3 =	vor.u32 v6, v3  }
0x418: {  	v3 =	vor.u32 v4, v3;
	_ =	sdelay $0x1  }
0x419: {  	s8 =	sor.u32 $0x10, s6  }
0x41a: {  	v5 =	vmov s8  }
0x41b: {  	v5 =	vshll.u32 v5, $0x5;
	[tilespmem:s0+$0x5B70] =	vst v2  }
0x41c: {  	v2 =	vld.idx.msk [tilespmem:v3+s30+$0x0], $0xffff;
	v3 =	vor.u32 v1, v5  }
0x41d: {  	v3 =	vor.u32 v6, v3  }
0x41e: {  	v3 =	vor.u32 v4, v3  }
0x41f: {  	s31 =	sadd.s32 $0x80, s31;
	s0 =	sshll.u32 s1, $0x7;
	s1 =	smov.u32 s4  }
0x420: {  	s10 =	sor.u32 $0x20, s6;
	s8 =	sand.u32 $0xF80, s31;
	s0 =	sand.u32 $0x3FFFF000, s0  }
0x421: {  	v5 =	vmov s10;
	s0 =	sor.u32 s8, s0  }
0x422: {  	[tilespmem:s0+$0x5B00] =	vst v2;
	v2 =	vshll.u32 v5, $0x5  }
0x423: {  	v3 =	vld.idx.msk [tilespmem:v3+s30+$0x0], $0xffff;
	v2 =	vor.u32 v1, v2  }
0x424: {  	v2 =	vor.u32 v6, v2  }
0x425: {  	v2 =	vor.u32 v4, v2;
	_ =	sdelay $0x1  }
0x426: {  	s8 =	sor.u32 $0x30, s6  }
0x427: {  	v5 =	vmov s8  }
0x428: {  	[tilespmem:s0+$0x5B10] =	vst v3;
	v3 =	vshll.u32 v5, $0x5  }
0x429: {  	v2 =	vld.idx.msk [tilespmem:v2+s30+$0x0], $0xffff;
	v3 =	vor.u32 v1, v3  }
0x42a: {  	v3 =	vor.u32 v6, v3  }
0x42b: {  	v3 =	vor.u32 v4, v3;
	_ =	sdelay $0x1  }
0x42c: {  	s8 =	sor.u32 $0x40, s6  }
0x42d: {  	v5 =	vmov s8  }
0x42e: {  	[tilespmem:s0+$0x5B20] =	vst v2;
	v2 =	vshll.u32 v5, $0x5  }
0x42f: {  	v3 =	vld.idx.msk [tilespmem:v3+s30+$0x0], $0xffff;
	v2 =	vor.u32 v1, v2  }
0x430: {  	v2 =	vor.u32 v6, v2  }
0x431: {  	v2 =	vor.u32 v4, v2;
	_ =	sdelay $0x1  }
0x432: {  	s8 =	sor.u32 $0x50, s6  }
0x433: {  	v5 =	vmov s8  }
0x434: {  	[tilespmem:s0+$0x5B30] =	vst v3;
	v3 =	vshll.u32 v5, $0x5  }
0x435: {  	v2 =	vld.idx.msk [tilespmem:v2+s30+$0x0], $0xffff;
	v3 =	vor.u32 v1, v3  }
0x436: {  	v3 =	vor.u32 v6, v3  }
0x437: {  	v3 =	vor.u32 v4, v3;
	_ =	sdelay $0x1  }
0x438: {  	s8 =	sor.u32 $0x60, s6  }
0x439: {  	v5 =	vmov s8  }
0x43a: {  	[tilespmem:s0+$0x5B40] =	vst v2;
	v2 =	vshll.u32 v5, $0x5  }
0x43b: {  	v3 =	vld.idx.msk [tilespmem:v3+s30+$0x0], $0xffff;
	v2 =	vor.u32 v1, v2  }
0x43c: {  	v2 =	vor.u32 v6, v2  }
0x43d: {  	v2 =	vor.u32 v4, v2;
	_ =	sdelay $0x1  }
0x43e: {  	s6 =	sor.u32 $0x70, s6  }
0x43f: {  	v5 =	vmov s6  }
.Ltmp18:
0x440: {  	v5 =	vshll.u32 v5, $0x5;
	[tilespmem:s0+$0x5B50] =	vst v3;
	(pc) =	sbr.rel @!p0 .LBB2_39-.Ltmp18, $4  }
0x441: {  	v3 =	vld.idx.msk [tilespmem:v2+s30+$0x0], $0xffff;
	v2 =	vor.u32 v1, v5  }
0x442: {  	v2 =	vor.u32 v6, v2  }
0x443: {  	v2 =	vor.u32 v4, v2  }
0x444: {  	s4 =	sadd.s32 $0x1, s4;
	s6 =	sshll.u32 s1, $0x2  }
0x445: {  	s4 =	sand.u32 $0xFFFFFF80, s6  }
0x446: {  	v4 =	vmov s4  }
0x447: {  	v5 =	vmov s1;
	v4 =	vshll.u32 v4, $0x5  }
0x448: {  	[tilespmem:s0+$0x5B60] =	vst v3;
	v3 =	vand.u32 $0x18, v5;
	v4 =	vor.u32 v1, v4  }
0x449: {  	v5 =	vand.u32 $0x7, v5;
	v2 =	vld.idx.msk [tilespmem:v2+s30+$0x0], $0xffff;
	v4 =	vor.u32 v3, v4  }
0x44a: {  	v4 =	vor.u32 v5, v4  }
0x44b: {  	s6 =	sor.u32 $0x10, s4  }
0x44c: {  	v6 =	vmov s6  }
0x44d: {  	v6 =	vshll.u32 v6, $0x5  }
0x44e: {  	[tilespmem:s0+$0x5B70] =	vst v2;
	v2 =	vor.u32 v1, v6  }
0x44f: {  	v2 =	vor.u32 v3, v2;
	v4 =	vld.idx.msk [tilespmem:v4+s30+$0x0], $0xffff  }
0x450: {  	v2 =	vor.u32 v5, v2  }
0x451: {  	s8 =	sadd.s32 $0x80, s31;
	s10 =	sor.u32 $0x20, s4;
	s6 =	sshll.u32 s1, $0x7  }
0x452: {  	s1 =	sand.u32 $0xF80, s8;
	v55 =	vmov s10;
	s0 =	sand.u32 $0x3FFFF000, s6  }
0x453: {  	v6 =	vshll.u32 v55, $0x5;
	s0 =	sor.u32 s1, s0  }
0x454: {  	v56 =	vor.u32 v1, v6;
	[tilespmem:s0+$0x5B00] =	vst v4  }
0x455: {  	v4 =	vor.u32 v3, v56;
	v2 =	vld.idx.msk [tilespmem:v2+s30+$0x0], $0xffff  }
0x456: {  	v4 =	vor.u32 v5, v4  }
0x457: {  	s31 =	sor.u32 $0x30, s4  }
0x458: {  	v57 =	vmov s31  }
0x459: {  	v6 =	vshll.u32 v57, $0x5  }
0x45a: {  	[tilespmem:s0+$0x5B10] =	vst v2;
	v2 =	vor.u32 v1, v6  }
0x45b: {  	v4 =	vld.idx.msk [tilespmem:v4+s30+$0x0], $0xffff;
	v2 =	vor.u32 v3, v2  }
0x45c: {  	v2 =	vor.u32 v5, v2  }
0x45d: {  	s6 =	sor.u32 $0x40, s4  }
0x45e: {  	v58 =	vmov s6  }
0x45f: {  	v6 =	vshll.u32 v58, $0x5  }
0x460: {  	v59 =	vor.u32 v1, v6;
	[tilespmem:s0+$0x5B20] =	vst v4  }
0x461: {  	v4 =	vor.u32 v3, v59;
	v2 =	vld.idx.msk [tilespmem:v2+s30+$0x0], $0xffff  }
0x462: {  	v4 =	vor.u32 v5, v4  }
0x463: {  	s8 =	sor.u32 $0x50, s4  }
0x464: {  	v60 =	vmov s8  }
0x465: {  	v6 =	vshll.u32 v60, $0x5  }
0x466: {  	[tilespmem:s0+$0x5B30] =	vst v2;
	v2 =	vor.u32 v1, v6  }
0x467: {  	v4 =	vld.idx.msk [tilespmem:v4+s30+$0x0], $0xffff;
	v2 =	vor.u32 v3, v2  }
0x468: {  	v2 =	vor.u32 v5, v2  }
0x469: {  	s10 =	sor.u32 $0x60, s4  }
0x46a: {  	v61 =	vmov s10  }
0x46b: {  	v6 =	vshll.u32 v61, $0x5  }
0x46c: {  	v62 =	vor.u32 v1, v6;
	[tilespmem:s0+$0x5B40] =	vst v4  }
0x46d: {  	v4 =	vor.u32 v3, v62;
	v2 =	vld.idx.msk [tilespmem:v2+s30+$0x0], $0xffff  }
0x46e: {  	v4 =	vor.u32 v5, v4  }
0x46f: {  	s31 =	sor.u32 $0x70, s4  }
0x470: {  	v63 =	vmov s31  }
0x471: {  	v6 =	vshll.u32 v63, $0x5  }
0x472: {  	[tilespmem:s0+$0x5B50] =	vst v2;
	v2 =	vor.u32 v1, v6  }
0x473: {  	v4 =	vld.idx.msk [tilespmem:v4+s30+$0x0], $0xffff;
	v2 =	vor.u32 v3, v2  }
0x474: {  	v2 =	vor.u32 v5, v2;
	_ =	sdelay $0x3  }
0x475: {  	[tilespmem:s0+$0x5B60] =	vst v4  }
0x476: {  	v2 =	vld.idx.msk [tilespmem:v2+s30+$0x0], $0xffff;
	_ =	sdelay $0x3  }
0x477: {  	s1 =	sshll.u32 s29, $0x11  }
0x478: {  	[tilespmem:s0+$0x5B70] =	vst v2;
	s0 =	sadd.s32 s1, s11  }
0x479: {  	[hbm4b:s0+s2] =	stream.linear.scatter [tilespmem:s17], [sflag:$0x3], $0x400, $0x38;
	[tilespmem:$0x7B00] =	vst v63  }
0x47a: {  	s4 =	sadd.s32 $0x4000, s0  }
0x47b: {  	[hbm4b:s4+s2] =	stream.linear.scatter [tilespmem:s18], [sflag:$0x3], $0x400, $0x38;
	[tilespmem:$0x7B00] =	vst v63  }
0x47c: {  	s6 =	sadd.s32 $0x8000, s0  }
0x47d: {  	[hbm4b:s6+s2] =	stream.linear.scatter [tilespmem:s19], [sflag:$0x3], $0x400, $0x38;
	[tilespmem:$0x7B00] =	vst v63  }
0x47e: {  	s8 =	sadd.s32 $0xC000, s0  }
0x47f: {  	[hbm4b:s8+s2] =	stream.linear.scatter [tilespmem:s20], [sflag:$0x3], $0x400, $0x38;
	[tilespmem:$0x7B00] =	vst v63  }
0x480: {  	s10 =	sadd.s32 $0x10000, s0  }
0x481: {  	[hbm4b:s10+s2] =	stream.linear.scatter [tilespmem:s21], [sflag:$0x3], $0x400, $0x38;
	[tilespmem:$0x7B00] =	vst v63  }
0x482: {  	p0 =	seq.s32 s28, $0x19;
	s30 =	sadd.s32 $0x14000, s0  }
0x483: {  	[hbm4b:s30+s2] =	stream.linear.scatter [tilespmem:s22], [sflag:$0x3], $0x400, $0x38;
	[tilespmem:$0x7B00] =	vst v63  }
.Ltmp19:
0x484: {  	_ = 	snop;
	(pc) =	sbr.rel @!p0 .LBB2_34-.Ltmp19, $4  }
0x485: {  	s31 =	sadd.s32 $0x18000, s0  }
0x486: {  	[hbm4b:s31+s2] =	stream.linear.scatter [tilespmem:s23], [sflag:$0x3], $0x400, $0x38;
	[tilespmem:$0x7B00] =	vst v63  }
0x487: {  	s29 =	smov.u32 s28;
	s0 =	sadd.s32 $0x1C000, s0  }
0x488: {  	[hbm4b:s0+s2] =	stream.linear.scatter [tilespmem:s24], [sflag:$0x3], $0x400, $0x38;
	[tilespmem:$0x7B00] =	vst v63  }
0x489: {  	_ =	swait.ge [sflag:s25], $0x400  }
0x48a: {  	[sflag:s25] =	ssyncset.done $0x0  }
0x48b: {  	[sflag:s25] =	ssyncadd.s32 $0xFFFFFC00  }
0x48c: {  	_ =	swait.ge [sflag:s25], $0x400  }
0x48d: {  	[sflag:s25] =	ssyncset.done $0x0  }
0x48e: {  	[sflag:s25] =	ssyncadd.s32 $0xFFFFFC00  }
0x48f: {  	_ =	swait.ge [sflag:s25], $0x400  }
0x490: {  	[sflag:s25] =	ssyncset.done $0x0  }
0x491: {  	[sflag:s25] =	ssyncadd.s32 $0xFFFFFC00  }
0x492: {  	_ =	swait.ge [sflag:s25], $0x400  }
0x493: {  	[sflag:s25] =	ssyncset.done $0x0  }
0x494: {  	[sflag:s25] =	ssyncadd.s32 $0xFFFFFC00  }
0x495: {  	_ =	swait.ge [sflag:s25], $0x400  }
0x496: {  	[sflag:s25] =	ssyncset.done $0x0  }
0x497: {  	[sflag:s25] =	ssyncadd.s32 $0xFFFFFC00  }
0x498: {  	_ =	swait.ge [sflag:s25], $0x400  }
0x499: {  	[sflag:s25] =	ssyncset.done $0x0  }
0x49a: {  	s26 =	sadd.s32 $0x1, s26;
	[sflag:s25] =	ssyncadd.s32 $0xFFFFFC00  }
0x49b: {  	p0 =	seq.s32 s26, s12;
	_ =	swait.ge [sflag:s25], $0x400  }
.Ltmp20:
0x49c: {  	[sflag:s25] =	ssyncset.done $0x0;
	(pc) =	sbr.rel @!p0 .LBB2_1-.Ltmp20, $4  }
0x49d: {  	[sflag:s25] =	ssyncadd.s32 $0xFFFFFC00  }
0x49e: {  	_ =	swait.ge [sflag:s25], $0x400  }
0x49f: {  	[sflag:s25] =	ssyncset.done $0x0  }
0x4a0: {  	[sflag:s25] =	ssyncadd.s32 $0xFFFFFC00  }
0x4a1: {  	_ =	sfence.sel $0x180000  }
0x4a2: {  	[bflag:$0x0] =	sbarrier.arrive $0xFFFF  }
0x4a3: {  	_ =	strace $0x90000047  }
0x4a4: {  	s0 =	stileid.u32;
	[bflag:$0x2] =	sbarrier.arrive $0xFFFF  }
0x4a5: {  	p0 =	sne.s32 s0, $0x0;
	s0 =	rddreg [dreg:$0x2]  }
0x4a6: {  	s0 =	sadd.s32 @!p0 $0x100000, s0  }
0x4a7: {  	[sflag:s0] =	ssyncadd.tile.s32 @!p0 $0x1;
	_ =	shalt  }
.Lfunc_end2:
_tile_overlayer_lowered:
.L_overlay_start_2:
0x4a8: {  	(tag) =	ssettag $0x2  }
0x4a9: {  	s0 =	rddreg [dreg:$0x0];
	s2 =	stileid.u32  }
0x4aa: {  	s1 =	rddreg [dreg:$0x1];
	p0 =	sne.s32 s2, $0x0  }
0x4ab: {  	s3 =	rddreg [dreg:$0x2];
	[bflag:$0x3] =	sbarrier.arrive $0xFFFF;
	s2 =	simm.s32 @!p0 $0x1C04  }
0x4ac: {  	[timem:s3], [sflag:s2] =	dma.local @!p0 [hbm:s0], s1  }
0x4ad: {  	s0 =	simm.s32 @!p0 $0x4  }
0x4ae: {  	_ =	swait.ge @!p0 [sflag:s0], s1  }
0x4af: {  	s1 =	ssub.s32 @!p0 $0x0, s1;
	[sflag:s0] =	ssyncset.done @!p0 $0x0  }
0x4b0: {  	[sflag:s0] =	ssyncadd.s32 @!p0 s1  }
0x4b1: {  	[bflag:$0x3] =	sbarrier.arrive $0xFFFF  }
0x4b2: {  	_ =	shalt  }

</sc_bundles>
